<compile_context>
chip_gen: v7x
topology: tpu7x:2x2x1
jax: 0.10.2.dev20260603
libtpu: 0.0.44.dev20260713+nightly
codegen_flags: <defaults>
</compile_context>

<pallas_src>
import functools

import jax
import jax.numpy as jnp
from jax import lax
from jax.experimental import pallas as pl
from jax.experimental.pallas import tpu as pltpu
from jax.experimental.pallas import tpu_sc as plsc

_MASK_RATIO = 0.5


def _tc_mask_kernel(noise_ref, x_ref, out_ref, *, n, num_masked):
    a = noise_ref[:, 0, :]
    ai = a[:, :, None]
    aj = a[:, None, :]
    bc = a.shape[0]
    ii = lax.broadcasted_iota(jnp.int32, (bc, n, n), 1)
    jj = lax.broadcasted_iota(jnp.int32, (bc, n, n), 2)
    before = (aj < ai) | ((aj == ai) & (jj < ii))
    rank = jnp.sum(before.astype(jnp.int32), axis=2)
    masked = rank < num_masked
    out_ref[...] = jnp.where(masked[:, :, None, None], 0.0, x_ref[...])


def _sc_mask_body(noise_hbm, mask_hbm, row2, mvec, *, n, num_masked,
                  num_cores, lanes):
    wid = lax.axis_index("s") * num_cores + lax.axis_index("c")
    base = wid * n
    pltpu.sync_copy(noise_hbm.at[pl.ds(base, n)], row2.at[pl.ds(0, n)])
    pltpu.sync_copy(noise_hbm.at[pl.ds(base, n)], row2.at[pl.ds(n, n)])
    one = jnp.float32(1.0)
    zero = jnp.float32(0.0)
    for k in range(n // lanes):
        tgt = row2[pl.ds(k * lanes, lanes)]
        rank = jnp.where(row2[pl.ds(k * lanes + 1, lanes)] < tgt, one, zero)
        for s in range(2, n):
            w = row2[pl.ds(k * lanes + s, lanes)]
            rank = rank + jnp.where(w < tgt, one, zero)
        val = jnp.where(rank < jnp.float32(num_masked), one, zero)
        mvec[pl.ds(k * lanes, lanes)] = val.astype(jnp.int32)
    pltpu.sync_copy(mvec, mask_hbm.at[pl.ds(base, n)])


def _make_sc_mask(b, n, num_masked):
    info = plsc.get_sparse_core_info()
    num_cores, num_subcores, lanes = (
        info.num_cores, info.num_subcores, info.num_lanes)
    assert b == num_cores * num_subcores and n % lanes == 0
    mesh = plsc.VectorSubcoreMesh(core_axis_name="c", subcore_axis_name="s")
    return functools.partial(
        pl.kernel,
        out_type=jax.ShapeDtypeStruct((b * n,), jnp.int32),
        mesh=mesh,
        scratch_types=[
            pltpu.VMEM((2 * n,), jnp.float32),
            pltpu.VMEM((n,), jnp.int32),
        ],
    )(functools.partial(
        _sc_mask_body, n=n, num_masked=num_masked,
        num_cores=num_cores, lanes=lanes))


def kernel(x):
    b, n, p, d = x.shape
    num_masked = int(_MASK_RATIO * n)
    bc = 4
    noise = jax.random.uniform(jax.random.key(1), (b, n), dtype=jnp.float32)

    mask_i32 = _make_sc_mask(b, n, num_masked)(noise.reshape(b * n))

    noise3 = noise.reshape(b, 1, n)
    out = pl.pallas_call(
        functools.partial(_tc_mask_kernel, n=n, num_masked=num_masked),
        grid=(b // bc,),
        in_specs=[
            pl.BlockSpec((bc, 1, n), lambda i: (i, 0, 0)),
            pl.BlockSpec((bc, n, p, d), lambda i: (i, 0, 0, 0)),
        ],
        out_specs=pl.BlockSpec((bc, n, p, d), lambda i: (i, 0, 0, 0)),
        out_shape=jax.ShapeDtypeStruct((b, n, p, d), x.dtype),
    )(noise3, x)
    return out, mask_i32.reshape(b, n).astype(bool)

# --- scband reference (transcript-rebuilt; emitter-appended) ---
"""Pipeline reference for scband-mask-5849745457804 (READ-ONLY COPY).

The authoritative reference and input builder live on the scoring server;
editing this copy changes nothing except your own understanding.
"""

import jax, jax.numpy as jnp
import numpy as np

MASK_RATIO = 0.5

def setup_inputs(seed: int = 0) -> dict:
    key = jax.random.key(seed)
    x = jax.random.normal(key, (32, 64, 16, 512), dtype=jnp.float32)
    return {"x": x}

def reference(x):
    b, n, p, d = x.shape
    num_masked = int(MASK_RATIO * n)
    if num_masked == 0:
        return (x, jnp.zeros((b, n), dtype=bool))
    # torch.rand(b, n).argsort(dim=-1)[:, :num_masked]
    noise = jax.random.uniform(jax.random.key(1), (b, n), dtype=jnp.float32)
    masked_indices = jnp.argsort(noise, axis=-1)[:, :num_masked]
    # mask.scatter_(dim=1, index=masked_indices, value=True)
    mask = jnp.zeros((b, n), dtype=bool)
    rows = jnp.arange(b)[:, None]
    mask = mask.at[rows, masked_indices].set(True)
    # where(mask[..., None, None], 0, x)
    x_masked = jnp.where(mask[:, :, None, None], jnp.zeros_like(x), x)
    return (x_masked, mask)

if __name__ == "__main__":
    import jax
    _d = setup_inputs()
    print(jax.jit(kernel)(*tuple(_d.values())))

</pallas_src>

<mosaic_0001>
#map = affine_map<(d0, d1) -> (0)>
module attributes {stable_mosaic.version = 14 : i64} {
  func.func @_sc_mask_body(%arg0: i32, %arg1: i32, %arg2: memref<2048xf32, #tpu.memory_space<hbm>>, %arg3: memref<2048xi32, #tpu.memory_space<hbm>>, %arg4: memref<128xf32, #tpu.memory_space<vmem>>, %arg5: memref<64xi32, #tpu.memory_space<vmem>>) attributes {dimension_semantics = [#tpu.dimension_semantics<core_parallel>, #tpu.dimension_semantics<subcore_parallel>], iteration_bounds = array<i64: 2, 16>, scalar_prefetch = 0 : i64, scratch_operands = 2 : i64, tpu.core_type = #tpu.core_type<sc_vector_subcore>, window_params = [{transform_indices = #map}, {transform_indices = #map}]} {
    %mul3A = arith.constant 2 : i32
    %mul3A_0 = arith.muli %arg1, %mul3A : i32
    %add3A = arith.addi %mul3A_0, %arg0 : i32
    %mul3A_1 = arith.constant 64 : i32
    %mul3A_2 = arith.muli %add3A, %mul3A_1 : i32
    "tpu.region"() ({
      %run_scoped3A = tpu.sem_alloc : memref<!tpu.dma_semaphore, #tpu.memory_space<semaphore_mem>>
      %dma_start3A = arith.constant 0 : i32
      %dma_start3A_2576 = tpu.memref_slice %arg4[%dma_start3A] : memref<128xf32, #tpu.memory_space<vmem>> -> memref<64xf32, #tpu.memory_space<vmem>>
      %dma_start3A_2577 = tpu.memref_slice %arg2[%mul3A_2] : memref<2048xf32, #tpu.memory_space<hbm>> -> memref<64xf32, #tpu.memory_space<hbm>>
      %dma_start3A_2578 = arith.constant 0 : i32
      %dma_start3A_2579 = tpu.memref_slice %arg4[%dma_start3A_2578] : memref<128xf32, #tpu.memory_space<vmem>> -> memref<64xf32, #tpu.memory_space<vmem>>
      %dma_start3A_2580 = tpu.memref_slice %arg2[%mul3A_2] : memref<2048xf32, #tpu.memory_space<hbm>> -> memref<64xf32, #tpu.memory_space<hbm>>
      tpu.enqueue_dma source(%dma_start3A_2580 : memref<64xf32, #tpu.memory_space<hbm>>) target(%dma_start3A_2579 : memref<64xf32, #tpu.memory_space<vmem>>) target_semaphore(%run_scoped3A : memref<!tpu.dma_semaphore, #tpu.memory_space<semaphore_mem>>)
      %dma_wait3A = arith.constant 0 : i32
      %dma_wait3A_2581 = tpu.memref_slice %arg4[%dma_wait3A] : memref<128xf32, #tpu.memory_space<vmem>> -> memref<64xf32, #tpu.memory_space<vmem>>
      %dma_wait3A_2582 = tpu.memref_slice %arg2[%mul3A_2] : memref<2048xf32, #tpu.memory_space<hbm>> -> memref<64xf32, #tpu.memory_space<hbm>>
      %dma_wait3A_2583 = arith.constant 0 : i32
      %dma_wait3A_2584 = tpu.memref_slice %arg4[%dma_wait3A_2583] : memref<128xf32, #tpu.memory_space<vmem>> -> memref<64xf32, #tpu.memory_space<vmem>>
      %dma_wait3A_2585 = tpu.memref_slice %arg2[%mul3A_2] : memref<2048xf32, #tpu.memory_space<hbm>> -> memref<64xf32, #tpu.memory_space<hbm>>
      tpu.wait_dma2 semaphore(%run_scoped3A : memref<!tpu.dma_semaphore, #tpu.memory_space<semaphore_mem>>) src(%dma_wait3A_2585 : memref<64xf32, #tpu.memory_space<hbm>>) dst(%dma_wait3A_2584 : memref<64xf32, #tpu.memory_space<vmem>>)
      tpu.yield
    }) : () -> ()
    "tpu.region"() ({
      %run_scoped3A = tpu.sem_alloc : memref<!tpu.dma_semaphore, #tpu.memory_space<semaphore_mem>>
      %dma_start3A = arith.constant 64 : i32
      %dma_start3A_2576 = tpu.memref_slice %arg4[%dma_start3A] : memref<128xf32, #tpu.memory_space<vmem>> -> memref<64xf32, #tpu.memory_space<vmem>>
      %dma_start3A_2577 = tpu.memref_slice %arg2[%mul3A_2] : memref<2048xf32, #tpu.memory_space<hbm>> -> memref<64xf32, #tpu.memory_space<hbm>>
      %dma_start3A_2578 = arith.constant 64 : i32
      %dma_start3A_2579 = tpu.memref_slice %arg4[%dma_start3A_2578] : memref<128xf32, #tpu.memory_space<vmem>> -> memref<64xf32, #tpu.memory_space<vmem>>
      %dma_start3A_2580 = tpu.memref_slice %arg2[%mul3A_2] : memref<2048xf32, #tpu.memory_space<hbm>> -> memref<64xf32, #tpu.memory_space<hbm>>
      tpu.enqueue_dma source(%dma_start3A_2580 : memref<64xf32, #tpu.memory_space<hbm>>) target(%dma_start3A_2579 : memref<64xf32, #tpu.memory_space<vmem>>) target_semaphore(%run_scoped3A : memref<!tpu.dma_semaphore, #tpu.memory_space<semaphore_mem>>)
      %dma_wait3A = arith.constant 64 : i32
      %dma_wait3A_2581 = tpu.memref_slice %arg4[%dma_wait3A] : memref<128xf32, #tpu.memory_space<vmem>> -> memref<64xf32, #tpu.memory_space<vmem>>
      %dma_wait3A_2582 = tpu.memref_slice %arg2[%mul3A_2] : memref<2048xf32, #tpu.memory_space<hbm>> -> memref<64xf32, #tpu.memory_space<hbm>>
      %dma_wait3A_2583 = arith.constant 64 : i32
      %dma_wait3A_2584 = tpu.memref_slice %arg4[%dma_wait3A_2583] : memref<128xf32, #tpu.memory_space<vmem>> -> memref<64xf32, #tpu.memory_space<vmem>>
      %dma_wait3A_2585 = tpu.memref_slice %arg2[%mul3A_2] : memref<2048xf32, #tpu.memory_space<hbm>> -> memref<64xf32, #tpu.memory_space<hbm>>
      tpu.wait_dma2 semaphore(%run_scoped3A : memref<!tpu.dma_semaphore, #tpu.memory_space<semaphore_mem>>) src(%dma_wait3A_2585 : memref<64xf32, #tpu.memory_space<hbm>>) dst(%dma_wait3A_2584 : memref<64xf32, #tpu.memory_space<vmem>>)
      tpu.yield
    }) : () -> ()
    %get3A = arith.constant 0 : index
    %get3A_3 = tpu.vector_load %arg4[%get3A] {strides = array<i32>} : memref<128xf32, #tpu.memory_space<vmem>>, vector<16xf32>,
    %get3A_4 = vector.shape_cast %get3A_3 : vector<16xf32> to vector<16xf32>
    %get3A_5 = arith.constant 1 : index
    %get3A_6 = tpu.vector_load %arg4[%get3A_5] {strides = array<i32>} : memref<128xf32, #tpu.memory_space<vmem>>, vector<16xf32>,
    %get3A_7 = vector.shape_cast %get3A_6 : vector<16xf32> to vector<16xf32>
    %lt3A = arith.cmpf olt, %get3A_7, %get3A_4 : vector<16xf32>
    %jit3A = arith.constant 1.000000e+00 : f32
    %jit3A_8 = arith.constant 0.000000e+00 : f32
    %broadcast_in_dim3A = vector.broadcast %jit3A : f32 to vector<16xf32>
    %broadcast_in_dim3A_9 = vector.broadcast %jit3A_8 : f32 to vector<16xf32>
    %select_n3A = arith.select %lt3A, %broadcast_in_dim3A, %broadcast_in_dim3A_9 : vector<16xi1>, vector<16xf32>
    %get3A_10 = arith.constant 2 : index
    %get3A_11 = tpu.vector_load %arg4[%get3A_10] {strides = array<i32>} : memref<128xf32, #tpu.memory_space<vmem>>, vector<16xf32>,
    %get3A_12 = vector.shape_cast %get3A_11 : vector<16xf32> to vector<16xf32>
    %lt3A_13 = arith.cmpf olt, %get3A_12, %get3A_4 : vector<16xf32>
    %jit3A_14 = arith.constant 1.000000e+00 : f32
    %jit3A_15 = arith.constant 0.000000e+00 : f32
    %broadcast_in_dim3A_16 = vector.broadcast %jit3A_14 : f32 to vector<16xf32>
    %broadcast_in_dim3A_17 = vector.broadcast %jit3A_15 : f32 to vector<16xf32>
    %select_n3A_18 = arith.select %lt3A_13, %broadcast_in_dim3A_16, %broadcast_in_dim3A_17 : vector<16xi1>, vector<16xf32>
    %add3A_19 = arith.addf %select_n3A, %select_n3A_18 : vector<16xf32>
    %get3A_20 = arith.constant 3 : index
    %get3A_21 = tpu.vector_load %arg4[%get3A_20] {strides = array<i32>} : memref<128xf32, #tpu.memory_space<vmem>>, vector<16xf32>,
    %get3A_22 = vector.shape_cast %get3A_21 : vector<16xf32> to vector<16xf32>
    %lt3A_23 = arith.cmpf olt, %get3A_22, %get3A_4 : vector<16xf32>
    %jit3A_24 = arith.constant 1.000000e+00 : f32
    %jit3A_25 = arith.constant 0.000000e+00 : f32
    %broadcast_in_dim3A_26 = vector.broadcast %jit3A_24 : f32 to vector<16xf32>
    %broadcast_in_dim3A_27 = vector.broadcast %jit3A_25 : f32 to vector<16xf32>
    %select_n3A_28 = arith.select %lt3A_23, %broadcast_in_dim3A_26, %broadcast_in_dim3A_27 : vector<16xi1>, vector<16xf32>
    %add3A_29 = arith.addf %add3A_19, %select_n3A_28 : vector<16xf32>
    %get3A_30 = arith.constant 4 : index
    %get3A_31 = tpu.vector_load %arg4[%get3A_30] {strides = array<i32>} : memref<128xf32, #tpu.memory_space<vmem>>, vector<16xf32>,
    %get3A_32 = vector.shape_cast %get3A_31 : vector<16xf32> to vector<16xf32>
    %lt3A_33 = arith.cmpf olt, %get3A_32, %get3A_4 : vector<16xf32>
    %jit3A_34 = arith.constant 1.000000e+00 : f32
    %jit3A_35 = arith.constant 0.000000e+00 : f32
    %broadcast_in_dim3A_36 = vector.broadcast %jit3A_34 : f32 to vector<16xf32>
    %broadcast_in_dim3A_37 = vector.broadcast %jit3A_35 : f32 to vector<16xf32>
    %select_n3A_38 = arith.select %lt3A_33, %broadcast_in_dim3A_36, %broadcast_in_dim3A_37 : vector<16xi1>, vector<16xf32>
    %add3A_39 = arith.addf %add3A_29, %select_n3A_38 : vector<16xf32>
    %get3A_40 = arith.constant 5 : index
    %get3A_41 = tpu.vector_load %arg4[%get3A_40] {strides = array<i32>} : memref<128xf32, #tpu.memory_space<vmem>>, vector<16xf32>,
    %get3A_42 = vector.shape_cast %get3A_41 : vector<16xf32> to vector<16xf32>
    %lt3A_43 = arith.cmpf olt, %get3A_42, %get3A_4 : vector<16xf32>
    %jit3A_44 = arith.constant 1.000000e+00 : f32
    %jit3A_45 = arith.constant 0.000000e+00 : f32
    %broadcast_in_dim3A_46 = vector.broadcast %jit3A_44 : f32 to vector<16xf32>
    %broadcast_in_dim3A_47 = vector.broadcast %jit3A_45 : f32 to vector<16xf32>
    %select_n3A_48 = arith.select %lt3A_43, %broadcast_in_dim3A_46, %broadcast_in_dim3A_47 : vector<16xi1>, vector<16xf32>
    %add3A_49 = arith.addf %add3A_39, %select_n3A_48 : vector<16xf32>
    %get3A_50 = arith.constant 6 : index
    %get3A_51 = tpu.vector_load %arg4[%get3A_50] {strides = array<i32>} : memref<128xf32, #tpu.memory_space<vmem>>, vector<16xf32>,
    %get3A_52 = vector.shape_cast %get3A_51 : vector<16xf32> to vector<16xf32>
    %lt3A_53 = arith.cmpf olt, %get3A_52, %get3A_4 : vector<16xf32>
    %jit3A_54 = arith.constant 1.000000e+00 : f32
    %jit3A_55 = arith.constant 0.000000e+00 : f32
    %broadcast_in_dim3A_56 = vector.broadcast %jit3A_54 : f32 to vector<16xf32>
    %broadcast_in_dim3A_57 = vector.broadcast %jit3A_55 : f32 to vector<16xf32>
    %select_n3A_58 = arith.select %lt3A_53, %broadcast_in_dim3A_56, %broadcast_in_dim3A_57 : vector<16xi1>, vector<16xf32>
    %add3A_59 = arith.addf %add3A_49, %select_n3A_58 : vector<16xf32>
    %get3A_60 = arith.constant 7 : index
    %get3A_61 = tpu.vector_load %arg4[%get3A_60] {strides = array<i32>} : memref<128xf32, #tpu.memory_space<vmem>>, vector<16xf32>,
    %get3A_62 = vector.shape_cast %get3A_61 : vector<16xf32> to vector<16xf32>
    %lt3A_63 = arith.cmpf olt, %get3A_62, %get3A_4 : vector<16xf32>
    %jit3A_64 = arith.constant 1.000000e+00 : f32
    %jit3A_65 = arith.constant 0.000000e+00 : f32
    %broadcast_in_dim3A_66 = vector.broadcast %jit3A_64 : f32 to vector<16xf32>
    %broadcast_in_dim3A_67 = vector.broadcast %jit3A_65 : f32 to vector<16xf32>
    %select_n3A_68 = arith.select %lt3A_63, %broadcast_in_dim3A_66, %broadcast_in_dim3A_67 : vector<16xi1>, vector<16xf32>
    %add3A_69 = arith.addf %add3A_59, %select_n3A_68 : vector<16xf32>
    %get3A_70 = arith.constant 8 : index
    %get3A_71 = tpu.vector_load %arg4[%get3A_70] {strides = array<i32>} : memref<128xf32, #tpu.memory_space<vmem>>, vector<16xf32>,
    %get3A_72 = vector.shape_cast %get3A_71 : vector<16xf32> to vector<16xf32>
    %lt3A_73 = arith.cmpf olt, %get3A_72, %get3A_4 : vector<16xf32>
    %jit3A_74 = arith.constant 1.000000e+00 : f32
    %jit3A_75 = arith.constant 0.000000e+00 : f32
    %broadcast_in_dim3A_76 = vector.broadcast %jit3A_74 : f32 to vector<16xf32>
    %broadcast_in_dim3A_77 = vector.broadcast %jit3A_75 : f32 to vector<16xf32>
    %select_n3A_78 = arith.select %lt3A_73, %broadcast_in_dim3A_76, %broadcast_in_dim3A_77 : vector<16xi1>, vector<16xf32>
    %add3A_79 = arith.addf %add3A_69, %select_n3A_78 : vector<16xf32>
    %get3A_80 = arith.constant 9 : index
    %get3A_81 = tpu.vector_load %arg4[%get3A_80] {strides = array<i32>} : memref<128xf32, #tpu.memory_space<vmem>>, vector<16xf32>,
    %get3A_82 = vector.shape_cast %get3A_81 : vector<16xf32> to vector<16xf32>
    %lt3A_83 = arith.cmpf olt, %get3A_82, %get3A_4 : vector<16xf32>
    %jit3A_84 = arith.constant 1.000000e+00 : f32
    %jit3A_85 = arith.constant 0.000000e+00 : f32
    %broadcast_in_dim3A_86 = vector.broadcast %jit3A_84 : f32 to vector<16xf32>
    %broadcast_in_dim3A_87 = vector.broadcast %jit3A_85 : f32 to vector<16xf32>
    %select_n3A_88 = arith.select %lt3A_83, %broadcast_in_dim3A_86, %broadcast_in_dim3A_87 : vector<16xi1>, vector<16xf32>
    %add3A_89 = arith.addf %add3A_79, %select_n3A_88 : vector<16xf32>
    %get3A_90 = arith.constant 10 : index
    %get3A_91 = tpu.vector_load %arg4[%get3A_90] {strides = array<i32>} : memref<128xf32, #tpu.memory_space<vmem>>, vector<16xf32>,
    %get3A_92 = vector.shape_cast %get3A_91 : vector<16xf32> to vector<16xf32>
    %lt3A_93 = arith.cmpf olt, %get3A_92, %get3A_4 : vector<16xf32>
    %jit3A_94 = arith.constant 1.000000e+00 : f32
    %jit3A_95 = arith.constant 0.000000e+00 : f32
    %broadcast_in_dim3A_96 = vector.broadcast %jit3A_94 : f32 to vector<16xf32>
    %broadcast_in_dim3A_97 = vector.broadcast %jit3A_95 : f32 to vector<16xf32>
    %select_n3A_98 = arith.select %lt3A_93, %broadcast_in_dim3A_96, %broadcast_in_dim3A_97 : vector<16xi1>, vector<16xf32>
    %add3A_99 = arith.addf %add3A_89, %select_n3A_98 : vector<16xf32>
    %get3A_100 = arith.constant 11 : index
    %get3A_101 = tpu.vector_load %arg4[%get3A_100] {strides = array<i32>} : memref<128xf32, #tpu.memory_space<vmem>>, vector<16xf32>,
    %get3A_102 = vector.shape_cast %get3A_101 : vector<16xf32> to vector<16xf32>
    %lt3A_103 = arith.cmpf olt, %get3A_102, %get3A_4 : vector<16xf32>
    %jit3A_104 = arith.constant 1.000000e+00 : f32
    %jit3A_105 = arith.constant 0.000000e+00 : f32
    %broadcast_in_dim3A_106 = vector.broadcast %jit3A_104 : f32 to vector<16xf32>
    %broadcast_in_dim3A_107 = vector.broadcast %jit3A_105 : f32 to vector<16xf32>
    %select_n3A_108 = arith.select %lt3A_103, %broadcast_in_dim3A_106, %broadcast_in_dim3A_107 : vector<16xi1>, vector<16xf32>
    %add3A_109 = arith.addf %add3A_99, %select_n3A_108 : vector<16xf32>
    %get3A_110 = arith.constant 12 : index
    %get3A_111 = tpu.vector_load %arg4[%get3A_110] {strides = array<i32>} : memref<128xf32, #tpu.memory_space<vmem>>, vector<16xf32>,
    %get3A_112 = vector.shape_cast %get3A_111 : vector<16xf32> to vector<16xf32>
    %lt3A_113 = arith.cmpf olt, %get3A_112, %get3A_4 : vector<16xf32>
    %jit3A_114 = arith.constant 1.000000e+00 : f32
    %jit3A_115 = arith.constant 0.000000e+00 : f32
    %broadcast_in_dim3A_116 = vector.broadcast %jit3A_114 : f32 to vector<16xf32>
    %broadcast_in_dim3A_117 = vector.broadcast %jit3A_115 : f32 to vector<16xf32>
    %select_n3A_118 = arith.select %lt3A_113, %broadcast_in_dim3A_116, %broadcast_in_dim3A_117 : vector<16xi1>, vector<16xf32>
    %add3A_119 = arith.addf %add3A_109, %select_n3A_118 : vector<16xf32>
    %get3A_120 = arith.constant 13 : index
    %get3A_121 = tpu.vector_load %arg4[%get3A_120] {strides = array<i32>} : memref<128xf32, #tpu.memory_space<vmem>>, vector<16xf32>,
    %get3A_122 = vector.shape_cast %get3A_121 : vector<16xf32> to vector<16xf32>
    %lt3A_123 = arith.cmpf olt, %get3A_122, %get3A_4 : vector<16xf32>
    %jit3A_124 = arith.constant 1.000000e+00 : f32
    %jit3A_125 = arith.constant 0.000000e+00 : f32
    %broadcast_in_dim3A_126 = vector.broadcast %jit3A_124 : f32 to vector<16xf32>
    %broadcast_in_dim3A_127 = vector.broadcast %jit3A_125 : f32 to vector<16xf32>
    %select_n3A_128 = arith.select %lt3A_123, %broadcast_in_dim3A_126, %broadcast_in_dim3A_127 : vector<16xi1>, vector<16xf32>
    %add3A_129 = arith.addf %add3A_119, %select_n3A_128 : vector<16xf32>
    %get3A_130 = arith.constant 14 : index
    %get3A_131 = tpu.vector_load %arg4[%get3A_130] {strides = array<i32>} : memref<128xf32, #tpu.memory_space<vmem>>, vector<16xf32>,
    %get3A_132 = vector.shape_cast %get3A_131 : vector<16xf32> to vector<16xf32>
    %lt3A_133 = arith.cmpf olt, %get3A_132, %get3A_4 : vector<16xf32>
    %jit3A_134 = arith.constant 1.000000e+00 : f32
    %jit3A_135 = arith.constant 0.000000e+00 : f32
    %broadcast_in_dim3A_136 = vector.broadcast %jit3A_134 : f32 to vector<16xf32>
    %broadcast_in_dim3A_137 = vector.broadcast %jit3A_135 : f32 to vector<16xf32>
    %select_n3A_138 = arith.select %lt3A_133, %broadcast_in_dim3A_136, %broadcast_in_dim3A_137 : vector<16xi1>, vector<16xf32>
    %add3A_139 = arith.addf %add3A_129, %select_n3A_138 : vector<16xf32>
    %get3A_140 = arith.constant 15 : index
    %get3A_141 = tpu.vector_load %arg4[%get3A_140] {strides = array<i32>} : memref<128xf32, #tpu.memory_space<vmem>>, vector<16xf32>,
    %get3A_142 = vector.shape_cast %get3A_141 : vector<16xf32> to vector<16xf32>
    %lt3A_143 = arith.cmpf olt, %get3A_142, %get3A_4 : vector<16xf32>
    %jit3A_144 = arith.constant 1.000000e+00 : f32
    %jit3A_145 = arith.constant 0.000000e+00 : f32
    %broadcast_in_dim3A_146 = vector.broadcast %jit3A_144 : f32 to vector<16xf32>
    %broadcast_in_dim3A_147 = vector.broadcast %jit3A_145 : f32 to vector<16xf32>
    %select_n3A_148 = arith.select %lt3A_143, %broadcast_in_dim3A_146, %broadcast_in_dim3A_147 : vector<16xi1>, vector<16xf32>
    %add3A_149 = arith.addf %add3A_139, %select_n3A_148 : vector<16xf32>
    %get3A_150 = arith.constant 16 : index
    %get3A_151 = tpu.vector_load %arg4[%get3A_150] {strides = array<i32>} : memref<128xf32, #tpu.memory_space<vmem>>, vector<16xf32>,
    %get3A_152 = vector.shape_cast %get3A_151 : vector<16xf32> to vector<16xf32>
    %lt3A_153 = arith.cmpf olt, %get3A_152, %get3A_4 : vector<16xf32>
    %jit3A_154 = arith.constant 1.000000e+00 : f32
    %jit3A_155 = arith.constant 0.000000e+00 : f32
    %broadcast_in_dim3A_156 = vector.broadcast %jit3A_154 : f32 to vector<16xf32>
    %broadcast_in_dim3A_157 = vector.broadcast %jit3A_155 : f32 to vector<16xf32>
    %select_n3A_158 = arith.select %lt3A_153, %broadcast_in_dim3A_156, %broadcast_in_dim3A_157 : vector<16xi1>, vector<16xf32>
    %add3A_159 = arith.addf %add3A_149, %select_n3A_158 : vector<16xf32>
    %get3A_160 = arith.constant 17 : index
    %get3A_161 = tpu.vector_load %arg4[%get3A_160] {strides = array<i32>} : memref<128xf32, #tpu.memory_space<vmem>>, vector<16xf32>,
    %get3A_162 = vector.shape_cast %get3A_161 : vector<16xf32> to vector<16xf32>
    %lt3A_163 = arith.cmpf olt, %get3A_162, %get3A_4 : vector<16xf32>
    %jit3A_164 = arith.constant 1.000000e+00 : f32
    %jit3A_165 = arith.constant 0.000000e+00 : f32
    %broadcast_in_dim3A_166 = vector.broadcast %jit3A_164 : f32 to vector<16xf32>
    %broadcast_in_dim3A_167 = vector.broadcast %jit3A_165 : f32 to vector<16xf32>
    %select_n3A_168 = arith.select %lt3A_163, %broadcast_in_dim3A_166, %broadcast_in_dim3A_167 : vector<16xi1>, vector<16xf32>
    %add3A_169 = arith.addf %add3A_159, %select_n3A_168 : vector<16xf32>
    %get3A_170 = arith.constant 18 : index
    %get3A_171 = tpu.vector_load %arg4[%get3A_170] {strides = array<i32>} : memref<128xf32, #tpu.memory_space<vmem>>, vector<16xf32>,
    %get3A_172 = vector.shape_cast %get3A_171 : vector<16xf32> to vector<16xf32>
    %lt3A_173 = arith.cmpf olt, %get3A_172, %get3A_4 : vector<16xf32>
    %jit3A_174 = arith.constant 1.000000e+00 : f32
    %jit3A_175 = arith.constant 0.000000e+00 : f32
    %broadcast_in_dim3A_176 = vector.broadcast %jit3A_174 : f32 to vector<16xf32>
    %broadcast_in_dim3A_177 = vector.broadcast %jit3A_175 : f32 to vector<16xf32>
    %select_n3A_178 = arith.select %lt3A_173, %broadcast_in_dim3A_176, %broadcast_in_dim3A_177 : vector<16xi1>, vector<16xf32>
    %add3A_179 = arith.addf %add3A_169, %select_n3A_178 : vector<16xf32>
    %get3A_180 = arith.constant 19 : index
    %get3A_181 = tpu.vector_load %arg4[%get3A_180] {strides = array<i32>} : memref<128xf32, #tpu.memory_space<vmem>>, vector<16xf32>,
    %get3A_182 = vector.shape_cast %get3A_181 : vector<16xf32> to vector<16xf32>
    %lt3A_183 = arith.cmpf olt, %get3A_182, %get3A_4 : vector<16xf32>
    %jit3A_184 = arith.constant 1.000000e+00 : f32
    %jit3A_185 = arith.constant 0.000000e+00 : f32
    %broadcast_in_dim3A_186 = vector.broadcast %jit3A_184 : f32 to vector<16xf32>
    %broadcast_in_dim3A_187 = vector.broadcast %jit3A_185 : f32 to vector<16xf32>
    %select_n3A_188 = arith.select %lt3A_183, %broadcast_in_dim3A_186, %broadcast_in_dim3A_187 : vector<16xi1>, vector<16xf32>
    %add3A_189 = arith.addf %add3A_179, %select_n3A_188 : vector<16xf32>
    %get3A_190 = arith.constant 20 : index
    %get3A_191 = tpu.vector_load %arg4[%get3A_190] {strides = array<i32>} : memref<128xf32, #tpu.memory_space<vmem>>, vector<16xf32>,
    %get3A_192 = vector.shape_cast %get3A_191 : vector<16xf32> to vector<16xf32>
    %lt3A_193 = arith.cmpf olt, %get3A_192, %get3A_4 : vector<16xf32>
    %jit3A_194 = arith.constant 1.000000e+00 : f32
    %jit3A_195 = arith.constant 0.000000e+00 : f32
    %broadcast_in_dim3A_196 = vector.broadcast %jit3A_194 : f32 to vector<16xf32>
    %broadcast_in_dim3A_197 = vector.broadcast %jit3A_195 : f32 to vector<16xf32>
    %select_n3A_198 = arith.select %lt3A_193, %broadcast_in_dim3A_196, %broadcast_in_dim3A_197 : vector<16xi1>, vector<16xf32>
    %add3A_199 = arith.addf %add3A_189, %select_n3A_198 : vector<16xf32>
    %get3A_200 = arith.constant 21 : index
    %get3A_201 = tpu.vector_load %arg4[%get3A_200] {strides = array<i32>} : memref<128xf32, #tpu.memory_space<vmem>>, vector<16xf32>,
    %get3A_202 = vector.shape_cast %get3A_201 : vector<16xf32> to vector<16xf32>
    %lt3A_203 = arith.cmpf olt, %get3A_202, %get3A_4 : vector<16xf32>
    %jit3A_204 = arith.constant 1.000000e+00 : f32
    %jit3A_205 = arith.constant 0.000000e+00 : f32
    %broadcast_in_dim3A_206 = vector.broadcast %jit3A_204 : f32 to vector<16xf32>
    %broadcast_in_dim3A_207 = vector.broadcast %jit3A_205 : f32 to vector<16xf32>
    %select_n3A_208 = arith.select %lt3A_203, %broadcast_in_dim3A_206, %broadcast_in_dim3A_207 : vector<16xi1>, vector<16xf32>
    %add3A_209 = arith.addf %add3A_199, %select_n3A_208 : vector<16xf32>
    %get3A_210 = arith.constant 22 : index
    %get3A_211 = tpu.vector_load %arg4[%get3A_210] {strides = array<i32>} : memref<128xf32, #tpu.memory_space<vmem>>, vector<16xf32>,
    %get3A_212 = vector.shape_cast %get3A_211 : vector<16xf32> to vector<16xf32>
    %lt3A_213 = arith.cmpf olt, %get3A_212, %get3A_4 : vector<16xf32>
    %jit3A_214 = arith.constant 1.000000e+00 : f32
    %jit3A_215 = arith.constant 0.000000e+00 : f32
    %broadcast_in_dim3A_216 = vector.broadcast %jit3A_214 : f32 to vector<16xf32>
    %broadcast_in_dim3A_217 = vector.broadcast %jit3A_215 : f32 to vector<16xf32>
    %select_n3A_218 = arith.select %lt3A_213, %broadcast_in_dim3A_216, %broadcast_in_dim3A_217 : vector<16xi1>, vector<16xf32>
    %add3A_219 = arith.addf %add3A_209, %select_n3A_218 : vector<16xf32>
    %get3A_220 = arith.constant 23 : index
    %get3A_221 = tpu.vector_load %arg4[%get3A_220] {strides = array<i32>} : memref<128xf32, #tpu.memory_space<vmem>>, vector<16xf32>,
    %get3A_222 = vector.shape_cast %get3A_221 : vector<16xf32> to vector<16xf32>
    %lt3A_223 = arith.cmpf olt, %get3A_222, %get3A_4 : vector<16xf32>
    %jit3A_224 = arith.constant 1.000000e+00 : f32
    %jit3A_225 = arith.constant 0.000000e+00 : f32
    %broadcast_in_dim3A_226 = vector.broadcast %jit3A_224 : f32 to vector<16xf32>
    %broadcast_in_dim3A_227 = vector.broadcast %jit3A_225 : f32 to vector<16xf32>
    %select_n3A_228 = arith.select %lt3A_223, %broadcast_in_dim3A_226, %broadcast_in_dim3A_227 : vector<16xi1>, vector<16xf32>
    %add3A_229 = arith.addf %add3A_219, %select_n3A_228 : vector<16xf32>
    %get3A_230 = arith.constant 24 : index
    %get3A_231 = tpu.vector_load %arg4[%get3A_230] {strides = array<i32>} : memref<128xf32, #tpu.memory_space<vmem>>, vector<16xf32>,
    %get3A_232 = vector.shape_cast %get3A_231 : vector<16xf32> to vector<16xf32>
    %lt3A_233 = arith.cmpf olt, %get3A_232, %get3A_4 : vector<16xf32>
    %jit3A_234 = arith.constant 1.000000e+00 : f32
    %jit3A_235 = arith.constant 0.000000e+00 : f32
    %broadcast_in_dim3A_236 = vector.broadcast %jit3A_234 : f32 to vector<16xf32>
    %broadcast_in_dim3A_237 = vector.broadcast %jit3A_235 : f32 to vector<16xf32>
    %select_n3A_238 = arith.select %lt3A_233, %broadcast_in_dim3A_236, %broadcast_in_dim3A_237 : vector<16xi1>, vector<16xf32>
    %add3A_239 = arith.addf %add3A_229, %select_n3A_238 : vector<16xf32>
    %get3A_240 = arith.constant 25 : index
    %get3A_241 = tpu.vector_load %arg4[%get3A_240] {strides = array<i32>} : memref<128xf32, #tpu.memory_space<vmem>>, vector<16xf32>,
    %get3A_242 = vector.shape_cast %get3A_241 : vector<16xf32> to vector<16xf32>
    %lt3A_243 = arith.cmpf olt, %get3A_242, %get3A_4 : vector<16xf32>
    %jit3A_244 = arith.constant 1.000000e+00 : f32
    %jit3A_245 = arith.constant 0.000000e+00 : f32
    %broadcast_in_dim3A_246 = vector.broadcast %jit3A_244 : f32 to vector<16xf32>
    %broadcast_in_dim3A_247 = vector.broadcast %jit3A_245 : f32 to vector<16xf32>
    %select_n3A_248 = arith.select %lt3A_243, %broadcast_in_dim3A_246, %broadcast_in_dim3A_247 : vector<16xi1>, vector<16xf32>
    %add3A_249 = arith.addf %add3A_239, %select_n3A_248 : vector<16xf32>
    %get3A_250 = arith.constant 26 : index
    %get3A_251 = tpu.vector_load %arg4[%get3A_250] {strides = array<i32>} : memref<128xf32, #tpu.memory_space<vmem>>, vector<16xf32>,
    %get3A_252 = vector.shape_cast %get3A_251 : vector<16xf32> to vector<16xf32>
    %lt3A_253 = arith.cmpf olt, %get3A_252, %get3A_4 : vector<16xf32>
    %jit3A_254 = arith.constant 1.000000e+00 : f32
    %jit3A_255 = arith.constant 0.000000e+00 : f32
    %broadcast_in_dim3A_256 = vector.broadcast %jit3A_254 : f32 to vector<16xf32>
    %broadcast_in_dim3A_257 = vector.broadcast %jit3A_255 : f32 to vector<16xf32>
    %select_n3A_258 = arith.select %lt3A_253, %broadcast_in_dim3A_256, %broadcast_in_dim3A_257 : vector<16xi1>, vector<16xf32>
    %add3A_259 = arith.addf %add3A_249, %select_n3A_258 : vector<16xf32>
    %get3A_260 = arith.constant 27 : index
    %get3A_261 = tpu.vector_load %arg4[%get3A_260] {strides = array<i32>} : memref<128xf32, #tpu.memory_space<vmem>>, vector<16xf32>,
    %get3A_262 = vector.shape_cast %get3A_261 : vector<16xf32> to vector<16xf32>
    %lt3A_263 = arith.cmpf olt, %get3A_262, %get3A_4 : vector<16xf32>
    %jit3A_264 = arith.constant 1.000000e+00 : f32
    %jit3A_265 = arith.constant 0.000000e+00 : f32
    %broadcast_in_dim3A_266 = vector.broadcast %jit3A_264 : f32 to vector<16xf32>
    %broadcast_in_dim3A_267 = vector.broadcast %jit3A_265 : f32 to vector<16xf32>
    %select_n3A_268 = arith.select %lt3A_263, %broadcast_in_dim3A_266, %broadcast_in_dim3A_267 : vector<16xi1>, vector<16xf32>
    %add3A_269 = arith.addf %add3A_259, %select_n3A_268 : vector<16xf32>
    %get3A_270 = arith.constant 28 : index
    %get3A_271 = tpu.vector_load %arg4[%get3A_270] {strides = array<i32>} : memref<128xf32, #tpu.memory_space<vmem>>, vector<16xf32>,
    %get3A_272 = vector.shape_cast %get3A_271 : vector<16xf32> to vector<16xf32>
    %lt3A_273 = arith.cmpf olt, %get3A_272, %get3A_4 : vector<16xf32>
    %jit3A_274 = arith.constant 1.000000e+00 : f32
    %jit3A_275 = arith.constant 0.000000e+00 : f32
    %broadcast_in_dim3A_276 = vector.broadcast %jit3A_274 : f32 to vector<16xf32>
    %broadcast_in_dim3A_277 = vector.broadcast %jit3A_275 : f32 to vector<16xf32>
    %select_n3A_278 = arith.select %lt3A_273, %broadcast_in_dim3A_276, %broadcast_in_dim3A_277 : vector<16xi1>, vector<16xf32>
    %add3A_279 = arith.addf %add3A_269, %select_n3A_278 : vector<16xf32>
    %get3A_280 = arith.constant 29 : index
    %get3A_281 = tpu.vector_load %arg4[%get3A_280] {strides = array<i32>} : memref<128xf32, #tpu.memory_space<vmem>>, vector<16xf32>,
    %get3A_282 = vector.shape_cast %get3A_281 : vector<16xf32> to vector<16xf32>
    %lt3A_283 = arith.cmpf olt, %get3A_282, %get3A_4 : vector<16xf32>
    %jit3A_284 = arith.constant 1.000000e+00 : f32
    %jit3A_285 = arith.constant 0.000000e+00 : f32
    %broadcast_in_dim3A_286 = vector.broadcast %jit3A_284 : f32 to vector<16xf32>
    %broadcast_in_dim3A_287 = vector.broadcast %jit3A_285 : f32 to vector<16xf32>
    %select_n3A_288 = arith.select %lt3A_283, %broadcast_in_dim3A_286, %broadcast_in_dim3A_287 : vector<16xi1>, vector<16xf32>
    %add3A_289 = arith.addf %add3A_279, %select_n3A_288 : vector<16xf32>
    %get3A_290 = arith.constant 30 : index
    %get3A_291 = tpu.vector_load %arg4[%get3A_290] {strides = array<i32>} : memref<128xf32, #tpu.memory_space<vmem>>, vector<16xf32>,
    %get3A_292 = vector.shape_cast %get3A_291 : vector<16xf32> to vector<16xf32>
    %lt3A_293 = arith.cmpf olt, %get3A_292, %get3A_4 : vector<16xf32>
    %jit3A_294 = arith.constant 1.000000e+00 : f32
    %jit3A_295 = arith.constant 0.000000e+00 : f32
    %broadcast_in_dim3A_296 = vector.broadcast %jit3A_294 : f32 to vector<16xf32>
    %broadcast_in_dim3A_297 = vector.broadcast %jit3A_295 : f32 to vector<16xf32>
    %select_n3A_298 = arith.select %lt3A_293, %broadcast_in_dim3A_296, %broadcast_in_dim3A_297 : vector<16xi1>, vector<16xf32>
    %add3A_299 = arith.addf %add3A_289, %select_n3A_298 : vector<16xf32>
    %get3A_300 = arith.constant 31 : index
    %get3A_301 = tpu.vector_load %arg4[%get3A_300] {strides = array<i32>} : memref<128xf32, #tpu.memory_space<vmem>>, vector<16xf32>,
    %get3A_302 = vector.shape_cast %get3A_301 : vector<16xf32> to vector<16xf32>
    %lt3A_303 = arith.cmpf olt, %get3A_302, %get3A_4 : vector<16xf32>
    %jit3A_304 = arith.constant 1.000000e+00 : f32
    %jit3A_305 = arith.constant 0.000000e+00 : f32
    %broadcast_in_dim3A_306 = vector.broadcast %jit3A_304 : f32 to vector<16xf32>
    %broadcast_in_dim3A_307 = vector.broadcast %jit3A_305 : f32 to vector<16xf32>
    %select_n3A_308 = arith.select %lt3A_303, %broadcast_in_dim3A_306, %broadcast_in_dim3A_307 : vector<16xi1>, vector<16xf32>
    %add3A_309 = arith.addf %add3A_299, %select_n3A_308 : vector<16xf32>
    %get3A_310 = arith.constant 32 : index
    %get3A_311 = tpu.vector_load %arg4[%get3A_310] {strides = array<i32>} : memref<128xf32, #tpu.memory_space<vmem>>, vector<16xf32>,
    %get3A_312 = vector.shape_cast %get3A_311 : vector<16xf32> to vector<16xf32>
    %lt3A_313 = arith.cmpf olt, %get3A_312, %get3A_4 : vector<16xf32>
    %jit3A_314 = arith.constant 1.000000e+00 : f32
    %jit3A_315 = arith.constant 0.000000e+00 : f32
    %broadcast_in_dim3A_316 = vector.broadcast %jit3A_314 : f32 to vector<16xf32>
    %broadcast_in_dim3A_317 = vector.broadcast %jit3A_315 : f32 to vector<16xf32>
    %select_n3A_318 = arith.select %lt3A_313, %broadcast_in_dim3A_316, %broadcast_in_dim3A_317 : vector<16xi1>, vector<16xf32>
    %add3A_319 = arith.addf %add3A_309, %select_n3A_318 : vector<16xf32>
    %get3A_320 = arith.constant 33 : index
    %get3A_321 = tpu.vector_load %arg4[%get3A_320] {strides = array<i32>} : memref<128xf32, #tpu.memory_space<vmem>>, vector<16xf32>,
    %get3A_322 = vector.shape_cast %get3A_321 : vector<16xf32> to vector<16xf32>
    %lt3A_323 = arith.cmpf olt, %get3A_322, %get3A_4 : vector<16xf32>
    %jit3A_324 = arith.constant 1.000000e+00 : f32
    %jit3A_325 = arith.constant 0.000000e+00 : f32
    %broadcast_in_dim3A_326 = vector.broadcast %jit3A_324 : f32 to vector<16xf32>
    %broadcast_in_dim3A_327 = vector.broadcast %jit3A_325 : f32 to vector<16xf32>
    %select_n3A_328 = arith.select %lt3A_323, %broadcast_in_dim3A_326, %broadcast_in_dim3A_327 : vector<16xi1>, vector<16xf32>
    %add3A_329 = arith.addf %add3A_319, %select_n3A_328 : vector<16xf32>
    %get3A_330 = arith.constant 34 : index
    %get3A_331 = tpu.vector_load %arg4[%get3A_330] {strides = array<i32>} : memref<128xf32, #tpu.memory_space<vmem>>, vector<16xf32>,
    %get3A_332 = vector.shape_cast %get3A_331 : vector<16xf32> to vector<16xf32>
    %lt3A_333 = arith.cmpf olt, %get3A_332, %get3A_4 : vector<16xf32>
    %jit3A_334 = arith.constant 1.000000e+00 : f32
    %jit3A_335 = arith.constant 0.000000e+00 : f32
    %broadcast_in_dim3A_336 = vector.broadcast %jit3A_334 : f32 to vector<16xf32>
    %broadcast_in_dim3A_337 = vector.broadcast %jit3A_335 : f32 to vector<16xf32>
    %select_n3A_338 = arith.select %lt3A_333, %broadcast_in_dim3A_336, %broadcast_in_dim3A_337 : vector<16xi1>, vector<16xf32>
    %add3A_339 = arith.addf %add3A_329, %select_n3A_338 : vector<16xf32>
    %get3A_340 = arith.constant 35 : index
    %get3A_341 = tpu.vector_load %arg4[%get3A_340] {strides = array<i32>} : memref<128xf32, #tpu.memory_space<vmem>>, vector<16xf32>,
    %get3A_342 = vector.shape_cast %get3A_341 : vector<16xf32> to vector<16xf32>
    %lt3A_343 = arith.cmpf olt, %get3A_342, %get3A_4 : vector<16xf32>
    %jit3A_344 = arith.constant 1.000000e+00 : f32
    %jit3A_345 = arith.constant 0.000000e+00 : f32
    %broadcast_in_dim3A_346 = vector.broadcast %jit3A_344 : f32 to vector<16xf32>
    %broadcast_in_dim3A_347 = vector.broadcast %jit3A_345 : f32 to vector<16xf32>
    %select_n3A_348 = arith.select %lt3A_343, %broadcast_in_dim3A_346, %broadcast_in_dim3A_347 : vector<16xi1>, vector<16xf32>
    %add3A_349 = arith.addf %add3A_339, %select_n3A_348 : vector<16xf32>
    %get3A_350 = arith.constant 36 : index
    %get3A_351 = tpu.vector_load %arg4[%get3A_350] {strides = array<i32>} : memref<128xf32, #tpu.memory_space<vmem>>, vector<16xf32>,
    %get3A_352 = vector.shape_cast %get3A_351 : vector<16xf32> to vector<16xf32>
    %lt3A_353 = arith.cmpf olt, %get3A_352, %get3A_4 : vector<16xf32>
    %jit3A_354 = arith.constant 1.000000e+00 : f32
    %jit3A_355 = arith.constant 0.000000e+00 : f32
    %broadcast_in_dim3A_356 = vector.broadcast %jit3A_354 : f32 to vector<16xf32>
    %broadcast_in_dim3A_357 = vector.broadcast %jit3A_355 : f32 to vector<16xf32>
    %select_n3A_358 = arith.select %lt3A_353, %broadcast_in_dim3A_356, %broadcast_in_dim3A_357 : vector<16xi1>, vector<16xf32>
    %add3A_359 = arith.addf %add3A_349, %select_n3A_358 : vector<16xf32>
    %get3A_360 = arith.constant 37 : index
    %get3A_361 = tpu.vector_load %arg4[%get3A_360] {strides = array<i32>} : memref<128xf32, #tpu.memory_space<vmem>>, vector<16xf32>,
    %get3A_362 = vector.shape_cast %get3A_361 : vector<16xf32> to vector<16xf32>
    %lt3A_363 = arith.cmpf olt, %get3A_362, %get3A_4 : vector<16xf32>
    %jit3A_364 = arith.constant 1.000000e+00 : f32
    %jit3A_365 = arith.constant 0.000000e+00 : f32
    %broadcast_in_dim3A_366 = vector.broadcast %jit3A_364 : f32 to vector<16xf32>
    %broadcast_in_dim3A_367 = vector.broadcast %jit3A_365 : f32 to vector<16xf32>
    %select_n3A_368 = arith.select %lt3A_363, %broadcast_in_dim3A_366, %broadcast_in_dim3A_367 : vector<16xi1>, vector<16xf32>
    %add3A_369 = arith.addf %add3A_359, %select_n3A_368 : vector<16xf32>
    %get3A_370 = arith.constant 38 : index
    %get3A_371 = tpu.vector_load %arg4[%get3A_370] {strides = array<i32>} : memref<128xf32, #tpu.memory_space<vmem>>, vector<16xf32>,
    %get3A_372 = vector.shape_cast %get3A_371 : vector<16xf32> to vector<16xf32>
    %lt3A_373 = arith.cmpf olt, %get3A_372, %get3A_4 : vector<16xf32>
    %jit3A_374 = arith.constant 1.000000e+00 : f32
    %jit3A_375 = arith.constant 0.000000e+00 : f32
    %broadcast_in_dim3A_376 = vector.broadcast %jit3A_374 : f32 to vector<16xf32>
    %broadcast_in_dim3A_377 = vector.broadcast %jit3A_375 : f32 to vector<16xf32>
    %select_n3A_378 = arith.select %lt3A_373, %broadcast_in_dim3A_376, %broadcast_in_dim3A_377 : vector<16xi1>, vector<16xf32>
    %add3A_379 = arith.addf %add3A_369, %select_n3A_378 : vector<16xf32>
    %get3A_380 = arith.constant 39 : index
    %get3A_381 = tpu.vector_load %arg4[%get3A_380] {strides = array<i32>} : memref<128xf32, #tpu.memory_space<vmem>>, vector<16xf32>,
    %get3A_382 = vector.shape_cast %get3A_381 : vector<16xf32> to vector<16xf32>
    %lt3A_383 = arith.cmpf olt, %get3A_382, %get3A_4 : vector<16xf32>
    %jit3A_384 = arith.constant 1.000000e+00 : f32
    %jit3A_385 = arith.constant 0.000000e+00 : f32
    %broadcast_in_dim3A_386 = vector.broadcast %jit3A_384 : f32 to vector<16xf32>
    %broadcast_in_dim3A_387 = vector.broadcast %jit3A_385 : f32 to vector<16xf32>
    %select_n3A_388 = arith.select %lt3A_383, %broadcast_in_dim3A_386, %broadcast_in_dim3A_387 : vector<16xi1>, vector<16xf32>
    %add3A_389 = arith.addf %add3A_379, %select_n3A_388 : vector<16xf32>
    %get3A_390 = arith.constant 40 : index
    %get3A_391 = tpu.vector_load %arg4[%get3A_390] {strides = array<i32>} : memref<128xf32, #tpu.memory_space<vmem>>, vector<16xf32>,
    %get3A_392 = vector.shape_cast %get3A_391 : vector<16xf32> to vector<16xf32>
    %lt3A_393 = arith.cmpf olt, %get3A_392, %get3A_4 : vector<16xf32>
    %jit3A_394 = arith.constant 1.000000e+00 : f32
    %jit3A_395 = arith.constant 0.000000e+00 : f32
    %broadcast_in_dim3A_396 = vector.broadcast %jit3A_394 : f32 to vector<16xf32>
    %broadcast_in_dim3A_397 = vector.broadcast %jit3A_395 : f32 to vector<16xf32>
    %select_n3A_398 = arith.select %lt3A_393, %broadcast_in_dim3A_396, %broadcast_in_dim3A_397 : vector<16xi1>, vector<16xf32>
    %add3A_399 = arith.addf %add3A_389, %select_n3A_398 : vector<16xf32>
    %get3A_400 = arith.constant 41 : index
    %get3A_401 = tpu.vector_load %arg4[%get3A_400] {strides = array<i32>} : memref<128xf32, #tpu.memory_space<vmem>>, vector<16xf32>,
    %get3A_402 = vector.shape_cast %get3A_401 : vector<16xf32> to vector<16xf32>
    %lt3A_403 = arith.cmpf olt, %get3A_402, %get3A_4 : vector<16xf32>
    %jit3A_404 = arith.constant 1.000000e+00 : f32
    %jit3A_405 = arith.constant 0.000000e+00 : f32
    %broadcast_in_dim3A_406 = vector.broadcast %jit3A_404 : f32 to vector<16xf32>
    %broadcast_in_dim3A_407 = vector.broadcast %jit3A_405 : f32 to vector<16xf32>
    %select_n3A_408 = arith.select %lt3A_403, %broadcast_in_dim3A_406, %broadcast_in_dim3A_407 : vector<16xi1>, vector<16xf32>
    %add3A_409 = arith.addf %add3A_399, %select_n3A_408 : vector<16xf32>
    %get3A_410 = arith.constant 42 : index
    %get3A_411 = tpu.vector_load %arg4[%get3A_410] {strides = array<i32>} : memref<128xf32, #tpu.memory_space<vmem>>, vector<16xf32>,
    %get3A_412 = vector.shape_cast %get3A_411 : vector<16xf32> to vector<16xf32>
    %lt3A_413 = arith.cmpf olt, %get3A_412, %get3A_4 : vector<16xf32>
    %jit3A_414 = arith.constant 1.000000e+00 : f32
    %jit3A_415 = arith.constant 0.000000e+00 : f32
    %broadcast_in_dim3A_416 = vector.broadcast %jit3A_414 : f32 to vector<16xf32>
    %broadcast_in_dim3A_417 = vector.broadcast %jit3A_415 : f32 to vector<16xf32>
    %select_n3A_418 = arith.select %lt3A_413, %broadcast_in_dim3A_416, %broadcast_in_dim3A_417 : vector<16xi1>, vector<16xf32>
    %add3A_419 = arith.addf %add3A_409, %select_n3A_418 : vector<16xf32>
    %get3A_420 = arith.constant 43 : index
    %get3A_421 = tpu.vector_load %arg4[%get3A_420] {strides = array<i32>} : memref<128xf32, #tpu.memory_space<vmem>>, vector<16xf32>,
    %get3A_422 = vector.shape_cast %get3A_421 : vector<16xf32> to vector<16xf32>
    %lt3A_423 = arith.cmpf olt, %get3A_422, %get3A_4 : vector<16xf32>
    %jit3A_424 = arith.constant 1.000000e+00 : f32
    %jit3A_425 = arith.constant 0.000000e+00 : f32
    %broadcast_in_dim3A_426 = vector.broadcast %jit3A_424 : f32 to vector<16xf32>
    %broadcast_in_dim3A_427 = vector.broadcast %jit3A_425 : f32 to vector<16xf32>
    %select_n3A_428 = arith.select %lt3A_423, %broadcast_in_dim3A_426, %broadcast_in_dim3A_427 : vector<16xi1>, vector<16xf32>
    %add3A_429 = arith.addf %add3A_419, %select_n3A_428 : vector<16xf32>
    %get3A_430 = arith.constant 44 : index
    %get3A_431 = tpu.vector_load %arg4[%get3A_430] {strides = array<i32>} : memref<128xf32, #tpu.memory_space<vmem>>, vector<16xf32>,
    %get3A_432 = vector.shape_cast %get3A_431 : vector<16xf32> to vector<16xf32>
    %lt3A_433 = arith.cmpf olt, %get3A_432, %get3A_4 : vector<16xf32>
    %jit3A_434 = arith.constant 1.000000e+00 : f32
    %jit3A_435 = arith.constant 0.000000e+00 : f32
    %broadcast_in_dim3A_436 = vector.broadcast %jit3A_434 : f32 to vector<16xf32>
    %broadcast_in_dim3A_437 = vector.broadcast %jit3A_435 : f32 to vector<16xf32>
    %select_n3A_438 = arith.select %lt3A_433, %broadcast_in_dim3A_436, %broadcast_in_dim3A_437 : vector<16xi1>, vector<16xf32>
    %add3A_439 = arith.addf %add3A_429, %select_n3A_438 : vector<16xf32>
    %get3A_440 = arith.constant 45 : index
    %get3A_441 = tpu.vector_load %arg4[%get3A_440] {strides = array<i32>} : memref<128xf32, #tpu.memory_space<vmem>>, vector<16xf32>,
    %get3A_442 = vector.shape_cast %get3A_441 : vector<16xf32> to vector<16xf32>
    %lt3A_443 = arith.cmpf olt, %get3A_442, %get3A_4 : vector<16xf32>
    %jit3A_444 = arith.constant 1.000000e+00 : f32
    %jit3A_445 = arith.constant 0.000000e+00 : f32
    %broadcast_in_dim3A_446 = vector.broadcast %jit3A_444 : f32 to vector<16xf32>
    %broadcast_in_dim3A_447 = vector.broadcast %jit3A_445 : f32 to vector<16xf32>
    %select_n3A_448 = arith.select %lt3A_443, %broadcast_in_dim3A_446, %broadcast_in_dim3A_447 : vector<16xi1>, vector<16xf32>
    %add3A_449 = arith.addf %add3A_439, %select_n3A_448 : vector<16xf32>
    %get3A_450 = arith.constant 46 : index
    %get3A_451 = tpu.vector_load %arg4[%get3A_450] {strides = array<i32>} : memref<128xf32, #tpu.memory_space<vmem>>, vector<16xf32>,
    %get3A_452 = vector.shape_cast %get3A_451 : vector<16xf32> to vector<16xf32>
    %lt3A_453 = arith.cmpf olt, %get3A_452, %get3A_4 : vector<16xf32>
    %jit3A_454 = arith.constant 1.000000e+00 : f32
    %jit3A_455 = arith.constant 0.000000e+00 : f32
    %broadcast_in_dim3A_456 = vector.broadcast %jit3A_454 : f32 to vector<16xf32>
    %broadcast_in_dim3A_457 = vector.broadcast %jit3A_455 : f32 to vector<16xf32>
    %select_n3A_458 = arith.select %lt3A_453, %broadcast_in_dim3A_456, %broadcast_in_dim3A_457 : vector<16xi1>, vector<16xf32>
    %add3A_459 = arith.addf %add3A_449, %select_n3A_458 : vector<16xf32>
    %get3A_460 = arith.constant 47 : index
    %get3A_461 = tpu.vector_load %arg4[%get3A_460] {strides = array<i32>} : memref<128xf32, #tpu.memory_space<vmem>>, vector<16xf32>,
    %get3A_462 = vector.shape_cast %get3A_461 : vector<16xf32> to vector<16xf32>
    %lt3A_463 = arith.cmpf olt, %get3A_462, %get3A_4 : vector<16xf32>
    %jit3A_464 = arith.constant 1.000000e+00 : f32
    %jit3A_465 = arith.constant 0.000000e+00 : f32
    %broadcast_in_dim3A_466 = vector.broadcast %jit3A_464 : f32 to vector<16xf32>
    %broadcast_in_dim3A_467 = vector.broadcast %jit3A_465 : f32 to vector<16xf32>
    %select_n3A_468 = arith.select %lt3A_463, %broadcast_in_dim3A_466, %broadcast_in_dim3A_467 : vector<16xi1>, vector<16xf32>
    %add3A_469 = arith.addf %add3A_459, %select_n3A_468 : vector<16xf32>
    %get3A_470 = arith.constant 48 : index
    %get3A_471 = tpu.vector_load %arg4[%get3A_470] {strides = array<i32>} : memref<128xf32, #tpu.memory_space<vmem>>, vector<16xf32>,
    %get3A_472 = vector.shape_cast %get3A_471 : vector<16xf32> to vector<16xf32>
    %lt3A_473 = arith.cmpf olt, %get3A_472, %get3A_4 : vector<16xf32>
    %jit3A_474 = arith.constant 1.000000e+00 : f32
    %jit3A_475 = arith.constant 0.000000e+00 : f32
    %broadcast_in_dim3A_476 = vector.broadcast %jit3A_474 : f32 to vector<16xf32>
    %broadcast_in_dim3A_477 = vector.broadcast %jit3A_475 : f32 to vector<16xf32>
    %select_n3A_478 = arith.select %lt3A_473, %broadcast_in_dim3A_476, %broadcast_in_dim3A_477 : vector<16xi1>, vector<16xf32>
    %add3A_479 = arith.addf %add3A_469, %select_n3A_478 : vector<16xf32>
    %get3A_480 = arith.constant 49 : index
    %get3A_481 = tpu.vector_load %arg4[%get3A_480] {strides = array<i32>} : memref<128xf32, #tpu.memory_space<vmem>>, vector<16xf32>,
    %get3A_482 = vector.shape_cast %get3A_481 : vector<16xf32> to vector<16xf32>
    %lt3A_483 = arith.cmpf olt, %get3A_482, %get3A_4 : vector<16xf32>
    %jit3A_484 = arith.constant 1.000000e+00 : f32
    %jit3A_485 = arith.constant 0.000000e+00 : f32
    %broadcast_in_dim3A_486 = vector.broadcast %jit3A_484 : f32 to vector<16xf32>
    %broadcast_in_dim3A_487 = vector.broadcast %jit3A_485 : f32 to vector<16xf32>
    %select_n3A_488 = arith.select %lt3A_483, %broadcast_in_dim3A_486, %broadcast_in_dim3A_487 : vector<16xi1>, vector<16xf32>
    %add3A_489 = arith.addf %add3A_479, %select_n3A_488 : vector<16xf32>
    %get3A_490 = arith.constant 50 : index
    %get3A_491 = tpu.vector_load %arg4[%get3A_490] {strides = array<i32>} : memref<128xf32, #tpu.memory_space<vmem>>, vector<16xf32>,
    %get3A_492 = vector.shape_cast %get3A_491 : vector<16xf32> to vector<16xf32>
    %lt3A_493 = arith.cmpf olt, %get3A_492, %get3A_4 : vector<16xf32>
    %jit3A_494 = arith.constant 1.000000e+00 : f32
    %jit3A_495 = arith.constant 0.000000e+00 : f32
    %broadcast_in_dim3A_496 = vector.broadcast %jit3A_494 : f32 to vector<16xf32>
    %broadcast_in_dim3A_497 = vector.broadcast %jit3A_495 : f32 to vector<16xf32>
    %select_n3A_498 = arith.select %lt3A_493, %broadcast_in_dim3A_496, %broadcast_in_dim3A_497 : vector<16xi1>, vector<16xf32>
    %add3A_499 = arith.addf %add3A_489, %select_n3A_498 : vector<16xf32>
    %get3A_500 = arith.constant 51 : index
    %get3A_501 = tpu.vector_load %arg4[%get3A_500] {strides = array<i32>} : memref<128xf32, #tpu.memory_space<vmem>>, vector<16xf32>,
    %get3A_502 = vector.shape_cast %get3A_501 : vector<16xf32> to vector<16xf32>
    %lt3A_503 = arith.cmpf olt, %get3A_502, %get3A_4 : vector<16xf32>
    %jit3A_504 = arith.constant 1.000000e+00 : f32
    %jit3A_505 = arith.constant 0.000000e+00 : f32
    %broadcast_in_dim3A_506 = vector.broadcast %jit3A_504 : f32 to vector<16xf32>
    %broadcast_in_dim3A_507 = vector.broadcast %jit3A_505 : f32 to vector<16xf32>
    %select_n3A_508 = arith.select %lt3A_503, %broadcast_in_dim3A_506, %broadcast_in_dim3A_507 : vector<16xi1>, vector<16xf32>
    %add3A_509 = arith.addf %add3A_499, %select_n3A_508 : vector<16xf32>
    %get3A_510 = arith.constant 52 : index
    %get3A_511 = tpu.vector_load %arg4[%get3A_510] {strides = array<i32>} : memref<128xf32, #tpu.memory_space<vmem>>, vector<16xf32>,
    %get3A_512 = vector.shape_cast %get3A_511 : vector<16xf32> to vector<16xf32>
    %lt3A_513 = arith.cmpf olt, %get3A_512, %get3A_4 : vector<16xf32>
    %jit3A_514 = arith.constant 1.000000e+00 : f32
    %jit3A_515 = arith.constant 0.000000e+00 : f32
    %broadcast_in_dim3A_516 = vector.broadcast %jit3A_514 : f32 to vector<16xf32>
    %broadcast_in_dim3A_517 = vector.broadcast %jit3A_515 : f32 to vector<16xf32>
    %select_n3A_518 = arith.select %lt3A_513, %broadcast_in_dim3A_516, %broadcast_in_dim3A_517 : vector<16xi1>, vector<16xf32>
    %add3A_519 = arith.addf %add3A_509, %select_n3A_518 : vector<16xf32>
    %get3A_520 = arith.constant 53 : index
    %get3A_521 = tpu.vector_load %arg4[%get3A_520] {strides = array<i32>} : memref<128xf32, #tpu.memory_space<vmem>>, vector<16xf32>,
    %get3A_522 = vector.shape_cast %get3A_521 : vector<16xf32> to vector<16xf32>
    %lt3A_523 = arith.cmpf olt, %get3A_522, %get3A_4 : vector<16xf32>
    %jit3A_524 = arith.constant 1.000000e+00 : f32
    %jit3A_525 = arith.constant 0.000000e+00 : f32
    %broadcast_in_dim3A_526 = vector.broadcast %jit3A_524 : f32 to vector<16xf32>
    %broadcast_in_dim3A_527 = vector.broadcast %jit3A_525 : f32 to vector<16xf32>
    %select_n3A_528 = arith.select %lt3A_523, %broadcast_in_dim3A_526, %broadcast_in_dim3A_527 : vector<16xi1>, vector<16xf32>
    %add3A_529 = arith.addf %add3A_519, %select_n3A_528 : vector<16xf32>
    %get3A_530 = arith.constant 54 : index
    %get3A_531 = tpu.vector_load %arg4[%get3A_530] {strides = array<i32>} : memref<128xf32, #tpu.memory_space<vmem>>, vector<16xf32>,
    %get3A_532 = vector.shape_cast %get3A_531 : vector<16xf32> to vector<16xf32>
    %lt3A_533 = arith.cmpf olt, %get3A_532, %get3A_4 : vector<16xf32>
    %jit3A_534 = arith.constant 1.000000e+00 : f32
    %jit3A_535 = arith.constant 0.000000e+00 : f32
    %broadcast_in_dim3A_536 = vector.broadcast %jit3A_534 : f32 to vector<16xf32>
    %broadcast_in_dim3A_537 = vector.broadcast %jit3A_535 : f32 to vector<16xf32>
    %select_n3A_538 = arith.select %lt3A_533, %broadcast_in_dim3A_536, %broadcast_in_dim3A_537 : vector<16xi1>, vector<16xf32>
    %add3A_539 = arith.addf %add3A_529, %select_n3A_538 : vector<16xf32>
    %get3A_540 = arith.constant 55 : index
    %get3A_541 = tpu.vector_load %arg4[%get3A_540] {strides = array<i32>} : memref<128xf32, #tpu.memory_space<vmem>>, vector<16xf32>,
    %get3A_542 = vector.shape_cast %get3A_541 : vector<16xf32> to vector<16xf32>
    %lt3A_543 = arith.cmpf olt, %get3A_542, %get3A_4 : vector<16xf32>
    %jit3A_544 = arith.constant 1.000000e+00 : f32
    %jit3A_545 = arith.constant 0.000000e+00 : f32
    %broadcast_in_dim3A_546 = vector.broadcast %jit3A_544 : f32 to vector<16xf32>
    %broadcast_in_dim3A_547 = vector.broadcast %jit3A_545 : f32 to vector<16xf32>
    %select_n3A_548 = arith.select %lt3A_543, %broadcast_in_dim3A_546, %broadcast_in_dim3A_547 : vector<16xi1>, vector<16xf32>
    %add3A_549 = arith.addf %add3A_539, %select_n3A_548 : vector<16xf32>
    %get3A_550 = arith.constant 56 : index
    %get3A_551 = tpu.vector_load %arg4[%get3A_550] {strides = array<i32>} : memref<128xf32, #tpu.memory_space<vmem>>, vector<16xf32>,
    %get3A_552 = vector.shape_cast %get3A_551 : vector<16xf32> to vector<16xf32>
    %lt3A_553 = arith.cmpf olt, %get3A_552, %get3A_4 : vector<16xf32>
    %jit3A_554 = arith.constant 1.000000e+00 : f32
    %jit3A_555 = arith.constant 0.000000e+00 : f32
    %broadcast_in_dim3A_556 = vector.broadcast %jit3A_554 : f32 to vector<16xf32>
    %broadcast_in_dim3A_557 = vector.broadcast %jit3A_555 : f32 to vector<16xf32>
    %select_n3A_558 = arith.select %lt3A_553, %broadcast_in_dim3A_556, %broadcast_in_dim3A_557 : vector<16xi1>, vector<16xf32>
    %add3A_559 = arith.addf %add3A_549, %select_n3A_558 : vector<16xf32>
    %get3A_560 = arith.constant 57 : index
    %get3A_561 = tpu.vector_load %arg4[%get3A_560] {strides = array<i32>} : memref<128xf32, #tpu.memory_space<vmem>>, vector<16xf32>,
    %get3A_562 = vector.shape_cast %get3A_561 : vector<16xf32> to vector<16xf32>
    %lt3A_563 = arith.cmpf olt, %get3A_562, %get3A_4 : vector<16xf32>
    %jit3A_564 = arith.constant 1.000000e+00 : f32
    %jit3A_565 = arith.constant 0.000000e+00 : f32
    %broadcast_in_dim3A_566 = vector.broadcast %jit3A_564 : f32 to vector<16xf32>
    %broadcast_in_dim3A_567 = vector.broadcast %jit3A_565 : f32 to vector<16xf32>
    %select_n3A_568 = arith.select %lt3A_563, %broadcast_in_dim3A_566, %broadcast_in_dim3A_567 : vector<16xi1>, vector<16xf32>
    %add3A_569 = arith.addf %add3A_559, %select_n3A_568 : vector<16xf32>
    %get3A_570 = arith.constant 58 : index
    %get3A_571 = tpu.vector_load %arg4[%get3A_570] {strides = array<i32>} : memref<128xf32, #tpu.memory_space<vmem>>, vector<16xf32>,
    %get3A_572 = vector.shape_cast %get3A_571 : vector<16xf32> to vector<16xf32>
    %lt3A_573 = arith.cmpf olt, %get3A_572, %get3A_4 : vector<16xf32>
    %jit3A_574 = arith.constant 1.000000e+00 : f32
    %jit3A_575 = arith.constant 0.000000e+00 : f32
    %broadcast_in_dim3A_576 = vector.broadcast %jit3A_574 : f32 to vector<16xf32>
    %broadcast_in_dim3A_577 = vector.broadcast %jit3A_575 : f32 to vector<16xf32>
    %select_n3A_578 = arith.select %lt3A_573, %broadcast_in_dim3A_576, %broadcast_in_dim3A_577 : vector<16xi1>, vector<16xf32>
    %add3A_579 = arith.addf %add3A_569, %select_n3A_578 : vector<16xf32>
    %get3A_580 = arith.constant 59 : index
    %get3A_581 = tpu.vector_load %arg4[%get3A_580] {strides = array<i32>} : memref<128xf32, #tpu.memory_space<vmem>>, vector<16xf32>,
    %get3A_582 = vector.shape_cast %get3A_581 : vector<16xf32> to vector<16xf32>
    %lt3A_583 = arith.cmpf olt, %get3A_582, %get3A_4 : vector<16xf32>
    %jit3A_584 = arith.constant 1.000000e+00 : f32
    %jit3A_585 = arith.constant 0.000000e+00 : f32
    %broadcast_in_dim3A_586 = vector.broadcast %jit3A_584 : f32 to vector<16xf32>
    %broadcast_in_dim3A_587 = vector.broadcast %jit3A_585 : f32 to vector<16xf32>
    %select_n3A_588 = arith.select %lt3A_583, %broadcast_in_dim3A_586, %broadcast_in_dim3A_587 : vector<16xi1>, vector<16xf32>
    %add3A_589 = arith.addf %add3A_579, %select_n3A_588 : vector<16xf32>
    %get3A_590 = arith.constant 60 : index
    %get3A_591 = tpu.vector_load %arg4[%get3A_590] {strides = array<i32>} : memref<128xf32, #tpu.memory_space<vmem>>, vector<16xf32>,
    %get3A_592 = vector.shape_cast %get3A_591 : vector<16xf32> to vector<16xf32>
    %lt3A_593 = arith.cmpf olt, %get3A_592, %get3A_4 : vector<16xf32>
    %jit3A_594 = arith.constant 1.000000e+00 : f32
    %jit3A_595 = arith.constant 0.000000e+00 : f32
    %broadcast_in_dim3A_596 = vector.broadcast %jit3A_594 : f32 to vector<16xf32>
    %broadcast_in_dim3A_597 = vector.broadcast %jit3A_595 : f32 to vector<16xf32>
    %select_n3A_598 = arith.select %lt3A_593, %broadcast_in_dim3A_596, %broadcast_in_dim3A_597 : vector<16xi1>, vector<16xf32>
    %add3A_599 = arith.addf %add3A_589, %select_n3A_598 : vector<16xf32>
    %get3A_600 = arith.constant 61 : index
    %get3A_601 = tpu.vector_load %arg4[%get3A_600] {strides = array<i32>} : memref<128xf32, #tpu.memory_space<vmem>>, vector<16xf32>,
    %get3A_602 = vector.shape_cast %get3A_601 : vector<16xf32> to vector<16xf32>
    %lt3A_603 = arith.cmpf olt, %get3A_602, %get3A_4 : vector<16xf32>
    %jit3A_604 = arith.constant 1.000000e+00 : f32
    %jit3A_605 = arith.constant 0.000000e+00 : f32
    %broadcast_in_dim3A_606 = vector.broadcast %jit3A_604 : f32 to vector<16xf32>
    %broadcast_in_dim3A_607 = vector.broadcast %jit3A_605 : f32 to vector<16xf32>
    %select_n3A_608 = arith.select %lt3A_603, %broadcast_in_dim3A_606, %broadcast_in_dim3A_607 : vector<16xi1>, vector<16xf32>
    %add3A_609 = arith.addf %add3A_599, %select_n3A_608 : vector<16xf32>
    %get3A_610 = arith.constant 62 : index
    %get3A_611 = tpu.vector_load %arg4[%get3A_610] {strides = array<i32>} : memref<128xf32, #tpu.memory_space<vmem>>, vector<16xf32>,
    %get3A_612 = vector.shape_cast %get3A_611 : vector<16xf32> to vector<16xf32>
    %lt3A_613 = arith.cmpf olt, %get3A_612, %get3A_4 : vector<16xf32>
    %jit3A_614 = arith.constant 1.000000e+00 : f32
    %jit3A_615 = arith.constant 0.000000e+00 : f32
    %broadcast_in_dim3A_616 = vector.broadcast %jit3A_614 : f32 to vector<16xf32>
    %broadcast_in_dim3A_617 = vector.broadcast %jit3A_615 : f32 to vector<16xf32>
    %select_n3A_618 = arith.select %lt3A_613, %broadcast_in_dim3A_616, %broadcast_in_dim3A_617 : vector<16xi1>, vector<16xf32>
    %add3A_619 = arith.addf %add3A_609, %select_n3A_618 : vector<16xf32>
    %get3A_620 = arith.constant 63 : index
    %get3A_621 = tpu.vector_load %arg4[%get3A_620] {strides = array<i32>} : memref<128xf32, #tpu.memory_space<vmem>>, vector<16xf32>,
    %get3A_622 = vector.shape_cast %get3A_621 : vector<16xf32> to vector<16xf32>
    %lt3A_623 = arith.cmpf olt, %get3A_622, %get3A_4 : vector<16xf32>
    %jit3A_624 = arith.constant 1.000000e+00 : f32
    %jit3A_625 = arith.constant 0.000000e+00 : f32
    %broadcast_in_dim3A_626 = vector.broadcast %jit3A_624 : f32 to vector<16xf32>
    %broadcast_in_dim3A_627 = vector.broadcast %jit3A_625 : f32 to vector<16xf32>
    %select_n3A_628 = arith.select %lt3A_623, %broadcast_in_dim3A_626, %broadcast_in_dim3A_627 : vector<16xi1>, vector<16xf32>
    %add3A_629 = arith.addf %add3A_619, %select_n3A_628 : vector<16xf32>
    %lt3A_630 = arith.constant 3.200000e+01 : f32
    %lt3A_631 = vector.broadcast %lt3A_630 : f32 to vector<16xf32>
    %lt3A_632 = arith.cmpf olt, %add3A_629, %lt3A_631 : vector<16xf32>
    %jit3A_633 = arith.constant 1.000000e+00 : f32
    %jit3A_634 = arith.constant 0.000000e+00 : f32
    %broadcast_in_dim3A_635 = vector.broadcast %jit3A_633 : f32 to vector<16xf32>
    %broadcast_in_dim3A_636 = vector.broadcast %jit3A_634 : f32 to vector<16xf32>
    %select_n3A_637 = arith.select %lt3A_632, %broadcast_in_dim3A_635, %broadcast_in_dim3A_636 : vector<16xi1>, vector<16xf32>
    %convert_element_type3A = arith.fptosi %select_n3A_637 : vector<16xf32> to vector<16xi32>
    %swap3A = arith.constant 0 : index
    %swap3A_638 = tpu.vector_load %arg5[%swap3A] {strides = array<i32>} : memref<64xi32, #tpu.memory_space<vmem>>, vector<16xi32>,
    %swap3A_639 = vector.shape_cast %swap3A_638 : vector<16xi32> to vector<16xi32>
    %swap3A_640 = vector.shape_cast %convert_element_type3A : vector<16xi32> to vector<16xi32>
    tpu.vector_store %arg5[%swap3A], %swap3A_640 {strides = array<i32>} : memref<64xi32, #tpu.memory_space<vmem>>, vector<16xi32>,
    %get3A_641 = arith.constant 16 : index
    %get3A_642 = tpu.vector_load %arg4[%get3A_641] {strides = array<i32>} : memref<128xf32, #tpu.memory_space<vmem>>, vector<16xf32>,
    %get3A_643 = vector.shape_cast %get3A_642 : vector<16xf32> to vector<16xf32>
    %get3A_644 = arith.constant 17 : index
    %get3A_645 = tpu.vector_load %arg4[%get3A_644] {strides = array<i32>} : memref<128xf32, #tpu.memory_space<vmem>>, vector<16xf32>,
    %get3A_646 = vector.shape_cast %get3A_645 : vector<16xf32> to vector<16xf32>
    %lt3A_647 = arith.cmpf olt, %get3A_646, %get3A_643 : vector<16xf32>
    %jit3A_648 = arith.constant 1.000000e+00 : f32
    %jit3A_649 = arith.constant 0.000000e+00 : f32
    %broadcast_in_dim3A_650 = vector.broadcast %jit3A_648 : f32 to vector<16xf32>
    %broadcast_in_dim3A_651 = vector.broadcast %jit3A_649 : f32 to vector<16xf32>
    %select_n3A_652 = arith.select %lt3A_647, %broadcast_in_dim3A_650, %broadcast_in_dim3A_651 : vector<16xi1>, vector<16xf32>
    %get3A_653 = arith.constant 18 : index
    %get3A_654 = tpu.vector_load %arg4[%get3A_653] {strides = array<i32>} : memref<128xf32, #tpu.memory_space<vmem>>, vector<16xf32>,
    %get3A_655 = vector.shape_cast %get3A_654 : vector<16xf32> to vector<16xf32>
    %lt3A_656 = arith.cmpf olt, %get3A_655, %get3A_643 : vector<16xf32>
    %jit3A_657 = arith.constant 1.000000e+00 : f32
    %jit3A_658 = arith.constant 0.000000e+00 : f32
    %broadcast_in_dim3A_659 = vector.broadcast %jit3A_657 : f32 to vector<16xf32>
    %broadcast_in_dim3A_660 = vector.broadcast %jit3A_658 : f32 to vector<16xf32>
    %select_n3A_661 = arith.select %lt3A_656, %broadcast_in_dim3A_659, %broadcast_in_dim3A_660 : vector<16xi1>, vector<16xf32>
    %add3A_662 = arith.addf %select_n3A_652, %select_n3A_661 : vector<16xf32>
    %get3A_663 = arith.constant 19 : index
    %get3A_664 = tpu.vector_load %arg4[%get3A_663] {strides = array<i32>} : memref<128xf32, #tpu.memory_space<vmem>>, vector<16xf32>,
    %get3A_665 = vector.shape_cast %get3A_664 : vector<16xf32> to vector<16xf32>
    %lt3A_666 = arith.cmpf olt, %get3A_665, %get3A_643 : vector<16xf32>
    %jit3A_667 = arith.constant 1.000000e+00 : f32
    %jit3A_668 = arith.constant 0.000000e+00 : f32
    %broadcast_in_dim3A_669 = vector.broadcast %jit3A_667 : f32 to vector<16xf32>
    %broadcast_in_dim3A_670 = vector.broadcast %jit3A_668 : f32 to vector<16xf32>
    %select_n3A_671 = arith.select %lt3A_666, %broadcast_in_dim3A_669, %broadcast_in_dim3A_670 : vector<16xi1>, vector<16xf32>
    %add3A_672 = arith.addf %add3A_662, %select_n3A_671 : vector<16xf32>
    %get3A_673 = arith.constant 20 : index
    %get3A_674 = tpu.vector_load %arg4[%get3A_673] {strides = array<i32>} : memref<128xf32, #tpu.memory_space<vmem>>, vector<16xf32>,
    %get3A_675 = vector.shape_cast %get3A_674 : vector<16xf32> to vector<16xf32>
    %lt3A_676 = arith.cmpf olt, %get3A_675, %get3A_643 : vector<16xf32>
    %jit3A_677 = arith.constant 1.000000e+00 : f32
    %jit3A_678 = arith.constant 0.000000e+00 : f32
    %broadcast_in_dim3A_679 = vector.broadcast %jit3A_677 : f32 to vector<16xf32>
    %broadcast_in_dim3A_680 = vector.broadcast %jit3A_678 : f32 to vector<16xf32>
    %select_n3A_681 = arith.select %lt3A_676, %broadcast_in_dim3A_679, %broadcast_in_dim3A_680 : vector<16xi1>, vector<16xf32>
    %add3A_682 = arith.addf %add3A_672, %select_n3A_681 : vector<16xf32>
    %get3A_683 = arith.constant 21 : index
    %get3A_684 = tpu.vector_load %arg4[%get3A_683] {strides = array<i32>} : memref<128xf32, #tpu.memory_space<vmem>>, vector<16xf32>,
    %get3A_685 = vector.shape_cast %get3A_684 : vector<16xf32> to vector<16xf32>
    %lt3A_686 = arith.cmpf olt, %get3A_685, %get3A_643 : vector<16xf32>
    %jit3A_687 = arith.constant 1.000000e+00 : f32
    %jit3A_688 = arith.constant 0.000000e+00 : f32
    %broadcast_in_dim3A_689 = vector.broadcast %jit3A_687 : f32 to vector<16xf32>
    %broadcast_in_dim3A_690 = vector.broadcast %jit3A_688 : f32 to vector<16xf32>
    %select_n3A_691 = arith.select %lt3A_686, %broadcast_in_dim3A_689, %broadcast_in_dim3A_690 : vector<16xi1>, vector<16xf32>
    %add3A_692 = arith.addf %add3A_682, %select_n3A_691 : vector<16xf32>
    %get3A_693 = arith.constant 22 : index
    %get3A_694 = tpu.vector_load %arg4[%get3A_693] {strides = array<i32>} : memref<128xf32, #tpu.memory_space<vmem>>, vector<16xf32>,
    %get3A_695 = vector.shape_cast %get3A_694 : vector<16xf32> to vector<16xf32>
    %lt3A_696 = arith.cmpf olt, %get3A_695, %get3A_643 : vector<16xf32>
    %jit3A_697 = arith.constant 1.000000e+00 : f32
    %jit3A_698 = arith.constant 0.000000e+00 : f32
    %broadcast_in_dim3A_699 = vector.broadcast %jit3A_697 : f32 to vector<16xf32>
    %broadcast_in_dim3A_700 = vector.broadcast %jit3A_698 : f32 to vector<16xf32>
    %select_n3A_701 = arith.select %lt3A_696, %broadcast_in_dim3A_699, %broadcast_in_dim3A_700 : vector<16xi1>, vector<16xf32>
    %add3A_702 = arith.addf %add3A_692, %select_n3A_701 : vector<16xf32>
    %get3A_703 = arith.constant 23 : index
    %get3A_704 = tpu.vector_load %arg4[%get3A_703] {strides = array<i32>} : memref<128xf32, #tpu.memory_space<vmem>>, vector<16xf32>,
    %get3A_705 = vector.shape_cast %get3A_704 : vector<16xf32> to vector<16xf32>
    %lt3A_706 = arith.cmpf olt, %get3A_705, %get3A_643 : vector<16xf32>
    %jit3A_707 = arith.constant 1.000000e+00 : f32
    %jit3A_708 = arith.constant 0.000000e+00 : f32
    %broadcast_in_dim3A_709 = vector.broadcast %jit3A_707 : f32 to vector<16xf32>
    %broadcast_in_dim3A_710 = vector.broadcast %jit3A_708 : f32 to vector<16xf32>
    %select_n3A_711 = arith.select %lt3A_706, %broadcast_in_dim3A_709, %broadcast_in_dim3A_710 : vector<16xi1>, vector<16xf32>
    %add3A_712 = arith.addf %add3A_702, %select_n3A_711 : vector<16xf32>
    %get3A_713 = arith.constant 24 : index
    %get3A_714 = tpu.vector_load %arg4[%get3A_713] {strides = array<i32>} : memref<128xf32, #tpu.memory_space<vmem>>, vector<16xf32>,
    %get3A_715 = vector.shape_cast %get3A_714 : vector<16xf32> to vector<16xf32>
    %lt3A_716 = arith.cmpf olt, %get3A_715, %get3A_643 : vector<16xf32>
    %jit3A_717 = arith.constant 1.000000e+00 : f32
    %jit3A_718 = arith.constant 0.000000e+00 : f32
    %broadcast_in_dim3A_719 = vector.broadcast %jit3A_717 : f32 to vector<16xf32>
    %broadcast_in_dim3A_720 = vector.broadcast %jit3A_718 : f32 to vector<16xf32>
    %select_n3A_721 = arith.select %lt3A_716, %broadcast_in_dim3A_719, %broadcast_in_dim3A_720 : vector<16xi1>, vector<16xf32>
    %add3A_722 = arith.addf %add3A_712, %select_n3A_721 : vector<16xf32>
    %get3A_723 = arith.constant 25 : index
    %get3A_724 = tpu.vector_load %arg4[%get3A_723] {strides = array<i32>} : memref<128xf32, #tpu.memory_space<vmem>>, vector<16xf32>,
    %get3A_725 = vector.shape_cast %get3A_724 : vector<16xf32> to vector<16xf32>
    %lt3A_726 = arith.cmpf olt, %get3A_725, %get3A_643 : vector<16xf32>
    %jit3A_727 = arith.constant 1.000000e+00 : f32
    %jit3A_728 = arith.constant 0.000000e+00 : f32
    %broadcast_in_dim3A_729 = vector.broadcast %jit3A_727 : f32 to vector<16xf32>
    %broadcast_in_dim3A_730 = vector.broadcast %jit3A_728 : f32 to vector<16xf32>
    %select_n3A_731 = arith.select %lt3A_726, %broadcast_in_dim3A_729, %broadcast_in_dim3A_730 : vector<16xi1>, vector<16xf32>
    %add3A_732 = arith.addf %add3A_722, %select_n3A_731 : vector<16xf32>
    %get3A_733 = arith.constant 26 : index
    %get3A_734 = tpu.vector_load %arg4[%get3A_733] {strides = array<i32>} : memref<128xf32, #tpu.memory_space<vmem>>, vector<16xf32>,
    %get3A_735 = vector.shape_cast %get3A_734 : vector<16xf32> to vector<16xf32>
    %lt3A_736 = arith.cmpf olt, %get3A_735, %get3A_643 : vector<16xf32>
    %jit3A_737 = arith.constant 1.000000e+00 : f32
    %jit3A_738 = arith.constant 0.000000e+00 : f32
    %broadcast_in_dim3A_739 = vector.broadcast %jit3A_737 : f32 to vector<16xf32>
    %broadcast_in_dim3A_740 = vector.broadcast %jit3A_738 : f32 to vector<16xf32>
    %select_n3A_741 = arith.select %lt3A_736, %broadcast_in_dim3A_739, %broadcast_in_dim3A_740 : vector<16xi1>, vector<16xf32>
    %add3A_742 = arith.addf %add3A_732, %select_n3A_741 : vector<16xf32>
    %get3A_743 = arith.constant 27 : index
    %get3A_744 = tpu.vector_load %arg4[%get3A_743] {strides = array<i32>} : memref<128xf32, #tpu.memory_space<vmem>>, vector<16xf32>,
    %get3A_745 = vector.shape_cast %get3A_744 : vector<16xf32> to vector<16xf32>
    %lt3A_746 = arith.cmpf olt, %get3A_745, %get3A_643 : vector<16xf32>
    %jit3A_747 = arith.constant 1.000000e+00 : f32
    %jit3A_748 = arith.constant 0.000000e+00 : f32
    %broadcast_in_dim3A_749 = vector.broadcast %jit3A_747 : f32 to vector<16xf32>
    %broadcast_in_dim3A_750 = vector.broadcast %jit3A_748 : f32 to vector<16xf32>
    %select_n3A_751 = arith.select %lt3A_746, %broadcast_in_dim3A_749, %broadcast_in_dim3A_750 : vector<16xi1>, vector<16xf32>
    %add3A_752 = arith.addf %add3A_742, %select_n3A_751 : vector<16xf32>
    %get3A_753 = arith.constant 28 : index
    %get3A_754 = tpu.vector_load %arg4[%get3A_753] {strides = array<i32>} : memref<128xf32, #tpu.memory_space<vmem>>, vector<16xf32>,
    %get3A_755 = vector.shape_cast %get3A_754 : vector<16xf32> to vector<16xf32>
    %lt3A_756 = arith.cmpf olt, %get3A_755, %get3A_643 : vector<16xf32>
    %jit3A_757 = arith.constant 1.000000e+00 : f32
    %jit3A_758 = arith.constant 0.000000e+00 : f32
    %broadcast_in_dim3A_759 = vector.broadcast %jit3A_757 : f32 to vector<16xf32>
    %broadcast_in_dim3A_760 = vector.broadcast %jit3A_758 : f32 to vector<16xf32>
    %select_n3A_761 = arith.select %lt3A_756, %broadcast_in_dim3A_759, %broadcast_in_dim3A_760 : vector<16xi1>, vector<16xf32>
    %add3A_762 = arith.addf %add3A_752, %select_n3A_761 : vector<16xf32>
    %get3A_763 = arith.constant 29 : index
    %get3A_764 = tpu.vector_load %arg4[%get3A_763] {strides = array<i32>} : memref<128xf32, #tpu.memory_space<vmem>>, vector<16xf32>,
    %get3A_765 = vector.shape_cast %get3A_764 : vector<16xf32> to vector<16xf32>
    %lt3A_766 = arith.cmpf olt, %get3A_765, %get3A_643 : vector<16xf32>
    %jit3A_767 = arith.constant 1.000000e+00 : f32
    %jit3A_768 = arith.constant 0.000000e+00 : f32
    %broadcast_in_dim3A_769 = vector.broadcast %jit3A_767 : f32 to vector<16xf32>
    %broadcast_in_dim3A_770 = vector.broadcast %jit3A_768 : f32 to vector<16xf32>
    %select_n3A_771 = arith.select %lt3A_766, %broadcast_in_dim3A_769, %broadcast_in_dim3A_770 : vector<16xi1>, vector<16xf32>
    %add3A_772 = arith.addf %add3A_762, %select_n3A_771 : vector<16xf32>
    %get3A_773 = arith.constant 30 : index
    %get3A_774 = tpu.vector_load %arg4[%get3A_773] {strides = array<i32>} : memref<128xf32, #tpu.memory_space<vmem>>, vector<16xf32>,
    %get3A_775 = vector.shape_cast %get3A_774 : vector<16xf32> to vector<16xf32>
    %lt3A_776 = arith.cmpf olt, %get3A_775, %get3A_643 : vector<16xf32>
    %jit3A_777 = arith.constant 1.000000e+00 : f32
    %jit3A_778 = arith.constant 0.000000e+00 : f32
    %broadcast_in_dim3A_779 = vector.broadcast %jit3A_777 : f32 to vector<16xf32>
    %broadcast_in_dim3A_780 = vector.broadcast %jit3A_778 : f32 to vector<16xf32>
    %select_n3A_781 = arith.select %lt3A_776, %broadcast_in_dim3A_779, %broadcast_in_dim3A_780 : vector<16xi1>, vector<16xf32>
    %add3A_782 = arith.addf %add3A_772, %select_n3A_781 : vector<16xf32>
    %get3A_783 = arith.constant 31 : index
    %get3A_784 = tpu.vector_load %arg4[%get3A_783] {strides = array<i32>} : memref<128xf32, #tpu.memory_space<vmem>>, vector<16xf32>,
    %get3A_785 = vector.shape_cast %get3A_784 : vector<16xf32> to vector<16xf32>
    %lt3A_786 = arith.cmpf olt, %get3A_785, %get3A_643 : vector<16xf32>
    %jit3A_787 = arith.constant 1.000000e+00 : f32
    %jit3A_788 = arith.constant 0.000000e+00 : f32
    %broadcast_in_dim3A_789 = vector.broadcast %jit3A_787 : f32 to vector<16xf32>
    %broadcast_in_dim3A_790 = vector.broadcast %jit3A_788 : f32 to vector<16xf32>
    %select_n3A_791 = arith.select %lt3A_786, %broadcast_in_dim3A_789, %broadcast_in_dim3A_790 : vector<16xi1>, vector<16xf32>
    %add3A_792 = arith.addf %add3A_782, %select_n3A_791 : vector<16xf32>
    %get3A_793 = arith.constant 32 : index
    %get3A_794 = tpu.vector_load %arg4[%get3A_793] {strides = array<i32>} : memref<128xf32, #tpu.memory_space<vmem>>, vector<16xf32>,
    %get3A_795 = vector.shape_cast %get3A_794 : vector<16xf32> to vector<16xf32>
    %lt3A_796 = arith.cmpf olt, %get3A_795, %get3A_643 : vector<16xf32>
    %jit3A_797 = arith.constant 1.000000e+00 : f32
    %jit3A_798 = arith.constant 0.000000e+00 : f32
    %broadcast_in_dim3A_799 = vector.broadcast %jit3A_797 : f32 to vector<16xf32>
    %broadcast_in_dim3A_800 = vector.broadcast %jit3A_798 : f32 to vector<16xf32>
    %select_n3A_801 = arith.select %lt3A_796, %broadcast_in_dim3A_799, %broadcast_in_dim3A_800 : vector<16xi1>, vector<16xf32>
    %add3A_802 = arith.addf %add3A_792, %select_n3A_801 : vector<16xf32>
    %get3A_803 = arith.constant 33 : index
    %get3A_804 = tpu.vector_load %arg4[%get3A_803] {strides = array<i32>} : memref<128xf32, #tpu.memory_space<vmem>>, vector<16xf32>,
    %get3A_805 = vector.shape_cast %get3A_804 : vector<16xf32> to vector<16xf32>
    %lt3A_806 = arith.cmpf olt, %get3A_805, %get3A_643 : vector<16xf32>
    %jit3A_807 = arith.constant 1.000000e+00 : f32
    %jit3A_808 = arith.constant 0.000000e+00 : f32
    %broadcast_in_dim3A_809 = vector.broadcast %jit3A_807 : f32 to vector<16xf32>
    %broadcast_in_dim3A_810 = vector.broadcast %jit3A_808 : f32 to vector<16xf32>
    %select_n3A_811 = arith.select %lt3A_806, %broadcast_in_dim3A_809, %broadcast_in_dim3A_810 : vector<16xi1>, vector<16xf32>
    %add3A_812 = arith.addf %add3A_802, %select_n3A_811 : vector<16xf32>
    %get3A_813 = arith.constant 34 : index
    %get3A_814 = tpu.vector_load %arg4[%get3A_813] {strides = array<i32>} : memref<128xf32, #tpu.memory_space<vmem>>, vector<16xf32>,
    %get3A_815 = vector.shape_cast %get3A_814 : vector<16xf32> to vector<16xf32>
    %lt3A_816 = arith.cmpf olt, %get3A_815, %get3A_643 : vector<16xf32>
    %jit3A_817 = arith.constant 1.000000e+00 : f32
    %jit3A_818 = arith.constant 0.000000e+00 : f32
    %broadcast_in_dim3A_819 = vector.broadcast %jit3A_817 : f32 to vector<16xf32>
    %broadcast_in_dim3A_820 = vector.broadcast %jit3A_818 : f32 to vector<16xf32>
    %select_n3A_821 = arith.select %lt3A_816, %broadcast_in_dim3A_819, %broadcast_in_dim3A_820 : vector<16xi1>, vector<16xf32>
    %add3A_822 = arith.addf %add3A_812, %select_n3A_821 : vector<16xf32>
    %get3A_823 = arith.constant 35 : index
    %get3A_824 = tpu.vector_load %arg4[%get3A_823] {strides = array<i32>} : memref<128xf32, #tpu.memory_space<vmem>>, vector<16xf32>,
    %get3A_825 = vector.shape_cast %get3A_824 : vector<16xf32> to vector<16xf32>
    %lt3A_826 = arith.cmpf olt, %get3A_825, %get3A_643 : vector<16xf32>
    %jit3A_827 = arith.constant 1.000000e+00 : f32
    %jit3A_828 = arith.constant 0.000000e+00 : f32
    %broadcast_in_dim3A_829 = vector.broadcast %jit3A_827 : f32 to vector<16xf32>
    %broadcast_in_dim3A_830 = vector.broadcast %jit3A_828 : f32 to vector<16xf32>
    %select_n3A_831 = arith.select %lt3A_826, %broadcast_in_dim3A_829, %broadcast_in_dim3A_830 : vector<16xi1>, vector<16xf32>
    %add3A_832 = arith.addf %add3A_822, %select_n3A_831 : vector<16xf32>
    %get3A_833 = arith.constant 36 : index
    %get3A_834 = tpu.vector_load %arg4[%get3A_833] {strides = array<i32>} : memref<128xf32, #tpu.memory_space<vmem>>, vector<16xf32>,
    %get3A_835 = vector.shape_cast %get3A_834 : vector<16xf32> to vector<16xf32>
    %lt3A_836 = arith.cmpf olt, %get3A_835, %get3A_643 : vector<16xf32>
    %jit3A_837 = arith.constant 1.000000e+00 : f32
    %jit3A_838 = arith.constant 0.000000e+00 : f32
    %broadcast_in_dim3A_839 = vector.broadcast %jit3A_837 : f32 to vector<16xf32>
    %broadcast_in_dim3A_840 = vector.broadcast %jit3A_838 : f32 to vector<16xf32>
    %select_n3A_841 = arith.select %lt3A_836, %broadcast_in_dim3A_839, %broadcast_in_dim3A_840 : vector<16xi1>, vector<16xf32>
    %add3A_842 = arith.addf %add3A_832, %select_n3A_841 : vector<16xf32>
    %get3A_843 = arith.constant 37 : index
    %get3A_844 = tpu.vector_load %arg4[%get3A_843] {strides = array<i32>} : memref<128xf32, #tpu.memory_space<vmem>>, vector<16xf32>,
    %get3A_845 = vector.shape_cast %get3A_844 : vector<16xf32> to vector<16xf32>
    %lt3A_846 = arith.cmpf olt, %get3A_845, %get3A_643 : vector<16xf32>
    %jit3A_847 = arith.constant 1.000000e+00 : f32
    %jit3A_848 = arith.constant 0.000000e+00 : f32
    %broadcast_in_dim3A_849 = vector.broadcast %jit3A_847 : f32 to vector<16xf32>
    %broadcast_in_dim3A_850 = vector.broadcast %jit3A_848 : f32 to vector<16xf32>
    %select_n3A_851 = arith.select %lt3A_846, %broadcast_in_dim3A_849, %broadcast_in_dim3A_850 : vector<16xi1>, vector<16xf32>
    %add3A_852 = arith.addf %add3A_842, %select_n3A_851 : vector<16xf32>
    %get3A_853 = arith.constant 38 : index
    %get3A_854 = tpu.vector_load %arg4[%get3A_853] {strides = array<i32>} : memref<128xf32, #tpu.memory_space<vmem>>, vector<16xf32>,
    %get3A_855 = vector.shape_cast %get3A_854 : vector<16xf32> to vector<16xf32>
    %lt3A_856 = arith.cmpf olt, %get3A_855, %get3A_643 : vector<16xf32>
    %jit3A_857 = arith.constant 1.000000e+00 : f32
    %jit3A_858 = arith.constant 0.000000e+00 : f32
    %broadcast_in_dim3A_859 = vector.broadcast %jit3A_857 : f32 to vector<16xf32>
    %broadcast_in_dim3A_860 = vector.broadcast %jit3A_858 : f32 to vector<16xf32>
    %select_n3A_861 = arith.select %lt3A_856, %broadcast_in_dim3A_859, %broadcast_in_dim3A_860 : vector<16xi1>, vector<16xf32>
    %add3A_862 = arith.addf %add3A_852, %select_n3A_861 : vector<16xf32>
    %get3A_863 = arith.constant 39 : index
    %get3A_864 = tpu.vector_load %arg4[%get3A_863] {strides = array<i32>} : memref<128xf32, #tpu.memory_space<vmem>>, vector<16xf32>,
    %get3A_865 = vector.shape_cast %get3A_864 : vector<16xf32> to vector<16xf32>
    %lt3A_866 = arith.cmpf olt, %get3A_865, %get3A_643 : vector<16xf32>
    %jit3A_867 = arith.constant 1.000000e+00 : f32
    %jit3A_868 = arith.constant 0.000000e+00 : f32
    %broadcast_in_dim3A_869 = vector.broadcast %jit3A_867 : f32 to vector<16xf32>
    %broadcast_in_dim3A_870 = vector.broadcast %jit3A_868 : f32 to vector<16xf32>
    %select_n3A_871 = arith.select %lt3A_866, %broadcast_in_dim3A_869, %broadcast_in_dim3A_870 : vector<16xi1>, vector<16xf32>
    %add3A_872 = arith.addf %add3A_862, %select_n3A_871 : vector<16xf32>
    %get3A_873 = arith.constant 40 : index
    %get3A_874 = tpu.vector_load %arg4[%get3A_873] {strides = array<i32>} : memref<128xf32, #tpu.memory_space<vmem>>, vector<16xf32>,
    %get3A_875 = vector.shape_cast %get3A_874 : vector<16xf32> to vector<16xf32>
    %lt3A_876 = arith.cmpf olt, %get3A_875, %get3A_643 : vector<16xf32>
    %jit3A_877 = arith.constant 1.000000e+00 : f32
    %jit3A_878 = arith.constant 0.000000e+00 : f32
    %broadcast_in_dim3A_879 = vector.broadcast %jit3A_877 : f32 to vector<16xf32>
    %broadcast_in_dim3A_880 = vector.broadcast %jit3A_878 : f32 to vector<16xf32>
    %select_n3A_881 = arith.select %lt3A_876, %broadcast_in_dim3A_879, %broadcast_in_dim3A_880 : vector<16xi1>, vector<16xf32>
    %add3A_882 = arith.addf %add3A_872, %select_n3A_881 : vector<16xf32>
    %get3A_883 = arith.constant 41 : index
    %get3A_884 = tpu.vector_load %arg4[%get3A_883] {strides = array<i32>} : memref<128xf32, #tpu.memory_space<vmem>>, vector<16xf32>,
    %get3A_885 = vector.shape_cast %get3A_884 : vector<16xf32> to vector<16xf32>
    %lt3A_886 = arith.cmpf olt, %get3A_885, %get3A_643 : vector<16xf32>
    %jit3A_887 = arith.constant 1.000000e+00 : f32
    %jit3A_888 = arith.constant 0.000000e+00 : f32
    %broadcast_in_dim3A_889 = vector.broadcast %jit3A_887 : f32 to vector<16xf32>
    %broadcast_in_dim3A_890 = vector.broadcast %jit3A_888 : f32 to vector<16xf32>
    %select_n3A_891 = arith.select %lt3A_886, %broadcast_in_dim3A_889, %broadcast_in_dim3A_890 : vector<16xi1>, vector<16xf32>
    %add3A_892 = arith.addf %add3A_882, %select_n3A_891 : vector<16xf32>
    %get3A_893 = arith.constant 42 : index
    %get3A_894 = tpu.vector_load %arg4[%get3A_893] {strides = array<i32>} : memref<128xf32, #tpu.memory_space<vmem>>, vector<16xf32>,
    %get3A_895 = vector.shape_cast %get3A_894 : vector<16xf32> to vector<16xf32>
    %lt3A_896 = arith.cmpf olt, %get3A_895, %get3A_643 : vector<16xf32>
    %jit3A_897 = arith.constant 1.000000e+00 : f32
    %jit3A_898 = arith.constant 0.000000e+00 : f32
    %broadcast_in_dim3A_899 = vector.broadcast %jit3A_897 : f32 to vector<16xf32>
    %broadcast_in_dim3A_900 = vector.broadcast %jit3A_898 : f32 to vector<16xf32>
    %select_n3A_901 = arith.select %lt3A_896, %broadcast_in_dim3A_899, %broadcast_in_dim3A_900 : vector<16xi1>, vector<16xf32>
    %add3A_902 = arith.addf %add3A_892, %select_n3A_901 : vector<16xf32>
    %get3A_903 = arith.constant 43 : index
    %get3A_904 = tpu.vector_load %arg4[%get3A_903] {strides = array<i32>} : memref<128xf32, #tpu.memory_space<vmem>>, vector<16xf32>,
    %get3A_905 = vector.shape_cast %get3A_904 : vector<16xf32> to vector<16xf32>
    %lt3A_906 = arith.cmpf olt, %get3A_905, %get3A_643 : vector<16xf32>
    %jit3A_907 = arith.constant 1.000000e+00 : f32
    %jit3A_908 = arith.constant 0.000000e+00 : f32
    %broadcast_in_dim3A_909 = vector.broadcast %jit3A_907 : f32 to vector<16xf32>
    %broadcast_in_dim3A_910 = vector.broadcast %jit3A_908 : f32 to vector<16xf32>
    %select_n3A_911 = arith.select %lt3A_906, %broadcast_in_dim3A_909, %broadcast_in_dim3A_910 : vector<16xi1>, vector<16xf32>
    %add3A_912 = arith.addf %add3A_902, %select_n3A_911 : vector<16xf32>
    %get3A_913 = arith.constant 44 : index
    %get3A_914 = tpu.vector_load %arg4[%get3A_913] {strides = array<i32>} : memref<128xf32, #tpu.memory_space<vmem>>, vector<16xf32>,
    %get3A_915 = vector.shape_cast %get3A_914 : vector<16xf32> to vector<16xf32>
    %lt3A_916 = arith.cmpf olt, %get3A_915, %get3A_643 : vector<16xf32>
    %jit3A_917 = arith.constant 1.000000e+00 : f32
    %jit3A_918 = arith.constant 0.000000e+00 : f32
    %broadcast_in_dim3A_919 = vector.broadcast %jit3A_917 : f32 to vector<16xf32>
    %broadcast_in_dim3A_920 = vector.broadcast %jit3A_918 : f32 to vector<16xf32>
    %select_n3A_921 = arith.select %lt3A_916, %broadcast_in_dim3A_919, %broadcast_in_dim3A_920 : vector<16xi1>, vector<16xf32>
    %add3A_922 = arith.addf %add3A_912, %select_n3A_921 : vector<16xf32>
    %get3A_923 = arith.constant 45 : index
    %get3A_924 = tpu.vector_load %arg4[%get3A_923] {strides = array<i32>} : memref<128xf32, #tpu.memory_space<vmem>>, vector<16xf32>,
    %get3A_925 = vector.shape_cast %get3A_924 : vector<16xf32> to vector<16xf32>
    %lt3A_926 = arith.cmpf olt, %get3A_925, %get3A_643 : vector<16xf32>
    %jit3A_927 = arith.constant 1.000000e+00 : f32
    %jit3A_928 = arith.constant 0.000000e+00 : f32
    %broadcast_in_dim3A_929 = vector.broadcast %jit3A_927 : f32 to vector<16xf32>
    %broadcast_in_dim3A_930 = vector.broadcast %jit3A_928 : f32 to vector<16xf32>
    %select_n3A_931 = arith.select %lt3A_926, %broadcast_in_dim3A_929, %broadcast_in_dim3A_930 : vector<16xi1>, vector<16xf32>
    %add3A_932 = arith.addf %add3A_922, %select_n3A_931 : vector<16xf32>
    %get3A_933 = arith.constant 46 : index
    %get3A_934 = tpu.vector_load %arg4[%get3A_933] {strides = array<i32>} : memref<128xf32, #tpu.memory_space<vmem>>, vector<16xf32>,
    %get3A_935 = vector.shape_cast %get3A_934 : vector<16xf32> to vector<16xf32>
    %lt3A_936 = arith.cmpf olt, %get3A_935, %get3A_643 : vector<16xf32>
    %jit3A_937 = arith.constant 1.000000e+00 : f32
    %jit3A_938 = arith.constant 0.000000e+00 : f32
    %broadcast_in_dim3A_939 = vector.broadcast %jit3A_937 : f32 to vector<16xf32>
    %broadcast_in_dim3A_940 = vector.broadcast %jit3A_938 : f32 to vector<16xf32>
    %select_n3A_941 = arith.select %lt3A_936, %broadcast_in_dim3A_939, %broadcast_in_dim3A_940 : vector<16xi1>, vector<16xf32>
    %add3A_942 = arith.addf %add3A_932, %select_n3A_941 : vector<16xf32>
    %get3A_943 = arith.constant 47 : index
    %get3A_944 = tpu.vector_load %arg4[%get3A_943] {strides = array<i32>} : memref<128xf32, #tpu.memory_space<vmem>>, vector<16xf32>,
    %get3A_945 = vector.shape_cast %get3A_944 : vector<16xf32> to vector<16xf32>
    %lt3A_946 = arith.cmpf olt, %get3A_945, %get3A_643 : vector<16xf32>
    %jit3A_947 = arith.constant 1.000000e+00 : f32
    %jit3A_948 = arith.constant 0.000000e+00 : f32
    %broadcast_in_dim3A_949 = vector.broadcast %jit3A_947 : f32 to vector<16xf32>
    %broadcast_in_dim3A_950 = vector.broadcast %jit3A_948 : f32 to vector<16xf32>
    %select_n3A_951 = arith.select %lt3A_946, %broadcast_in_dim3A_949, %broadcast_in_dim3A_950 : vector<16xi1>, vector<16xf32>
    %add3A_952 = arith.addf %add3A_942, %select_n3A_951 : vector<16xf32>
    %get3A_953 = arith.constant 48 : index
    %get3A_954 = tpu.vector_load %arg4[%get3A_953] {strides = array<i32>} : memref<128xf32, #tpu.memory_space<vmem>>, vector<16xf32>,
    %get3A_955 = vector.shape_cast %get3A_954 : vector<16xf32> to vector<16xf32>
    %lt3A_956 = arith.cmpf olt, %get3A_955, %get3A_643 : vector<16xf32>
    %jit3A_957 = arith.constant 1.000000e+00 : f32
    %jit3A_958 = arith.constant 0.000000e+00 : f32
    %broadcast_in_dim3A_959 = vector.broadcast %jit3A_957 : f32 to vector<16xf32>
    %broadcast_in_dim3A_960 = vector.broadcast %jit3A_958 : f32 to vector<16xf32>
    %select_n3A_961 = arith.select %lt3A_956, %broadcast_in_dim3A_959, %broadcast_in_dim3A_960 : vector<16xi1>, vector<16xf32>
    %add3A_962 = arith.addf %add3A_952, %select_n3A_961 : vector<16xf32>
    %get3A_963 = arith.constant 49 : index
    %get3A_964 = tpu.vector_load %arg4[%get3A_963] {strides = array<i32>} : memref<128xf32, #tpu.memory_space<vmem>>, vector<16xf32>,
    %get3A_965 = vector.shape_cast %get3A_964 : vector<16xf32> to vector<16xf32>
    %lt3A_966 = arith.cmpf olt, %get3A_965, %get3A_643 : vector<16xf32>
    %jit3A_967 = arith.constant 1.000000e+00 : f32
    %jit3A_968 = arith.constant 0.000000e+00 : f32
    %broadcast_in_dim3A_969 = vector.broadcast %jit3A_967 : f32 to vector<16xf32>
    %broadcast_in_dim3A_970 = vector.broadcast %jit3A_968 : f32 to vector<16xf32>
    %select_n3A_971 = arith.select %lt3A_966, %broadcast_in_dim3A_969, %broadcast_in_dim3A_970 : vector<16xi1>, vector<16xf32>
    %add3A_972 = arith.addf %add3A_962, %select_n3A_971 : vector<16xf32>
    %get3A_973 = arith.constant 50 : index
    %get3A_974 = tpu.vector_load %arg4[%get3A_973] {strides = array<i32>} : memref<128xf32, #tpu.memory_space<vmem>>, vector<16xf32>,
    %get3A_975 = vector.shape_cast %get3A_974 : vector<16xf32> to vector<16xf32>
    %lt3A_976 = arith.cmpf olt, %get3A_975, %get3A_643 : vector<16xf32>
    %jit3A_977 = arith.constant 1.000000e+00 : f32
    %jit3A_978 = arith.constant 0.000000e+00 : f32
    %broadcast_in_dim3A_979 = vector.broadcast %jit3A_977 : f32 to vector<16xf32>
    %broadcast_in_dim3A_980 = vector.broadcast %jit3A_978 : f32 to vector<16xf32>
    %select_n3A_981 = arith.select %lt3A_976, %broadcast_in_dim3A_979, %broadcast_in_dim3A_980 : vector<16xi1>, vector<16xf32>
    %add3A_982 = arith.addf %add3A_972, %select_n3A_981 : vector<16xf32>
    %get3A_983 = arith.constant 51 : index
    %get3A_984 = tpu.vector_load %arg4[%get3A_983] {strides = array<i32>} : memref<128xf32, #tpu.memory_space<vmem>>, vector<16xf32>,
    %get3A_985 = vector.shape_cast %get3A_984 : vector<16xf32> to vector<16xf32>
    %lt3A_986 = arith.cmpf olt, %get3A_985, %get3A_643 : vector<16xf32>
    %jit3A_987 = arith.constant 1.000000e+00 : f32
    %jit3A_988 = arith.constant 0.000000e+00 : f32
    %broadcast_in_dim3A_989 = vector.broadcast %jit3A_987 : f32 to vector<16xf32>
    %broadcast_in_dim3A_990 = vector.broadcast %jit3A_988 : f32 to vector<16xf32>
    %select_n3A_991 = arith.select %lt3A_986, %broadcast_in_dim3A_989, %broadcast_in_dim3A_990 : vector<16xi1>, vector<16xf32>
    %add3A_992 = arith.addf %add3A_982, %select_n3A_991 : vector<16xf32>
    %get3A_993 = arith.constant 52 : index
    %get3A_994 = tpu.vector_load %arg4[%get3A_993] {strides = array<i32>} : memref<128xf32, #tpu.memory_space<vmem>>, vector<16xf32>,
    %get3A_995 = vector.shape_cast %get3A_994 : vector<16xf32> to vector<16xf32>
    %lt3A_996 = arith.cmpf olt, %get3A_995, %get3A_643 : vector<16xf32>
    %jit3A_997 = arith.constant 1.000000e+00 : f32
    %jit3A_998 = arith.constant 0.000000e+00 : f32
    %broadcast_in_dim3A_999 = vector.broadcast %jit3A_997 : f32 to vector<16xf32>
    %broadcast_in_dim3A_1000 = vector.broadcast %jit3A_998 : f32 to vector<16xf32>
    %select_n3A_1001 = arith.select %lt3A_996, %broadcast_in_dim3A_999, %broadcast_in_dim3A_1000 : vector<16xi1>, vector<16xf32>
    %add3A_1002 = arith.addf %add3A_992, %select_n3A_1001 : vector<16xf32>
    %get3A_1003 = arith.constant 53 : index
    %get3A_1004 = tpu.vector_load %arg4[%get3A_1003] {strides = array<i32>} : memref<128xf32, #tpu.memory_space<vmem>>, vector<16xf32>,
    %get3A_1005 = vector.shape_cast %get3A_1004 : vector<16xf32> to vector<16xf32>
    %lt3A_1006 = arith.cmpf olt, %get3A_1005, %get3A_643 : vector<16xf32>
    %jit3A_1007 = arith.constant 1.000000e+00 : f32
    %jit3A_1008 = arith.constant 0.000000e+00 : f32
    %broadcast_in_dim3A_1009 = vector.broadcast %jit3A_1007 : f32 to vector<16xf32>
    %broadcast_in_dim3A_1010 = vector.broadcast %jit3A_1008 : f32 to vector<16xf32>
    %select_n3A_1011 = arith.select %lt3A_1006, %broadcast_in_dim3A_1009, %broadcast_in_dim3A_1010 : vector<16xi1>, vector<16xf32>
    %add3A_1012 = arith.addf %add3A_1002, %select_n3A_1011 : vector<16xf32>
    %get3A_1013 = arith.constant 54 : index
    %get3A_1014 = tpu.vector_load %arg4[%get3A_1013] {strides = array<i32>} : memref<128xf32, #tpu.memory_space<vmem>>, vector<16xf32>,
    %get3A_1015 = vector.shape_cast %get3A_1014 : vector<16xf32> to vector<16xf32>
    %lt3A_1016 = arith.cmpf olt, %get3A_1015, %get3A_643 : vector<16xf32>
    %jit3A_1017 = arith.constant 1.000000e+00 : f32
    %jit3A_1018 = arith.constant 0.000000e+00 : f32
    %broadcast_in_dim3A_1019 = vector.broadcast %jit3A_1017 : f32 to vector<16xf32>
    %broadcast_in_dim3A_1020 = vector.broadcast %jit3A_1018 : f32 to vector<16xf32>
    %select_n3A_1021 = arith.select %lt3A_1016, %broadcast_in_dim3A_1019, %broadcast_in_dim3A_1020 : vector<16xi1>, vector<16xf32>
    %add3A_1022 = arith.addf %add3A_1012, %select_n3A_1021 : vector<16xf32>
    %get3A_1023 = arith.constant 55 : index
    %get3A_1024 = tpu.vector_load %arg4[%get3A_1023] {strides = array<i32>} : memref<128xf32, #tpu.memory_space<vmem>>, vector<16xf32>,
    %get3A_1025 = vector.shape_cast %get3A_1024 : vector<16xf32> to vector<16xf32>
    %lt3A_1026 = arith.cmpf olt, %get3A_1025, %get3A_643 : vector<16xf32>
    %jit3A_1027 = arith.constant 1.000000e+00 : f32
    %jit3A_1028 = arith.constant 0.000000e+00 : f32
    %broadcast_in_dim3A_1029 = vector.broadcast %jit3A_1027 : f32 to vector<16xf32>
    %broadcast_in_dim3A_1030 = vector.broadcast %jit3A_1028 : f32 to vector<16xf32>
    %select_n3A_1031 = arith.select %lt3A_1026, %broadcast_in_dim3A_1029, %broadcast_in_dim3A_1030 : vector<16xi1>, vector<16xf32>
    %add3A_1032 = arith.addf %add3A_1022, %select_n3A_1031 : vector<16xf32>
    %get3A_1033 = arith.constant 56 : index
    %get3A_1034 = tpu.vector_load %arg4[%get3A_1033] {strides = array<i32>} : memref<128xf32, #tpu.memory_space<vmem>>, vector<16xf32>,
    %get3A_1035 = vector.shape_cast %get3A_1034 : vector<16xf32> to vector<16xf32>
    %lt3A_1036 = arith.cmpf olt, %get3A_1035, %get3A_643 : vector<16xf32>
    %jit3A_1037 = arith.constant 1.000000e+00 : f32
    %jit3A_1038 = arith.constant 0.000000e+00 : f32
    %broadcast_in_dim3A_1039 = vector.broadcast %jit3A_1037 : f32 to vector<16xf32>
    %broadcast_in_dim3A_1040 = vector.broadcast %jit3A_1038 : f32 to vector<16xf32>
    %select_n3A_1041 = arith.select %lt3A_1036, %broadcast_in_dim3A_1039, %broadcast_in_dim3A_1040 : vector<16xi1>, vector<16xf32>
    %add3A_1042 = arith.addf %add3A_1032, %select_n3A_1041 : vector<16xf32>
    %get3A_1043 = arith.constant 57 : index
    %get3A_1044 = tpu.vector_load %arg4[%get3A_1043] {strides = array<i32>} : memref<128xf32, #tpu.memory_space<vmem>>, vector<16xf32>,
    %get3A_1045 = vector.shape_cast %get3A_1044 : vector<16xf32> to vector<16xf32>
    %lt3A_1046 = arith.cmpf olt, %get3A_1045, %get3A_643 : vector<16xf32>
    %jit3A_1047 = arith.constant 1.000000e+00 : f32
    %jit3A_1048 = arith.constant 0.000000e+00 : f32
    %broadcast_in_dim3A_1049 = vector.broadcast %jit3A_1047 : f32 to vector<16xf32>
    %broadcast_in_dim3A_1050 = vector.broadcast %jit3A_1048 : f32 to vector<16xf32>
    %select_n3A_1051 = arith.select %lt3A_1046, %broadcast_in_dim3A_1049, %broadcast_in_dim3A_1050 : vector<16xi1>, vector<16xf32>
    %add3A_1052 = arith.addf %add3A_1042, %select_n3A_1051 : vector<16xf32>
    %get3A_1053 = arith.constant 58 : index
    %get3A_1054 = tpu.vector_load %arg4[%get3A_1053] {strides = array<i32>} : memref<128xf32, #tpu.memory_space<vmem>>, vector<16xf32>,
    %get3A_1055 = vector.shape_cast %get3A_1054 : vector<16xf32> to vector<16xf32>
    %lt3A_1056 = arith.cmpf olt, %get3A_1055, %get3A_643 : vector<16xf32>
    %jit3A_1057 = arith.constant 1.000000e+00 : f32
    %jit3A_1058 = arith.constant 0.000000e+00 : f32
    %broadcast_in_dim3A_1059 = vector.broadcast %jit3A_1057 : f32 to vector<16xf32>
    %broadcast_in_dim3A_1060 = vector.broadcast %jit3A_1058 : f32 to vector<16xf32>
    %select_n3A_1061 = arith.select %lt3A_1056, %broadcast_in_dim3A_1059, %broadcast_in_dim3A_1060 : vector<16xi1>, vector<16xf32>
    %add3A_1062 = arith.addf %add3A_1052, %select_n3A_1061 : vector<16xf32>
    %get3A_1063 = arith.constant 59 : index
    %get3A_1064 = tpu.vector_load %arg4[%get3A_1063] {strides = array<i32>} : memref<128xf32, #tpu.memory_space<vmem>>, vector<16xf32>,
    %get3A_1065 = vector.shape_cast %get3A_1064 : vector<16xf32> to vector<16xf32>
    %lt3A_1066 = arith.cmpf olt, %get3A_1065, %get3A_643 : vector<16xf32>
    %jit3A_1067 = arith.constant 1.000000e+00 : f32
    %jit3A_1068 = arith.constant 0.000000e+00 : f32
    %broadcast_in_dim3A_1069 = vector.broadcast %jit3A_1067 : f32 to vector<16xf32>
    %broadcast_in_dim3A_1070 = vector.broadcast %jit3A_1068 : f32 to vector<16xf32>
    %select_n3A_1071 = arith.select %lt3A_1066, %broadcast_in_dim3A_1069, %broadcast_in_dim3A_1070 : vector<16xi1>, vector<16xf32>
    %add3A_1072 = arith.addf %add3A_1062, %select_n3A_1071 : vector<16xf32>
    %get3A_1073 = arith.constant 60 : index
    %get3A_1074 = tpu.vector_load %arg4[%get3A_1073] {strides = array<i32>} : memref<128xf32, #tpu.memory_space<vmem>>, vector<16xf32>,
    %get3A_1075 = vector.shape_cast %get3A_1074 : vector<16xf32> to vector<16xf32>
    %lt3A_1076 = arith.cmpf olt, %get3A_1075, %get3A_643 : vector<16xf32>
    %jit3A_1077 = arith.constant 1.000000e+00 : f32
    %jit3A_1078 = arith.constant 0.000000e+00 : f32
    %broadcast_in_dim3A_1079 = vector.broadcast %jit3A_1077 : f32 to vector<16xf32>
    %broadcast_in_dim3A_1080 = vector.broadcast %jit3A_1078 : f32 to vector<16xf32>
    %select_n3A_1081 = arith.select %lt3A_1076, %broadcast_in_dim3A_1079, %broadcast_in_dim3A_1080 : vector<16xi1>, vector<16xf32>
    %add3A_1082 = arith.addf %add3A_1072, %select_n3A_1081 : vector<16xf32>
    %get3A_1083 = arith.constant 61 : index
    %get3A_1084 = tpu.vector_load %arg4[%get3A_1083] {strides = array<i32>} : memref<128xf32, #tpu.memory_space<vmem>>, vector<16xf32>,
    %get3A_1085 = vector.shape_cast %get3A_1084 : vector<16xf32> to vector<16xf32>
    %lt3A_1086 = arith.cmpf olt, %get3A_1085, %get3A_643 : vector<16xf32>
    %jit3A_1087 = arith.constant 1.000000e+00 : f32
    %jit3A_1088 = arith.constant 0.000000e+00 : f32
    %broadcast_in_dim3A_1089 = vector.broadcast %jit3A_1087 : f32 to vector<16xf32>
    %broadcast_in_dim3A_1090 = vector.broadcast %jit3A_1088 : f32 to vector<16xf32>
    %select_n3A_1091 = arith.select %lt3A_1086, %broadcast_in_dim3A_1089, %broadcast_in_dim3A_1090 : vector<16xi1>, vector<16xf32>
    %add3A_1092 = arith.addf %add3A_1082, %select_n3A_1091 : vector<16xf32>
    %get3A_1093 = arith.constant 62 : index
    %get3A_1094 = tpu.vector_load %arg4[%get3A_1093] {strides = array<i32>} : memref<128xf32, #tpu.memory_space<vmem>>, vector<16xf32>,
    %get3A_1095 = vector.shape_cast %get3A_1094 : vector<16xf32> to vector<16xf32>
    %lt3A_1096 = arith.cmpf olt, %get3A_1095, %get3A_643 : vector<16xf32>
    %jit3A_1097 = arith.constant 1.000000e+00 : f32
    %jit3A_1098 = arith.constant 0.000000e+00 : f32
    %broadcast_in_dim3A_1099 = vector.broadcast %jit3A_1097 : f32 to vector<16xf32>
    %broadcast_in_dim3A_1100 = vector.broadcast %jit3A_1098 : f32 to vector<16xf32>
    %select_n3A_1101 = arith.select %lt3A_1096, %broadcast_in_dim3A_1099, %broadcast_in_dim3A_1100 : vector<16xi1>, vector<16xf32>
    %add3A_1102 = arith.addf %add3A_1092, %select_n3A_1101 : vector<16xf32>
    %get3A_1103 = arith.constant 63 : index
    %get3A_1104 = tpu.vector_load %arg4[%get3A_1103] {strides = array<i32>} : memref<128xf32, #tpu.memory_space<vmem>>, vector<16xf32>,
    %get3A_1105 = vector.shape_cast %get3A_1104 : vector<16xf32> to vector<16xf32>
    %lt3A_1106 = arith.cmpf olt, %get3A_1105, %get3A_643 : vector<16xf32>
    %jit3A_1107 = arith.constant 1.000000e+00 : f32
    %jit3A_1108 = arith.constant 0.000000e+00 : f32
    %broadcast_in_dim3A_1109 = vector.broadcast %jit3A_1107 : f32 to vector<16xf32>
    %broadcast_in_dim3A_1110 = vector.broadcast %jit3A_1108 : f32 to vector<16xf32>
    %select_n3A_1111 = arith.select %lt3A_1106, %broadcast_in_dim3A_1109, %broadcast_in_dim3A_1110 : vector<16xi1>, vector<16xf32>
    %add3A_1112 = arith.addf %add3A_1102, %select_n3A_1111 : vector<16xf32>
    %get3A_1113 = arith.constant 64 : index
    %get3A_1114 = tpu.vector_load %arg4[%get3A_1113] {strides = array<i32>} : memref<128xf32, #tpu.memory_space<vmem>>, vector<16xf32>,
    %get3A_1115 = vector.shape_cast %get3A_1114 : vector<16xf32> to vector<16xf32>
    %lt3A_1116 = arith.cmpf olt, %get3A_1115, %get3A_643 : vector<16xf32>
    %jit3A_1117 = arith.constant 1.000000e+00 : f32
    %jit3A_1118 = arith.constant 0.000000e+00 : f32
    %broadcast_in_dim3A_1119 = vector.broadcast %jit3A_1117 : f32 to vector<16xf32>
    %broadcast_in_dim3A_1120 = vector.broadcast %jit3A_1118 : f32 to vector<16xf32>
    %select_n3A_1121 = arith.select %lt3A_1116, %broadcast_in_dim3A_1119, %broadcast_in_dim3A_1120 : vector<16xi1>, vector<16xf32>
    %add3A_1122 = arith.addf %add3A_1112, %select_n3A_1121 : vector<16xf32>
    %get3A_1123 = arith.constant 65 : index
    %get3A_1124 = tpu.vector_load %arg4[%get3A_1123] {strides = array<i32>} : memref<128xf32, #tpu.memory_space<vmem>>, vector<16xf32>,
    %get3A_1125 = vector.shape_cast %get3A_1124 : vector<16xf32> to vector<16xf32>
    %lt3A_1126 = arith.cmpf olt, %get3A_1125, %get3A_643 : vector<16xf32>
    %jit3A_1127 = arith.constant 1.000000e+00 : f32
    %jit3A_1128 = arith.constant 0.000000e+00 : f32
    %broadcast_in_dim3A_1129 = vector.broadcast %jit3A_1127 : f32 to vector<16xf32>
    %broadcast_in_dim3A_1130 = vector.broadcast %jit3A_1128 : f32 to vector<16xf32>
    %select_n3A_1131 = arith.select %lt3A_1126, %broadcast_in_dim3A_1129, %broadcast_in_dim3A_1130 : vector<16xi1>, vector<16xf32>
    %add3A_1132 = arith.addf %add3A_1122, %select_n3A_1131 : vector<16xf32>
    %get3A_1133 = arith.constant 66 : index
    %get3A_1134 = tpu.vector_load %arg4[%get3A_1133] {strides = array<i32>} : memref<128xf32, #tpu.memory_space<vmem>>, vector<16xf32>,
    %get3A_1135 = vector.shape_cast %get3A_1134 : vector<16xf32> to vector<16xf32>
    %lt3A_1136 = arith.cmpf olt, %get3A_1135, %get3A_643 : vector<16xf32>
    %jit3A_1137 = arith.constant 1.000000e+00 : f32
    %jit3A_1138 = arith.constant 0.000000e+00 : f32
    %broadcast_in_dim3A_1139 = vector.broadcast %jit3A_1137 : f32 to vector<16xf32>
    %broadcast_in_dim3A_1140 = vector.broadcast %jit3A_1138 : f32 to vector<16xf32>
    %select_n3A_1141 = arith.select %lt3A_1136, %broadcast_in_dim3A_1139, %broadcast_in_dim3A_1140 : vector<16xi1>, vector<16xf32>
    %add3A_1142 = arith.addf %add3A_1132, %select_n3A_1141 : vector<16xf32>
    %get3A_1143 = arith.constant 67 : index
    %get3A_1144 = tpu.vector_load %arg4[%get3A_1143] {strides = array<i32>} : memref<128xf32, #tpu.memory_space<vmem>>, vector<16xf32>,
    %get3A_1145 = vector.shape_cast %get3A_1144 : vector<16xf32> to vector<16xf32>
    %lt3A_1146 = arith.cmpf olt, %get3A_1145, %get3A_643 : vector<16xf32>
    %jit3A_1147 = arith.constant 1.000000e+00 : f32
    %jit3A_1148 = arith.constant 0.000000e+00 : f32
    %broadcast_in_dim3A_1149 = vector.broadcast %jit3A_1147 : f32 to vector<16xf32>
    %broadcast_in_dim3A_1150 = vector.broadcast %jit3A_1148 : f32 to vector<16xf32>
    %select_n3A_1151 = arith.select %lt3A_1146, %broadcast_in_dim3A_1149, %broadcast_in_dim3A_1150 : vector<16xi1>, vector<16xf32>
    %add3A_1152 = arith.addf %add3A_1142, %select_n3A_1151 : vector<16xf32>
    %get3A_1153 = arith.constant 68 : index
    %get3A_1154 = tpu.vector_load %arg4[%get3A_1153] {strides = array<i32>} : memref<128xf32, #tpu.memory_space<vmem>>, vector<16xf32>,
    %get3A_1155 = vector.shape_cast %get3A_1154 : vector<16xf32> to vector<16xf32>
    %lt3A_1156 = arith.cmpf olt, %get3A_1155, %get3A_643 : vector<16xf32>
    %jit3A_1157 = arith.constant 1.000000e+00 : f32
    %jit3A_1158 = arith.constant 0.000000e+00 : f32
    %broadcast_in_dim3A_1159 = vector.broadcast %jit3A_1157 : f32 to vector<16xf32>
    %broadcast_in_dim3A_1160 = vector.broadcast %jit3A_1158 : f32 to vector<16xf32>
    %select_n3A_1161 = arith.select %lt3A_1156, %broadcast_in_dim3A_1159, %broadcast_in_dim3A_1160 : vector<16xi1>, vector<16xf32>
    %add3A_1162 = arith.addf %add3A_1152, %select_n3A_1161 : vector<16xf32>
    %get3A_1163 = arith.constant 69 : index
    %get3A_1164 = tpu.vector_load %arg4[%get3A_1163] {strides = array<i32>} : memref<128xf32, #tpu.memory_space<vmem>>, vector<16xf32>,
    %get3A_1165 = vector.shape_cast %get3A_1164 : vector<16xf32> to vector<16xf32>
    %lt3A_1166 = arith.cmpf olt, %get3A_1165, %get3A_643 : vector<16xf32>
    %jit3A_1167 = arith.constant 1.000000e+00 : f32
    %jit3A_1168 = arith.constant 0.000000e+00 : f32
    %broadcast_in_dim3A_1169 = vector.broadcast %jit3A_1167 : f32 to vector<16xf32>
    %broadcast_in_dim3A_1170 = vector.broadcast %jit3A_1168 : f32 to vector<16xf32>
    %select_n3A_1171 = arith.select %lt3A_1166, %broadcast_in_dim3A_1169, %broadcast_in_dim3A_1170 : vector<16xi1>, vector<16xf32>
    %add3A_1172 = arith.addf %add3A_1162, %select_n3A_1171 : vector<16xf32>
    %get3A_1173 = arith.constant 70 : index
    %get3A_1174 = tpu.vector_load %arg4[%get3A_1173] {strides = array<i32>} : memref<128xf32, #tpu.memory_space<vmem>>, vector<16xf32>,
    %get3A_1175 = vector.shape_cast %get3A_1174 : vector<16xf32> to vector<16xf32>
    %lt3A_1176 = arith.cmpf olt, %get3A_1175, %get3A_643 : vector<16xf32>
    %jit3A_1177 = arith.constant 1.000000e+00 : f32
    %jit3A_1178 = arith.constant 0.000000e+00 : f32
    %broadcast_in_dim3A_1179 = vector.broadcast %jit3A_1177 : f32 to vector<16xf32>
    %broadcast_in_dim3A_1180 = vector.broadcast %jit3A_1178 : f32 to vector<16xf32>
    %select_n3A_1181 = arith.select %lt3A_1176, %broadcast_in_dim3A_1179, %broadcast_in_dim3A_1180 : vector<16xi1>, vector<16xf32>
    %add3A_1182 = arith.addf %add3A_1172, %select_n3A_1181 : vector<16xf32>
    %get3A_1183 = arith.constant 71 : index
    %get3A_1184 = tpu.vector_load %arg4[%get3A_1183] {strides = array<i32>} : memref<128xf32, #tpu.memory_space<vmem>>, vector<16xf32>,
    %get3A_1185 = vector.shape_cast %get3A_1184 : vector<16xf32> to vector<16xf32>
    %lt3A_1186 = arith.cmpf olt, %get3A_1185, %get3A_643 : vector<16xf32>
    %jit3A_1187 = arith.constant 1.000000e+00 : f32
    %jit3A_1188 = arith.constant 0.000000e+00 : f32
    %broadcast_in_dim3A_1189 = vector.broadcast %jit3A_1187 : f32 to vector<16xf32>
    %broadcast_in_dim3A_1190 = vector.broadcast %jit3A_1188 : f32 to vector<16xf32>
    %select_n3A_1191 = arith.select %lt3A_1186, %broadcast_in_dim3A_1189, %broadcast_in_dim3A_1190 : vector<16xi1>, vector<16xf32>
    %add3A_1192 = arith.addf %add3A_1182, %select_n3A_1191 : vector<16xf32>
    %get3A_1193 = arith.constant 72 : index
    %get3A_1194 = tpu.vector_load %arg4[%get3A_1193] {strides = array<i32>} : memref<128xf32, #tpu.memory_space<vmem>>, vector<16xf32>,
    %get3A_1195 = vector.shape_cast %get3A_1194 : vector<16xf32> to vector<16xf32>
    %lt3A_1196 = arith.cmpf olt, %get3A_1195, %get3A_643 : vector<16xf32>
    %jit3A_1197 = arith.constant 1.000000e+00 : f32
    %jit3A_1198 = arith.constant 0.000000e+00 : f32
    %broadcast_in_dim3A_1199 = vector.broadcast %jit3A_1197 : f32 to vector<16xf32>
    %broadcast_in_dim3A_1200 = vector.broadcast %jit3A_1198 : f32 to vector<16xf32>
    %select_n3A_1201 = arith.select %lt3A_1196, %broadcast_in_dim3A_1199, %broadcast_in_dim3A_1200 : vector<16xi1>, vector<16xf32>
    %add3A_1202 = arith.addf %add3A_1192, %select_n3A_1201 : vector<16xf32>
    %get3A_1203 = arith.constant 73 : index
    %get3A_1204 = tpu.vector_load %arg4[%get3A_1203] {strides = array<i32>} : memref<128xf32, #tpu.memory_space<vmem>>, vector<16xf32>,
    %get3A_1205 = vector.shape_cast %get3A_1204 : vector<16xf32> to vector<16xf32>
    %lt3A_1206 = arith.cmpf olt, %get3A_1205, %get3A_643 : vector<16xf32>
    %jit3A_1207 = arith.constant 1.000000e+00 : f32
    %jit3A_1208 = arith.constant 0.000000e+00 : f32
    %broadcast_in_dim3A_1209 = vector.broadcast %jit3A_1207 : f32 to vector<16xf32>
    %broadcast_in_dim3A_1210 = vector.broadcast %jit3A_1208 : f32 to vector<16xf32>
    %select_n3A_1211 = arith.select %lt3A_1206, %broadcast_in_dim3A_1209, %broadcast_in_dim3A_1210 : vector<16xi1>, vector<16xf32>
    %add3A_1212 = arith.addf %add3A_1202, %select_n3A_1211 : vector<16xf32>
    %get3A_1213 = arith.constant 74 : index
    %get3A_1214 = tpu.vector_load %arg4[%get3A_1213] {strides = array<i32>} : memref<128xf32, #tpu.memory_space<vmem>>, vector<16xf32>,
    %get3A_1215 = vector.shape_cast %get3A_1214 : vector<16xf32> to vector<16xf32>
    %lt3A_1216 = arith.cmpf olt, %get3A_1215, %get3A_643 : vector<16xf32>
    %jit3A_1217 = arith.constant 1.000000e+00 : f32
    %jit3A_1218 = arith.constant 0.000000e+00 : f32
    %broadcast_in_dim3A_1219 = vector.broadcast %jit3A_1217 : f32 to vector<16xf32>
    %broadcast_in_dim3A_1220 = vector.broadcast %jit3A_1218 : f32 to vector<16xf32>
    %select_n3A_1221 = arith.select %lt3A_1216, %broadcast_in_dim3A_1219, %broadcast_in_dim3A_1220 : vector<16xi1>, vector<16xf32>
    %add3A_1222 = arith.addf %add3A_1212, %select_n3A_1221 : vector<16xf32>
    %get3A_1223 = arith.constant 75 : index
    %get3A_1224 = tpu.vector_load %arg4[%get3A_1223] {strides = array<i32>} : memref<128xf32, #tpu.memory_space<vmem>>, vector<16xf32>,
    %get3A_1225 = vector.shape_cast %get3A_1224 : vector<16xf32> to vector<16xf32>
    %lt3A_1226 = arith.cmpf olt, %get3A_1225, %get3A_643 : vector<16xf32>
    %jit3A_1227 = arith.constant 1.000000e+00 : f32
    %jit3A_1228 = arith.constant 0.000000e+00 : f32
    %broadcast_in_dim3A_1229 = vector.broadcast %jit3A_1227 : f32 to vector<16xf32>
    %broadcast_in_dim3A_1230 = vector.broadcast %jit3A_1228 : f32 to vector<16xf32>
    %select_n3A_1231 = arith.select %lt3A_1226, %broadcast_in_dim3A_1229, %broadcast_in_dim3A_1230 : vector<16xi1>, vector<16xf32>
    %add3A_1232 = arith.addf %add3A_1222, %select_n3A_1231 : vector<16xf32>
    %get3A_1233 = arith.constant 76 : index
    %get3A_1234 = tpu.vector_load %arg4[%get3A_1233] {strides = array<i32>} : memref<128xf32, #tpu.memory_space<vmem>>, vector<16xf32>,
    %get3A_1235 = vector.shape_cast %get3A_1234 : vector<16xf32> to vector<16xf32>
    %lt3A_1236 = arith.cmpf olt, %get3A_1235, %get3A_643 : vector<16xf32>
    %jit3A_1237 = arith.constant 1.000000e+00 : f32
    %jit3A_1238 = arith.constant 0.000000e+00 : f32
    %broadcast_in_dim3A_1239 = vector.broadcast %jit3A_1237 : f32 to vector<16xf32>
    %broadcast_in_dim3A_1240 = vector.broadcast %jit3A_1238 : f32 to vector<16xf32>
    %select_n3A_1241 = arith.select %lt3A_1236, %broadcast_in_dim3A_1239, %broadcast_in_dim3A_1240 : vector<16xi1>, vector<16xf32>
    %add3A_1242 = arith.addf %add3A_1232, %select_n3A_1241 : vector<16xf32>
    %get3A_1243 = arith.constant 77 : index
    %get3A_1244 = tpu.vector_load %arg4[%get3A_1243] {strides = array<i32>} : memref<128xf32, #tpu.memory_space<vmem>>, vector<16xf32>,
    %get3A_1245 = vector.shape_cast %get3A_1244 : vector<16xf32> to vector<16xf32>
    %lt3A_1246 = arith.cmpf olt, %get3A_1245, %get3A_643 : vector<16xf32>
    %jit3A_1247 = arith.constant 1.000000e+00 : f32
    %jit3A_1248 = arith.constant 0.000000e+00 : f32
    %broadcast_in_dim3A_1249 = vector.broadcast %jit3A_1247 : f32 to vector<16xf32>
    %broadcast_in_dim3A_1250 = vector.broadcast %jit3A_1248 : f32 to vector<16xf32>
    %select_n3A_1251 = arith.select %lt3A_1246, %broadcast_in_dim3A_1249, %broadcast_in_dim3A_1250 : vector<16xi1>, vector<16xf32>
    %add3A_1252 = arith.addf %add3A_1242, %select_n3A_1251 : vector<16xf32>
    %get3A_1253 = arith.constant 78 : index
    %get3A_1254 = tpu.vector_load %arg4[%get3A_1253] {strides = array<i32>} : memref<128xf32, #tpu.memory_space<vmem>>, vector<16xf32>,
    %get3A_1255 = vector.shape_cast %get3A_1254 : vector<16xf32> to vector<16xf32>
    %lt3A_1256 = arith.cmpf olt, %get3A_1255, %get3A_643 : vector<16xf32>
    %jit3A_1257 = arith.constant 1.000000e+00 : f32
    %jit3A_1258 = arith.constant 0.000000e+00 : f32
    %broadcast_in_dim3A_1259 = vector.broadcast %jit3A_1257 : f32 to vector<16xf32>
    %broadcast_in_dim3A_1260 = vector.broadcast %jit3A_1258 : f32 to vector<16xf32>
    %select_n3A_1261 = arith.select %lt3A_1256, %broadcast_in_dim3A_1259, %broadcast_in_dim3A_1260 : vector<16xi1>, vector<16xf32>
    %add3A_1262 = arith.addf %add3A_1252, %select_n3A_1261 : vector<16xf32>
    %get3A_1263 = arith.constant 79 : index
    %get3A_1264 = tpu.vector_load %arg4[%get3A_1263] {strides = array<i32>} : memref<128xf32, #tpu.memory_space<vmem>>, vector<16xf32>,
    %get3A_1265 = vector.shape_cast %get3A_1264 : vector<16xf32> to vector<16xf32>
    %lt3A_1266 = arith.cmpf olt, %get3A_1265, %get3A_643 : vector<16xf32>
    %jit3A_1267 = arith.constant 1.000000e+00 : f32
    %jit3A_1268 = arith.constant 0.000000e+00 : f32
    %broadcast_in_dim3A_1269 = vector.broadcast %jit3A_1267 : f32 to vector<16xf32>
    %broadcast_in_dim3A_1270 = vector.broadcast %jit3A_1268 : f32 to vector<16xf32>
    %select_n3A_1271 = arith.select %lt3A_1266, %broadcast_in_dim3A_1269, %broadcast_in_dim3A_1270 : vector<16xi1>, vector<16xf32>
    %add3A_1272 = arith.addf %add3A_1262, %select_n3A_1271 : vector<16xf32>
    %lt3A_1273 = arith.constant 3.200000e+01 : f32
    %lt3A_1274 = vector.broadcast %lt3A_1273 : f32 to vector<16xf32>
    %lt3A_1275 = arith.cmpf olt, %add3A_1272, %lt3A_1274 : vector<16xf32>
    %jit3A_1276 = arith.constant 1.000000e+00 : f32
    %jit3A_1277 = arith.constant 0.000000e+00 : f32
    %broadcast_in_dim3A_1278 = vector.broadcast %jit3A_1276 : f32 to vector<16xf32>
    %broadcast_in_dim3A_1279 = vector.broadcast %jit3A_1277 : f32 to vector<16xf32>
    %select_n3A_1280 = arith.select %lt3A_1275, %broadcast_in_dim3A_1278, %broadcast_in_dim3A_1279 : vector<16xi1>, vector<16xf32>
    %convert_element_type3A_1281 = arith.fptosi %select_n3A_1280 : vector<16xf32> to vector<16xi32>
    %swap3A_1282 = arith.constant 16 : index
    %swap3A_1283 = tpu.vector_load %arg5[%swap3A_1282] {strides = array<i32>} : memref<64xi32, #tpu.memory_space<vmem>>, vector<16xi32>,
    %swap3A_1284 = vector.shape_cast %swap3A_1283 : vector<16xi32> to vector<16xi32>
    %swap3A_1285 = vector.shape_cast %convert_element_type3A_1281 : vector<16xi32> to vector<16xi32>
    tpu.vector_store %arg5[%swap3A_1282], %swap3A_1285 {strides = array<i32>} : memref<64xi32, #tpu.memory_space<vmem>>, vector<16xi32>,
    %get3A_1286 = arith.constant 32 : index
    %get3A_1287 = tpu.vector_load %arg4[%get3A_1286] {strides = array<i32>} : memref<128xf32, #tpu.memory_space<vmem>>, vector<16xf32>,
    %get3A_1288 = vector.shape_cast %get3A_1287 : vector<16xf32> to vector<16xf32>
    %get3A_1289 = arith.constant 33 : index
    %get3A_1290 = tpu.vector_load %arg4[%get3A_1289] {strides = array<i32>} : memref<128xf32, #tpu.memory_space<vmem>>, vector<16xf32>,
    %get3A_1291 = vector.shape_cast %get3A_1290 : vector<16xf32> to vector<16xf32>
    %lt3A_1292 = arith.cmpf olt, %get3A_1291, %get3A_1288 : vector<16xf32>
    %jit3A_1293 = arith.constant 1.000000e+00 : f32
    %jit3A_1294 = arith.constant 0.000000e+00 : f32
    %broadcast_in_dim3A_1295 = vector.broadcast %jit3A_1293 : f32 to vector<16xf32>
    %broadcast_in_dim3A_1296 = vector.broadcast %jit3A_1294 : f32 to vector<16xf32>
    %select_n3A_1297 = arith.select %lt3A_1292, %broadcast_in_dim3A_1295, %broadcast_in_dim3A_1296 : vector<16xi1>, vector<16xf32>
    %get3A_1298 = arith.constant 34 : index
    %get3A_1299 = tpu.vector_load %arg4[%get3A_1298] {strides = array<i32>} : memref<128xf32, #tpu.memory_space<vmem>>, vector<16xf32>,
    %get3A_1300 = vector.shape_cast %get3A_1299 : vector<16xf32> to vector<16xf32>
    %lt3A_1301 = arith.cmpf olt, %get3A_1300, %get3A_1288 : vector<16xf32>
    %jit3A_1302 = arith.constant 1.000000e+00 : f32
    %jit3A_1303 = arith.constant 0.000000e+00 : f32
    %broadcast_in_dim3A_1304 = vector.broadcast %jit3A_1302 : f32 to vector<16xf32>
    %broadcast_in_dim3A_1305 = vector.broadcast %jit3A_1303 : f32 to vector<16xf32>
    %select_n3A_1306 = arith.select %lt3A_1301, %broadcast_in_dim3A_1304, %broadcast_in_dim3A_1305 : vector<16xi1>, vector<16xf32>
    %add3A_1307 = arith.addf %select_n3A_1297, %select_n3A_1306 : vector<16xf32>
    %get3A_1308 = arith.constant 35 : index
    %get3A_1309 = tpu.vector_load %arg4[%get3A_1308] {strides = array<i32>} : memref<128xf32, #tpu.memory_space<vmem>>, vector<16xf32>,
    %get3A_1310 = vector.shape_cast %get3A_1309 : vector<16xf32> to vector<16xf32>
    %lt3A_1311 = arith.cmpf olt, %get3A_1310, %get3A_1288 : vector<16xf32>
    %jit3A_1312 = arith.constant 1.000000e+00 : f32
    %jit3A_1313 = arith.constant 0.000000e+00 : f32
    %broadcast_in_dim3A_1314 = vector.broadcast %jit3A_1312 : f32 to vector<16xf32>
    %broadcast_in_dim3A_1315 = vector.broadcast %jit3A_1313 : f32 to vector<16xf32>
    %select_n3A_1316 = arith.select %lt3A_1311, %broadcast_in_dim3A_1314, %broadcast_in_dim3A_1315 : vector<16xi1>, vector<16xf32>
    %add3A_1317 = arith.addf %add3A_1307, %select_n3A_1316 : vector<16xf32>
    %get3A_1318 = arith.constant 36 : index
    %get3A_1319 = tpu.vector_load %arg4[%get3A_1318] {strides = array<i32>} : memref<128xf32, #tpu.memory_space<vmem>>, vector<16xf32>,
    %get3A_1320 = vector.shape_cast %get3A_1319 : vector<16xf32> to vector<16xf32>
    %lt3A_1321 = arith.cmpf olt, %get3A_1320, %get3A_1288 : vector<16xf32>
    %jit3A_1322 = arith.constant 1.000000e+00 : f32
    %jit3A_1323 = arith.constant 0.000000e+00 : f32
    %broadcast_in_dim3A_1324 = vector.broadcast %jit3A_1322 : f32 to vector<16xf32>
    %broadcast_in_dim3A_1325 = vector.broadcast %jit3A_1323 : f32 to vector<16xf32>
    %select_n3A_1326 = arith.select %lt3A_1321, %broadcast_in_dim3A_1324, %broadcast_in_dim3A_1325 : vector<16xi1>, vector<16xf32>
    %add3A_1327 = arith.addf %add3A_1317, %select_n3A_1326 : vector<16xf32>
    %get3A_1328 = arith.constant 37 : index
    %get3A_1329 = tpu.vector_load %arg4[%get3A_1328] {strides = array<i32>} : memref<128xf32, #tpu.memory_space<vmem>>, vector<16xf32>,
    %get3A_1330 = vector.shape_cast %get3A_1329 : vector<16xf32> to vector<16xf32>
    %lt3A_1331 = arith.cmpf olt, %get3A_1330, %get3A_1288 : vector<16xf32>
    %jit3A_1332 = arith.constant 1.000000e+00 : f32
    %jit3A_1333 = arith.constant 0.000000e+00 : f32
    %broadcast_in_dim3A_1334 = vector.broadcast %jit3A_1332 : f32 to vector<16xf32>
    %broadcast_in_dim3A_1335 = vector.broadcast %jit3A_1333 : f32 to vector<16xf32>
    %select_n3A_1336 = arith.select %lt3A_1331, %broadcast_in_dim3A_1334, %broadcast_in_dim3A_1335 : vector<16xi1>, vector<16xf32>
    %add3A_1337 = arith.addf %add3A_1327, %select_n3A_1336 : vector<16xf32>
    %get3A_1338 = arith.constant 38 : index
    %get3A_1339 = tpu.vector_load %arg4[%get3A_1338] {strides = array<i32>} : memref<128xf32, #tpu.memory_space<vmem>>, vector<16xf32>,
    %get3A_1340 = vector.shape_cast %get3A_1339 : vector<16xf32> to vector<16xf32>
    %lt3A_1341 = arith.cmpf olt, %get3A_1340, %get3A_1288 : vector<16xf32>
    %jit3A_1342 = arith.constant 1.000000e+00 : f32
    %jit3A_1343 = arith.constant 0.000000e+00 : f32
    %broadcast_in_dim3A_1344 = vector.broadcast %jit3A_1342 : f32 to vector<16xf32>
    %broadcast_in_dim3A_1345 = vector.broadcast %jit3A_1343 : f32 to vector<16xf32>
    %select_n3A_1346 = arith.select %lt3A_1341, %broadcast_in_dim3A_1344, %broadcast_in_dim3A_1345 : vector<16xi1>, vector<16xf32>
    %add3A_1347 = arith.addf %add3A_1337, %select_n3A_1346 : vector<16xf32>
    %get3A_1348 = arith.constant 39 : index
    %get3A_1349 = tpu.vector_load %arg4[%get3A_1348] {strides = array<i32>} : memref<128xf32, #tpu.memory_space<vmem>>, vector<16xf32>,
    %get3A_1350 = vector.shape_cast %get3A_1349 : vector<16xf32> to vector<16xf32>
    %lt3A_1351 = arith.cmpf olt, %get3A_1350, %get3A_1288 : vector<16xf32>
    %jit3A_1352 = arith.constant 1.000000e+00 : f32
    %jit3A_1353 = arith.constant 0.000000e+00 : f32
    %broadcast_in_dim3A_1354 = vector.broadcast %jit3A_1352 : f32 to vector<16xf32>
    %broadcast_in_dim3A_1355 = vector.broadcast %jit3A_1353 : f32 to vector<16xf32>
    %select_n3A_1356 = arith.select %lt3A_1351, %broadcast_in_dim3A_1354, %broadcast_in_dim3A_1355 : vector<16xi1>, vector<16xf32>
    %add3A_1357 = arith.addf %add3A_1347, %select_n3A_1356 : vector<16xf32>
    %get3A_1358 = arith.constant 40 : index
    %get3A_1359 = tpu.vector_load %arg4[%get3A_1358] {strides = array<i32>} : memref<128xf32, #tpu.memory_space<vmem>>, vector<16xf32>,
    %get3A_1360 = vector.shape_cast %get3A_1359 : vector<16xf32> to vector<16xf32>
    %lt3A_1361 = arith.cmpf olt, %get3A_1360, %get3A_1288 : vector<16xf32>
    %jit3A_1362 = arith.constant 1.000000e+00 : f32
    %jit3A_1363 = arith.constant 0.000000e+00 : f32
    %broadcast_in_dim3A_1364 = vector.broadcast %jit3A_1362 : f32 to vector<16xf32>
    %broadcast_in_dim3A_1365 = vector.broadcast %jit3A_1363 : f32 to vector<16xf32>
    %select_n3A_1366 = arith.select %lt3A_1361, %broadcast_in_dim3A_1364, %broadcast_in_dim3A_1365 : vector<16xi1>, vector<16xf32>
    %add3A_1367 = arith.addf %add3A_1357, %select_n3A_1366 : vector<16xf32>
    %get3A_1368 = arith.constant 41 : index
    %get3A_1369 = tpu.vector_load %arg4[%get3A_1368] {strides = array<i32>} : memref<128xf32, #tpu.memory_space<vmem>>, vector<16xf32>,
    %get3A_1370 = vector.shape_cast %get3A_1369 : vector<16xf32> to vector<16xf32>
    %lt3A_1371 = arith.cmpf olt, %get3A_1370, %get3A_1288 : vector<16xf32>
    %jit3A_1372 = arith.constant 1.000000e+00 : f32
    %jit3A_1373 = arith.constant 0.000000e+00 : f32
    %broadcast_in_dim3A_1374 = vector.broadcast %jit3A_1372 : f32 to vector<16xf32>
    %broadcast_in_dim3A_1375 = vector.broadcast %jit3A_1373 : f32 to vector<16xf32>
    %select_n3A_1376 = arith.select %lt3A_1371, %broadcast_in_dim3A_1374, %broadcast_in_dim3A_1375 : vector<16xi1>, vector<16xf32>
    %add3A_1377 = arith.addf %add3A_1367, %select_n3A_1376 : vector<16xf32>
    %get3A_1378 = arith.constant 42 : index
    %get3A_1379 = tpu.vector_load %arg4[%get3A_1378] {strides = array<i32>} : memref<128xf32, #tpu.memory_space<vmem>>, vector<16xf32>,
    %get3A_1380 = vector.shape_cast %get3A_1379 : vector<16xf32> to vector<16xf32>
    %lt3A_1381 = arith.cmpf olt, %get3A_1380, %get3A_1288 : vector<16xf32>
    %jit3A_1382 = arith.constant 1.000000e+00 : f32
    %jit3A_1383 = arith.constant 0.000000e+00 : f32
    %broadcast_in_dim3A_1384 = vector.broadcast %jit3A_1382 : f32 to vector<16xf32>
    %broadcast_in_dim3A_1385 = vector.broadcast %jit3A_1383 : f32 to vector<16xf32>
    %select_n3A_1386 = arith.select %lt3A_1381, %broadcast_in_dim3A_1384, %broadcast_in_dim3A_1385 : vector<16xi1>, vector<16xf32>
    %add3A_1387 = arith.addf %add3A_1377, %select_n3A_1386 : vector<16xf32>
    %get3A_1388 = arith.constant 43 : index
    %get3A_1389 = tpu.vector_load %arg4[%get3A_1388] {strides = array<i32>} : memref<128xf32, #tpu.memory_space<vmem>>, vector<16xf32>,
    %get3A_1390 = vector.shape_cast %get3A_1389 : vector<16xf32> to vector<16xf32>
    %lt3A_1391 = arith.cmpf olt, %get3A_1390, %get3A_1288 : vector<16xf32>
    %jit3A_1392 = arith.constant 1.000000e+00 : f32
    %jit3A_1393 = arith.constant 0.000000e+00 : f32
    %broadcast_in_dim3A_1394 = vector.broadcast %jit3A_1392 : f32 to vector<16xf32>
    %broadcast_in_dim3A_1395 = vector.broadcast %jit3A_1393 : f32 to vector<16xf32>
    %select_n3A_1396 = arith.select %lt3A_1391, %broadcast_in_dim3A_1394, %broadcast_in_dim3A_1395 : vector<16xi1>, vector<16xf32>
    %add3A_1397 = arith.addf %add3A_1387, %select_n3A_1396 : vector<16xf32>
    %get3A_1398 = arith.constant 44 : index
    %get3A_1399 = tpu.vector_load %arg4[%get3A_1398] {strides = array<i32>} : memref<128xf32, #tpu.memory_space<vmem>>, vector<16xf32>,
    %get3A_1400 = vector.shape_cast %get3A_1399 : vector<16xf32> to vector<16xf32>
    %lt3A_1401 = arith.cmpf olt, %get3A_1400, %get3A_1288 : vector<16xf32>
    %jit3A_1402 = arith.constant 1.000000e+00 : f32
    %jit3A_1403 = arith.constant 0.000000e+00 : f32
    %broadcast_in_dim3A_1404 = vector.broadcast %jit3A_1402 : f32 to vector<16xf32>
    %broadcast_in_dim3A_1405 = vector.broadcast %jit3A_1403 : f32 to vector<16xf32>
    %select_n3A_1406 = arith.select %lt3A_1401, %broadcast_in_dim3A_1404, %broadcast_in_dim3A_1405 : vector<16xi1>, vector<16xf32>
    %add3A_1407 = arith.addf %add3A_1397, %select_n3A_1406 : vector<16xf32>
    %get3A_1408 = arith.constant 45 : index
    %get3A_1409 = tpu.vector_load %arg4[%get3A_1408] {strides = array<i32>} : memref<128xf32, #tpu.memory_space<vmem>>, vector<16xf32>,
    %get3A_1410 = vector.shape_cast %get3A_1409 : vector<16xf32> to vector<16xf32>
    %lt3A_1411 = arith.cmpf olt, %get3A_1410, %get3A_1288 : vector<16xf32>
    %jit3A_1412 = arith.constant 1.000000e+00 : f32
    %jit3A_1413 = arith.constant 0.000000e+00 : f32
    %broadcast_in_dim3A_1414 = vector.broadcast %jit3A_1412 : f32 to vector<16xf32>
    %broadcast_in_dim3A_1415 = vector.broadcast %jit3A_1413 : f32 to vector<16xf32>
    %select_n3A_1416 = arith.select %lt3A_1411, %broadcast_in_dim3A_1414, %broadcast_in_dim3A_1415 : vector<16xi1>, vector<16xf32>
    %add3A_1417 = arith.addf %add3A_1407, %select_n3A_1416 : vector<16xf32>
    %get3A_1418 = arith.constant 46 : index
    %get3A_1419 = tpu.vector_load %arg4[%get3A_1418] {strides = array<i32>} : memref<128xf32, #tpu.memory_space<vmem>>, vector<16xf32>,
    %get3A_1420 = vector.shape_cast %get3A_1419 : vector<16xf32> to vector<16xf32>
    %lt3A_1421 = arith.cmpf olt, %get3A_1420, %get3A_1288 : vector<16xf32>
    %jit3A_1422 = arith.constant 1.000000e+00 : f32
    %jit3A_1423 = arith.constant 0.000000e+00 : f32
    %broadcast_in_dim3A_1424 = vector.broadcast %jit3A_1422 : f32 to vector<16xf32>
    %broadcast_in_dim3A_1425 = vector.broadcast %jit3A_1423 : f32 to vector<16xf32>
    %select_n3A_1426 = arith.select %lt3A_1421, %broadcast_in_dim3A_1424, %broadcast_in_dim3A_1425 : vector<16xi1>, vector<16xf32>
    %add3A_1427 = arith.addf %add3A_1417, %select_n3A_1426 : vector<16xf32>
    %get3A_1428 = arith.constant 47 : index
    %get3A_1429 = tpu.vector_load %arg4[%get3A_1428] {strides = array<i32>} : memref<128xf32, #tpu.memory_space<vmem>>, vector<16xf32>,
    %get3A_1430 = vector.shape_cast %get3A_1429 : vector<16xf32> to vector<16xf32>
    %lt3A_1431 = arith.cmpf olt, %get3A_1430, %get3A_1288 : vector<16xf32>
    %jit3A_1432 = arith.constant 1.000000e+00 : f32
    %jit3A_1433 = arith.constant 0.000000e+00 : f32
    %broadcast_in_dim3A_1434 = vector.broadcast %jit3A_1432 : f32 to vector<16xf32>
    %broadcast_in_dim3A_1435 = vector.broadcast %jit3A_1433 : f32 to vector<16xf32>
    %select_n3A_1436 = arith.select %lt3A_1431, %broadcast_in_dim3A_1434, %broadcast_in_dim3A_1435 : vector<16xi1>, vector<16xf32>
    %add3A_1437 = arith.addf %add3A_1427, %select_n3A_1436 : vector<16xf32>
    %get3A_1438 = arith.constant 48 : index
    %get3A_1439 = tpu.vector_load %arg4[%get3A_1438] {strides = array<i32>} : memref<128xf32, #tpu.memory_space<vmem>>, vector<16xf32>,
    %get3A_1440 = vector.shape_cast %get3A_1439 : vector<16xf32> to vector<16xf32>
    %lt3A_1441 = arith.cmpf olt, %get3A_1440, %get3A_1288 : vector<16xf32>
    %jit3A_1442 = arith.constant 1.000000e+00 : f32
    %jit3A_1443 = arith.constant 0.000000e+00 : f32
    %broadcast_in_dim3A_1444 = vector.broadcast %jit3A_1442 : f32 to vector<16xf32>
    %broadcast_in_dim3A_1445 = vector.broadcast %jit3A_1443 : f32 to vector<16xf32>
    %select_n3A_1446 = arith.select %lt3A_1441, %broadcast_in_dim3A_1444, %broadcast_in_dim3A_1445 : vector<16xi1>, vector<16xf32>
    %add3A_1447 = arith.addf %add3A_1437, %select_n3A_1446 : vector<16xf32>
    %get3A_1448 = arith.constant 49 : index
    %get3A_1449 = tpu.vector_load %arg4[%get3A_1448] {strides = array<i32>} : memref<128xf32, #tpu.memory_space<vmem>>, vector<16xf32>,
    %get3A_1450 = vector.shape_cast %get3A_1449 : vector<16xf32> to vector<16xf32>
    %lt3A_1451 = arith.cmpf olt, %get3A_1450, %get3A_1288 : vector<16xf32>
    %jit3A_1452 = arith.constant 1.000000e+00 : f32
    %jit3A_1453 = arith.constant 0.000000e+00 : f32
    %broadcast_in_dim3A_1454 = vector.broadcast %jit3A_1452 : f32 to vector<16xf32>
    %broadcast_in_dim3A_1455 = vector.broadcast %jit3A_1453 : f32 to vector<16xf32>
    %select_n3A_1456 = arith.select %lt3A_1451, %broadcast_in_dim3A_1454, %broadcast_in_dim3A_1455 : vector<16xi1>, vector<16xf32>
    %add3A_1457 = arith.addf %add3A_1447, %select_n3A_1456 : vector<16xf32>
    %get3A_1458 = arith.constant 50 : index
    %get3A_1459 = tpu.vector_load %arg4[%get3A_1458] {strides = array<i32>} : memref<128xf32, #tpu.memory_space<vmem>>, vector<16xf32>,
    %get3A_1460 = vector.shape_cast %get3A_1459 : vector<16xf32> to vector<16xf32>
    %lt3A_1461 = arith.cmpf olt, %get3A_1460, %get3A_1288 : vector<16xf32>
    %jit3A_1462 = arith.constant 1.000000e+00 : f32
    %jit3A_1463 = arith.constant 0.000000e+00 : f32
    %broadcast_in_dim3A_1464 = vector.broadcast %jit3A_1462 : f32 to vector<16xf32>
    %broadcast_in_dim3A_1465 = vector.broadcast %jit3A_1463 : f32 to vector<16xf32>
    %select_n3A_1466 = arith.select %lt3A_1461, %broadcast_in_dim3A_1464, %broadcast_in_dim3A_1465 : vector<16xi1>, vector<16xf32>
    %add3A_1467 = arith.addf %add3A_1457, %select_n3A_1466 : vector<16xf32>
    %get3A_1468 = arith.constant 51 : index
    %get3A_1469 = tpu.vector_load %arg4[%get3A_1468] {strides = array<i32>} : memref<128xf32, #tpu.memory_space<vmem>>, vector<16xf32>,
    %get3A_1470 = vector.shape_cast %get3A_1469 : vector<16xf32> to vector<16xf32>
    %lt3A_1471 = arith.cmpf olt, %get3A_1470, %get3A_1288 : vector<16xf32>
    %jit3A_1472 = arith.constant 1.000000e+00 : f32
    %jit3A_1473 = arith.constant 0.000000e+00 : f32
    %broadcast_in_dim3A_1474 = vector.broadcast %jit3A_1472 : f32 to vector<16xf32>
    %broadcast_in_dim3A_1475 = vector.broadcast %jit3A_1473 : f32 to vector<16xf32>
    %select_n3A_1476 = arith.select %lt3A_1471, %broadcast_in_dim3A_1474, %broadcast_in_dim3A_1475 : vector<16xi1>, vector<16xf32>
    %add3A_1477 = arith.addf %add3A_1467, %select_n3A_1476 : vector<16xf32>
    %get3A_1478 = arith.constant 52 : index
    %get3A_1479 = tpu.vector_load %arg4[%get3A_1478] {strides = array<i32>} : memref<128xf32, #tpu.memory_space<vmem>>, vector<16xf32>,
    %get3A_1480 = vector.shape_cast %get3A_1479 : vector<16xf32> to vector<16xf32>
    %lt3A_1481 = arith.cmpf olt, %get3A_1480, %get3A_1288 : vector<16xf32>
    %jit3A_1482 = arith.constant 1.000000e+00 : f32
    %jit3A_1483 = arith.constant 0.000000e+00 : f32
    %broadcast_in_dim3A_1484 = vector.broadcast %jit3A_1482 : f32 to vector<16xf32>
    %broadcast_in_dim3A_1485 = vector.broadcast %jit3A_1483 : f32 to vector<16xf32>
    %select_n3A_1486 = arith.select %lt3A_1481, %broadcast_in_dim3A_1484, %broadcast_in_dim3A_1485 : vector<16xi1>, vector<16xf32>
    %add3A_1487 = arith.addf %add3A_1477, %select_n3A_1486 : vector<16xf32>
    %get3A_1488 = arith.constant 53 : index
    %get3A_1489 = tpu.vector_load %arg4[%get3A_1488] {strides = array<i32>} : memref<128xf32, #tpu.memory_space<vmem>>, vector<16xf32>,
    %get3A_1490 = vector.shape_cast %get3A_1489 : vector<16xf32> to vector<16xf32>
    %lt3A_1491 = arith.cmpf olt, %get3A_1490, %get3A_1288 : vector<16xf32>
    %jit3A_1492 = arith.constant 1.000000e+00 : f32
    %jit3A_1493 = arith.constant 0.000000e+00 : f32
    %broadcast_in_dim3A_1494 = vector.broadcast %jit3A_1492 : f32 to vector<16xf32>
    %broadcast_in_dim3A_1495 = vector.broadcast %jit3A_1493 : f32 to vector<16xf32>
    %select_n3A_1496 = arith.select %lt3A_1491, %broadcast_in_dim3A_1494, %broadcast_in_dim3A_1495 : vector<16xi1>, vector<16xf32>
    %add3A_1497 = arith.addf %add3A_1487, %select_n3A_1496 : vector<16xf32>
    %get3A_1498 = arith.constant 54 : index
    %get3A_1499 = tpu.vector_load %arg4[%get3A_1498] {strides = array<i32>} : memref<128xf32, #tpu.memory_space<vmem>>, vector<16xf32>,
    %get3A_1500 = vector.shape_cast %get3A_1499 : vector<16xf32> to vector<16xf32>
    %lt3A_1501 = arith.cmpf olt, %get3A_1500, %get3A_1288 : vector<16xf32>
    %jit3A_1502 = arith.constant 1.000000e+00 : f32
    %jit3A_1503 = arith.constant 0.000000e+00 : f32
    %broadcast_in_dim3A_1504 = vector.broadcast %jit3A_1502 : f32 to vector<16xf32>
    %broadcast_in_dim3A_1505 = vector.broadcast %jit3A_1503 : f32 to vector<16xf32>
    %select_n3A_1506 = arith.select %lt3A_1501, %broadcast_in_dim3A_1504, %broadcast_in_dim3A_1505 : vector<16xi1>, vector<16xf32>
    %add3A_1507 = arith.addf %add3A_1497, %select_n3A_1506 : vector<16xf32>
    %get3A_1508 = arith.constant 55 : index
    %get3A_1509 = tpu.vector_load %arg4[%get3A_1508] {strides = array<i32>} : memref<128xf32, #tpu.memory_space<vmem>>, vector<16xf32>,
    %get3A_1510 = vector.shape_cast %get3A_1509 : vector<16xf32> to vector<16xf32>
    %lt3A_1511 = arith.cmpf olt, %get3A_1510, %get3A_1288 : vector<16xf32>
    %jit3A_1512 = arith.constant 1.000000e+00 : f32
    %jit3A_1513 = arith.constant 0.000000e+00 : f32
    %broadcast_in_dim3A_1514 = vector.broadcast %jit3A_1512 : f32 to vector<16xf32>
    %broadcast_in_dim3A_1515 = vector.broadcast %jit3A_1513 : f32 to vector<16xf32>
    %select_n3A_1516 = arith.select %lt3A_1511, %broadcast_in_dim3A_1514, %broadcast_in_dim3A_1515 : vector<16xi1>, vector<16xf32>
    %add3A_1517 = arith.addf %add3A_1507, %select_n3A_1516 : vector<16xf32>
    %get3A_1518 = arith.constant 56 : index
    %get3A_1519 = tpu.vector_load %arg4[%get3A_1518] {strides = array<i32>} : memref<128xf32, #tpu.memory_space<vmem>>, vector<16xf32>,
    %get3A_1520 = vector.shape_cast %get3A_1519 : vector<16xf32> to vector<16xf32>
    %lt3A_1521 = arith.cmpf olt, %get3A_1520, %get3A_1288 : vector<16xf32>
    %jit3A_1522 = arith.constant 1.000000e+00 : f32
    %jit3A_1523 = arith.constant 0.000000e+00 : f32
    %broadcast_in_dim3A_1524 = vector.broadcast %jit3A_1522 : f32 to vector<16xf32>
    %broadcast_in_dim3A_1525 = vector.broadcast %jit3A_1523 : f32 to vector<16xf32>
    %select_n3A_1526 = arith.select %lt3A_1521, %broadcast_in_dim3A_1524, %broadcast_in_dim3A_1525 : vector<16xi1>, vector<16xf32>
    %add3A_1527 = arith.addf %add3A_1517, %select_n3A_1526 : vector<16xf32>
    %get3A_1528 = arith.constant 57 : index
    %get3A_1529 = tpu.vector_load %arg4[%get3A_1528] {strides = array<i32>} : memref<128xf32, #tpu.memory_space<vmem>>, vector<16xf32>,
    %get3A_1530 = vector.shape_cast %get3A_1529 : vector<16xf32> to vector<16xf32>
    %lt3A_1531 = arith.cmpf olt, %get3A_1530, %get3A_1288 : vector<16xf32>
    %jit3A_1532 = arith.constant 1.000000e+00 : f32
    %jit3A_1533 = arith.constant 0.000000e+00 : f32
    %broadcast_in_dim3A_1534 = vector.broadcast %jit3A_1532 : f32 to vector<16xf32>
    %broadcast_in_dim3A_1535 = vector.broadcast %jit3A_1533 : f32 to vector<16xf32>
    %select_n3A_1536 = arith.select %lt3A_1531, %broadcast_in_dim3A_1534, %broadcast_in_dim3A_1535 : vector<16xi1>, vector<16xf32>
    %add3A_1537 = arith.addf %add3A_1527, %select_n3A_1536 : vector<16xf32>
    %get3A_1538 = arith.constant 58 : index
    %get3A_1539 = tpu.vector_load %arg4[%get3A_1538] {strides = array<i32>} : memref<128xf32, #tpu.memory_space<vmem>>, vector<16xf32>,
    %get3A_1540 = vector.shape_cast %get3A_1539 : vector<16xf32> to vector<16xf32>
    %lt3A_1541 = arith.cmpf olt, %get3A_1540, %get3A_1288 : vector<16xf32>
    %jit3A_1542 = arith.constant 1.000000e+00 : f32
    %jit3A_1543 = arith.constant 0.000000e+00 : f32
    %broadcast_in_dim3A_1544 = vector.broadcast %jit3A_1542 : f32 to vector<16xf32>
    %broadcast_in_dim3A_1545 = vector.broadcast %jit3A_1543 : f32 to vector<16xf32>
    %select_n3A_1546 = arith.select %lt3A_1541, %broadcast_in_dim3A_1544, %broadcast_in_dim3A_1545 : vector<16xi1>, vector<16xf32>
    %add3A_1547 = arith.addf %add3A_1537, %select_n3A_1546 : vector<16xf32>
    %get3A_1548 = arith.constant 59 : index
    %get3A_1549 = tpu.vector_load %arg4[%get3A_1548] {strides = array<i32>} : memref<128xf32, #tpu.memory_space<vmem>>, vector<16xf32>,
    %get3A_1550 = vector.shape_cast %get3A_1549 : vector<16xf32> to vector<16xf32>
    %lt3A_1551 = arith.cmpf olt, %get3A_1550, %get3A_1288 : vector<16xf32>
    %jit3A_1552 = arith.constant 1.000000e+00 : f32
    %jit3A_1553 = arith.constant 0.000000e+00 : f32
    %broadcast_in_dim3A_1554 = vector.broadcast %jit3A_1552 : f32 to vector<16xf32>
    %broadcast_in_dim3A_1555 = vector.broadcast %jit3A_1553 : f32 to vector<16xf32>
    %select_n3A_1556 = arith.select %lt3A_1551, %broadcast_in_dim3A_1554, %broadcast_in_dim3A_1555 : vector<16xi1>, vector<16xf32>
    %add3A_1557 = arith.addf %add3A_1547, %select_n3A_1556 : vector<16xf32>
    %get3A_1558 = arith.constant 60 : index
    %get3A_1559 = tpu.vector_load %arg4[%get3A_1558] {strides = array<i32>} : memref<128xf32, #tpu.memory_space<vmem>>, vector<16xf32>,
    %get3A_1560 = vector.shape_cast %get3A_1559 : vector<16xf32> to vector<16xf32>
    %lt3A_1561 = arith.cmpf olt, %get3A_1560, %get3A_1288 : vector<16xf32>
    %jit3A_1562 = arith.constant 1.000000e+00 : f32
    %jit3A_1563 = arith.constant 0.000000e+00 : f32
    %broadcast_in_dim3A_1564 = vector.broadcast %jit3A_1562 : f32 to vector<16xf32>
    %broadcast_in_dim3A_1565 = vector.broadcast %jit3A_1563 : f32 to vector<16xf32>
    %select_n3A_1566 = arith.select %lt3A_1561, %broadcast_in_dim3A_1564, %broadcast_in_dim3A_1565 : vector<16xi1>, vector<16xf32>
    %add3A_1567 = arith.addf %add3A_1557, %select_n3A_1566 : vector<16xf32>
    %get3A_1568 = arith.constant 61 : index
    %get3A_1569 = tpu.vector_load %arg4[%get3A_1568] {strides = array<i32>} : memref<128xf32, #tpu.memory_space<vmem>>, vector<16xf32>,
    %get3A_1570 = vector.shape_cast %get3A_1569 : vector<16xf32> to vector<16xf32>
    %lt3A_1571 = arith.cmpf olt, %get3A_1570, %get3A_1288 : vector<16xf32>
    %jit3A_1572 = arith.constant 1.000000e+00 : f32
    %jit3A_1573 = arith.constant 0.000000e+00 : f32
    %broadcast_in_dim3A_1574 = vector.broadcast %jit3A_1572 : f32 to vector<16xf32>
    %broadcast_in_dim3A_1575 = vector.broadcast %jit3A_1573 : f32 to vector<16xf32>
    %select_n3A_1576 = arith.select %lt3A_1571, %broadcast_in_dim3A_1574, %broadcast_in_dim3A_1575 : vector<16xi1>, vector<16xf32>
    %add3A_1577 = arith.addf %add3A_1567, %select_n3A_1576 : vector<16xf32>
    %get3A_1578 = arith.constant 62 : index
    %get3A_1579 = tpu.vector_load %arg4[%get3A_1578] {strides = array<i32>} : memref<128xf32, #tpu.memory_space<vmem>>, vector<16xf32>,
    %get3A_1580 = vector.shape_cast %get3A_1579 : vector<16xf32> to vector<16xf32>
    %lt3A_1581 = arith.cmpf olt, %get3A_1580, %get3A_1288 : vector<16xf32>
    %jit3A_1582 = arith.constant 1.000000e+00 : f32
    %jit3A_1583 = arith.constant 0.000000e+00 : f32
    %broadcast_in_dim3A_1584 = vector.broadcast %jit3A_1582 : f32 to vector<16xf32>
    %broadcast_in_dim3A_1585 = vector.broadcast %jit3A_1583 : f32 to vector<16xf32>
    %select_n3A_1586 = arith.select %lt3A_1581, %broadcast_in_dim3A_1584, %broadcast_in_dim3A_1585 : vector<16xi1>, vector<16xf32>
    %add3A_1587 = arith.addf %add3A_1577, %select_n3A_1586 : vector<16xf32>
    %get3A_1588 = arith.constant 63 : index
    %get3A_1589 = tpu.vector_load %arg4[%get3A_1588] {strides = array<i32>} : memref<128xf32, #tpu.memory_space<vmem>>, vector<16xf32>,
    %get3A_1590 = vector.shape_cast %get3A_1589 : vector<16xf32> to vector<16xf32>
    %lt3A_1591 = arith.cmpf olt, %get3A_1590, %get3A_1288 : vector<16xf32>
    %jit3A_1592 = arith.constant 1.000000e+00 : f32
    %jit3A_1593 = arith.constant 0.000000e+00 : f32
    %broadcast_in_dim3A_1594 = vector.broadcast %jit3A_1592 : f32 to vector<16xf32>
    %broadcast_in_dim3A_1595 = vector.broadcast %jit3A_1593 : f32 to vector<16xf32>
    %select_n3A_1596 = arith.select %lt3A_1591, %broadcast_in_dim3A_1594, %broadcast_in_dim3A_1595 : vector<16xi1>, vector<16xf32>
    %add3A_1597 = arith.addf %add3A_1587, %select_n3A_1596 : vector<16xf32>
    %get3A_1598 = arith.constant 64 : index
    %get3A_1599 = tpu.vector_load %arg4[%get3A_1598] {strides = array<i32>} : memref<128xf32, #tpu.memory_space<vmem>>, vector<16xf32>,
    %get3A_1600 = vector.shape_cast %get3A_1599 : vector<16xf32> to vector<16xf32>
    %lt3A_1601 = arith.cmpf olt, %get3A_1600, %get3A_1288 : vector<16xf32>
    %jit3A_1602 = arith.constant 1.000000e+00 : f32
    %jit3A_1603 = arith.constant 0.000000e+00 : f32
    %broadcast_in_dim3A_1604 = vector.broadcast %jit3A_1602 : f32 to vector<16xf32>
    %broadcast_in_dim3A_1605 = vector.broadcast %jit3A_1603 : f32 to vector<16xf32>
    %select_n3A_1606 = arith.select %lt3A_1601, %broadcast_in_dim3A_1604, %broadcast_in_dim3A_1605 : vector<16xi1>, vector<16xf32>
    %add3A_1607 = arith.addf %add3A_1597, %select_n3A_1606 : vector<16xf32>
    %get3A_1608 = arith.constant 65 : index
    %get3A_1609 = tpu.vector_load %arg4[%get3A_1608] {strides = array<i32>} : memref<128xf32, #tpu.memory_space<vmem>>, vector<16xf32>,
    %get3A_1610 = vector.shape_cast %get3A_1609 : vector<16xf32> to vector<16xf32>
    %lt3A_1611 = arith.cmpf olt, %get3A_1610, %get3A_1288 : vector<16xf32>
    %jit3A_1612 = arith.constant 1.000000e+00 : f32
    %jit3A_1613 = arith.constant 0.000000e+00 : f32
    %broadcast_in_dim3A_1614 = vector.broadcast %jit3A_1612 : f32 to vector<16xf32>
    %broadcast_in_dim3A_1615 = vector.broadcast %jit3A_1613 : f32 to vector<16xf32>
    %select_n3A_1616 = arith.select %lt3A_1611, %broadcast_in_dim3A_1614, %broadcast_in_dim3A_1615 : vector<16xi1>, vector<16xf32>
    %add3A_1617 = arith.addf %add3A_1607, %select_n3A_1616 : vector<16xf32>
    %get3A_1618 = arith.constant 66 : index
    %get3A_1619 = tpu.vector_load %arg4[%get3A_1618] {strides = array<i32>} : memref<128xf32, #tpu.memory_space<vmem>>, vector<16xf32>,
    %get3A_1620 = vector.shape_cast %get3A_1619 : vector<16xf32> to vector<16xf32>
    %lt3A_1621 = arith.cmpf olt, %get3A_1620, %get3A_1288 : vector<16xf32>
    %jit3A_1622 = arith.constant 1.000000e+00 : f32
    %jit3A_1623 = arith.constant 0.000000e+00 : f32
    %broadcast_in_dim3A_1624 = vector.broadcast %jit3A_1622 : f32 to vector<16xf32>
    %broadcast_in_dim3A_1625 = vector.broadcast %jit3A_1623 : f32 to vector<16xf32>
    %select_n3A_1626 = arith.select %lt3A_1621, %broadcast_in_dim3A_1624, %broadcast_in_dim3A_1625 : vector<16xi1>, vector<16xf32>
    %add3A_1627 = arith.addf %add3A_1617, %select_n3A_1626 : vector<16xf32>
    %get3A_1628 = arith.constant 67 : index
    %get3A_1629 = tpu.vector_load %arg4[%get3A_1628] {strides = array<i32>} : memref<128xf32, #tpu.memory_space<vmem>>, vector<16xf32>,
    %get3A_1630 = vector.shape_cast %get3A_1629 : vector<16xf32> to vector<16xf32>
    %lt3A_1631 = arith.cmpf olt, %get3A_1630, %get3A_1288 : vector<16xf32>
    %jit3A_1632 = arith.constant 1.000000e+00 : f32
    %jit3A_1633 = arith.constant 0.000000e+00 : f32
    %broadcast_in_dim3A_1634 = vector.broadcast %jit3A_1632 : f32 to vector<16xf32>
    %broadcast_in_dim3A_1635 = vector.broadcast %jit3A_1633 : f32 to vector<16xf32>
    %select_n3A_1636 = arith.select %lt3A_1631, %broadcast_in_dim3A_1634, %broadcast_in_dim3A_1635 : vector<16xi1>, vector<16xf32>
    %add3A_1637 = arith.addf %add3A_1627, %select_n3A_1636 : vector<16xf32>
    %get3A_1638 = arith.constant 68 : index
    %get3A_1639 = tpu.vector_load %arg4[%get3A_1638] {strides = array<i32>} : memref<128xf32, #tpu.memory_space<vmem>>, vector<16xf32>,
    %get3A_1640 = vector.shape_cast %get3A_1639 : vector<16xf32> to vector<16xf32>
    %lt3A_1641 = arith.cmpf olt, %get3A_1640, %get3A_1288 : vector<16xf32>
    %jit3A_1642 = arith.constant 1.000000e+00 : f32
    %jit3A_1643 = arith.constant 0.000000e+00 : f32
    %broadcast_in_dim3A_1644 = vector.broadcast %jit3A_1642 : f32 to vector<16xf32>
    %broadcast_in_dim3A_1645 = vector.broadcast %jit3A_1643 : f32 to vector<16xf32>
    %select_n3A_1646 = arith.select %lt3A_1641, %broadcast_in_dim3A_1644, %broadcast_in_dim3A_1645 : vector<16xi1>, vector<16xf32>
    %add3A_1647 = arith.addf %add3A_1637, %select_n3A_1646 : vector<16xf32>
    %get3A_1648 = arith.constant 69 : index
    %get3A_1649 = tpu.vector_load %arg4[%get3A_1648] {strides = array<i32>} : memref<128xf32, #tpu.memory_space<vmem>>, vector<16xf32>,
    %get3A_1650 = vector.shape_cast %get3A_1649 : vector<16xf32> to vector<16xf32>
    %lt3A_1651 = arith.cmpf olt, %get3A_1650, %get3A_1288 : vector<16xf32>
    %jit3A_1652 = arith.constant 1.000000e+00 : f32
    %jit3A_1653 = arith.constant 0.000000e+00 : f32
    %broadcast_in_dim3A_1654 = vector.broadcast %jit3A_1652 : f32 to vector<16xf32>
    %broadcast_in_dim3A_1655 = vector.broadcast %jit3A_1653 : f32 to vector<16xf32>
    %select_n3A_1656 = arith.select %lt3A_1651, %broadcast_in_dim3A_1654, %broadcast_in_dim3A_1655 : vector<16xi1>, vector<16xf32>
    %add3A_1657 = arith.addf %add3A_1647, %select_n3A_1656 : vector<16xf32>
    %get3A_1658 = arith.constant 70 : index
    %get3A_1659 = tpu.vector_load %arg4[%get3A_1658] {strides = array<i32>} : memref<128xf32, #tpu.memory_space<vmem>>, vector<16xf32>,
    %get3A_1660 = vector.shape_cast %get3A_1659 : vector<16xf32> to vector<16xf32>
    %lt3A_1661 = arith.cmpf olt, %get3A_1660, %get3A_1288 : vector<16xf32>
    %jit3A_1662 = arith.constant 1.000000e+00 : f32
    %jit3A_1663 = arith.constant 0.000000e+00 : f32
    %broadcast_in_dim3A_1664 = vector.broadcast %jit3A_1662 : f32 to vector<16xf32>
    %broadcast_in_dim3A_1665 = vector.broadcast %jit3A_1663 : f32 to vector<16xf32>
    %select_n3A_1666 = arith.select %lt3A_1661, %broadcast_in_dim3A_1664, %broadcast_in_dim3A_1665 : vector<16xi1>, vector<16xf32>
    %add3A_1667 = arith.addf %add3A_1657, %select_n3A_1666 : vector<16xf32>
    %get3A_1668 = arith.constant 71 : index
    %get3A_1669 = tpu.vector_load %arg4[%get3A_1668] {strides = array<i32>} : memref<128xf32, #tpu.memory_space<vmem>>, vector<16xf32>,
    %get3A_1670 = vector.shape_cast %get3A_1669 : vector<16xf32> to vector<16xf32>
    %lt3A_1671 = arith.cmpf olt, %get3A_1670, %get3A_1288 : vector<16xf32>
    %jit3A_1672 = arith.constant 1.000000e+00 : f32
    %jit3A_1673 = arith.constant 0.000000e+00 : f32
    %broadcast_in_dim3A_1674 = vector.broadcast %jit3A_1672 : f32 to vector<16xf32>
    %broadcast_in_dim3A_1675 = vector.broadcast %jit3A_1673 : f32 to vector<16xf32>
    %select_n3A_1676 = arith.select %lt3A_1671, %broadcast_in_dim3A_1674, %broadcast_in_dim3A_1675 : vector<16xi1>, vector<16xf32>
    %add3A_1677 = arith.addf %add3A_1667, %select_n3A_1676 : vector<16xf32>
    %get3A_1678 = arith.constant 72 : index
    %get3A_1679 = tpu.vector_load %arg4[%get3A_1678] {strides = array<i32>} : memref<128xf32, #tpu.memory_space<vmem>>, vector<16xf32>,
    %get3A_1680 = vector.shape_cast %get3A_1679 : vector<16xf32> to vector<16xf32>
    %lt3A_1681 = arith.cmpf olt, %get3A_1680, %get3A_1288 : vector<16xf32>
    %jit3A_1682 = arith.constant 1.000000e+00 : f32
    %jit3A_1683 = arith.constant 0.000000e+00 : f32
    %broadcast_in_dim3A_1684 = vector.broadcast %jit3A_1682 : f32 to vector<16xf32>
    %broadcast_in_dim3A_1685 = vector.broadcast %jit3A_1683 : f32 to vector<16xf32>
    %select_n3A_1686 = arith.select %lt3A_1681, %broadcast_in_dim3A_1684, %broadcast_in_dim3A_1685 : vector<16xi1>, vector<16xf32>
    %add3A_1687 = arith.addf %add3A_1677, %select_n3A_1686 : vector<16xf32>
    %get3A_1688 = arith.constant 73 : index
    %get3A_1689 = tpu.vector_load %arg4[%get3A_1688] {strides = array<i32>} : memref<128xf32, #tpu.memory_space<vmem>>, vector<16xf32>,
    %get3A_1690 = vector.shape_cast %get3A_1689 : vector<16xf32> to vector<16xf32>
    %lt3A_1691 = arith.cmpf olt, %get3A_1690, %get3A_1288 : vector<16xf32>
    %jit3A_1692 = arith.constant 1.000000e+00 : f32
    %jit3A_1693 = arith.constant 0.000000e+00 : f32
    %broadcast_in_dim3A_1694 = vector.broadcast %jit3A_1692 : f32 to vector<16xf32>
    %broadcast_in_dim3A_1695 = vector.broadcast %jit3A_1693 : f32 to vector<16xf32>
    %select_n3A_1696 = arith.select %lt3A_1691, %broadcast_in_dim3A_1694, %broadcast_in_dim3A_1695 : vector<16xi1>, vector<16xf32>
    %add3A_1697 = arith.addf %add3A_1687, %select_n3A_1696 : vector<16xf32>
    %get3A_1698 = arith.constant 74 : index
    %get3A_1699 = tpu.vector_load %arg4[%get3A_1698] {strides = array<i32>} : memref<128xf32, #tpu.memory_space<vmem>>, vector<16xf32>,
    %get3A_1700 = vector.shape_cast %get3A_1699 : vector<16xf32> to vector<16xf32>
    %lt3A_1701 = arith.cmpf olt, %get3A_1700, %get3A_1288 : vector<16xf32>
    %jit3A_1702 = arith.constant 1.000000e+00 : f32
    %jit3A_1703 = arith.constant 0.000000e+00 : f32
    %broadcast_in_dim3A_1704 = vector.broadcast %jit3A_1702 : f32 to vector<16xf32>
    %broadcast_in_dim3A_1705 = vector.broadcast %jit3A_1703 : f32 to vector<16xf32>
    %select_n3A_1706 = arith.select %lt3A_1701, %broadcast_in_dim3A_1704, %broadcast_in_dim3A_1705 : vector<16xi1>, vector<16xf32>
    %add3A_1707 = arith.addf %add3A_1697, %select_n3A_1706 : vector<16xf32>
    %get3A_1708 = arith.constant 75 : index
    %get3A_1709 = tpu.vector_load %arg4[%get3A_1708] {strides = array<i32>} : memref<128xf32, #tpu.memory_space<vmem>>, vector<16xf32>,
    %get3A_1710 = vector.shape_cast %get3A_1709 : vector<16xf32> to vector<16xf32>
    %lt3A_1711 = arith.cmpf olt, %get3A_1710, %get3A_1288 : vector<16xf32>
    %jit3A_1712 = arith.constant 1.000000e+00 : f32
    %jit3A_1713 = arith.constant 0.000000e+00 : f32
    %broadcast_in_dim3A_1714 = vector.broadcast %jit3A_1712 : f32 to vector<16xf32>
    %broadcast_in_dim3A_1715 = vector.broadcast %jit3A_1713 : f32 to vector<16xf32>
    %select_n3A_1716 = arith.select %lt3A_1711, %broadcast_in_dim3A_1714, %broadcast_in_dim3A_1715 : vector<16xi1>, vector<16xf32>
    %add3A_1717 = arith.addf %add3A_1707, %select_n3A_1716 : vector<16xf32>
    %get3A_1718 = arith.constant 76 : index
    %get3A_1719 = tpu.vector_load %arg4[%get3A_1718] {strides = array<i32>} : memref<128xf32, #tpu.memory_space<vmem>>, vector<16xf32>,
    %get3A_1720 = vector.shape_cast %get3A_1719 : vector<16xf32> to vector<16xf32>
    %lt3A_1721 = arith.cmpf olt, %get3A_1720, %get3A_1288 : vector<16xf32>
    %jit3A_1722 = arith.constant 1.000000e+00 : f32
    %jit3A_1723 = arith.constant 0.000000e+00 : f32
    %broadcast_in_dim3A_1724 = vector.broadcast %jit3A_1722 : f32 to vector<16xf32>
    %broadcast_in_dim3A_1725 = vector.broadcast %jit3A_1723 : f32 to vector<16xf32>
    %select_n3A_1726 = arith.select %lt3A_1721, %broadcast_in_dim3A_1724, %broadcast_in_dim3A_1725 : vector<16xi1>, vector<16xf32>
    %add3A_1727 = arith.addf %add3A_1717, %select_n3A_1726 : vector<16xf32>
    %get3A_1728 = arith.constant 77 : index
    %get3A_1729 = tpu.vector_load %arg4[%get3A_1728] {strides = array<i32>} : memref<128xf32, #tpu.memory_space<vmem>>, vector<16xf32>,
    %get3A_1730 = vector.shape_cast %get3A_1729 : vector<16xf32> to vector<16xf32>
    %lt3A_1731 = arith.cmpf olt, %get3A_1730, %get3A_1288 : vector<16xf32>
    %jit3A_1732 = arith.constant 1.000000e+00 : f32
    %jit3A_1733 = arith.constant 0.000000e+00 : f32
    %broadcast_in_dim3A_1734 = vector.broadcast %jit3A_1732 : f32 to vector<16xf32>
    %broadcast_in_dim3A_1735 = vector.broadcast %jit3A_1733 : f32 to vector<16xf32>
    %select_n3A_1736 = arith.select %lt3A_1731, %broadcast_in_dim3A_1734, %broadcast_in_dim3A_1735 : vector<16xi1>, vector<16xf32>
    %add3A_1737 = arith.addf %add3A_1727, %select_n3A_1736 : vector<16xf32>
    %get3A_1738 = arith.constant 78 : index
    %get3A_1739 = tpu.vector_load %arg4[%get3A_1738] {strides = array<i32>} : memref<128xf32, #tpu.memory_space<vmem>>, vector<16xf32>,
    %get3A_1740 = vector.shape_cast %get3A_1739 : vector<16xf32> to vector<16xf32>
    %lt3A_1741 = arith.cmpf olt, %get3A_1740, %get3A_1288 : vector<16xf32>
    %jit3A_1742 = arith.constant 1.000000e+00 : f32
    %jit3A_1743 = arith.constant 0.000000e+00 : f32
    %broadcast_in_dim3A_1744 = vector.broadcast %jit3A_1742 : f32 to vector<16xf32>
    %broadcast_in_dim3A_1745 = vector.broadcast %jit3A_1743 : f32 to vector<16xf32>
    %select_n3A_1746 = arith.select %lt3A_1741, %broadcast_in_dim3A_1744, %broadcast_in_dim3A_1745 : vector<16xi1>, vector<16xf32>
    %add3A_1747 = arith.addf %add3A_1737, %select_n3A_1746 : vector<16xf32>
    %get3A_1748 = arith.constant 79 : index
    %get3A_1749 = tpu.vector_load %arg4[%get3A_1748] {strides = array<i32>} : memref<128xf32, #tpu.memory_space<vmem>>, vector<16xf32>,
    %get3A_1750 = vector.shape_cast %get3A_1749 : vector<16xf32> to vector<16xf32>
    %lt3A_1751 = arith.cmpf olt, %get3A_1750, %get3A_1288 : vector<16xf32>
    %jit3A_1752 = arith.constant 1.000000e+00 : f32
    %jit3A_1753 = arith.constant 0.000000e+00 : f32
    %broadcast_in_dim3A_1754 = vector.broadcast %jit3A_1752 : f32 to vector<16xf32>
    %broadcast_in_dim3A_1755 = vector.broadcast %jit3A_1753 : f32 to vector<16xf32>
    %select_n3A_1756 = arith.select %lt3A_1751, %broadcast_in_dim3A_1754, %broadcast_in_dim3A_1755 : vector<16xi1>, vector<16xf32>
    %add3A_1757 = arith.addf %add3A_1747, %select_n3A_1756 : vector<16xf32>
    %get3A_1758 = arith.constant 80 : index
    %get3A_1759 = tpu.vector_load %arg4[%get3A_1758] {strides = array<i32>} : memref<128xf32, #tpu.memory_space<vmem>>, vector<16xf32>,
    %get3A_1760 = vector.shape_cast %get3A_1759 : vector<16xf32> to vector<16xf32>
    %lt3A_1761 = arith.cmpf olt, %get3A_1760, %get3A_1288 : vector<16xf32>
    %jit3A_1762 = arith.constant 1.000000e+00 : f32
    %jit3A_1763 = arith.constant 0.000000e+00 : f32
    %broadcast_in_dim3A_1764 = vector.broadcast %jit3A_1762 : f32 to vector<16xf32>
    %broadcast_in_dim3A_1765 = vector.broadcast %jit3A_1763 : f32 to vector<16xf32>
    %select_n3A_1766 = arith.select %lt3A_1761, %broadcast_in_dim3A_1764, %broadcast_in_dim3A_1765 : vector<16xi1>, vector<16xf32>
    %add3A_1767 = arith.addf %add3A_1757, %select_n3A_1766 : vector<16xf32>
    %get3A_1768 = arith.constant 81 : index
    %get3A_1769 = tpu.vector_load %arg4[%get3A_1768] {strides = array<i32>} : memref<128xf32, #tpu.memory_space<vmem>>, vector<16xf32>,
    %get3A_1770 = vector.shape_cast %get3A_1769 : vector<16xf32> to vector<16xf32>
    %lt3A_1771 = arith.cmpf olt, %get3A_1770, %get3A_1288 : vector<16xf32>
    %jit3A_1772 = arith.constant 1.000000e+00 : f32
    %jit3A_1773 = arith.constant 0.000000e+00 : f32
    %broadcast_in_dim3A_1774 = vector.broadcast %jit3A_1772 : f32 to vector<16xf32>
    %broadcast_in_dim3A_1775 = vector.broadcast %jit3A_1773 : f32 to vector<16xf32>
    %select_n3A_1776 = arith.select %lt3A_1771, %broadcast_in_dim3A_1774, %broadcast_in_dim3A_1775 : vector<16xi1>, vector<16xf32>
    %add3A_1777 = arith.addf %add3A_1767, %select_n3A_1776 : vector<16xf32>
    %get3A_1778 = arith.constant 82 : index
    %get3A_1779 = tpu.vector_load %arg4[%get3A_1778] {strides = array<i32>} : memref<128xf32, #tpu.memory_space<vmem>>, vector<16xf32>,
    %get3A_1780 = vector.shape_cast %get3A_1779 : vector<16xf32> to vector<16xf32>
    %lt3A_1781 = arith.cmpf olt, %get3A_1780, %get3A_1288 : vector<16xf32>
    %jit3A_1782 = arith.constant 1.000000e+00 : f32
    %jit3A_1783 = arith.constant 0.000000e+00 : f32
    %broadcast_in_dim3A_1784 = vector.broadcast %jit3A_1782 : f32 to vector<16xf32>
    %broadcast_in_dim3A_1785 = vector.broadcast %jit3A_1783 : f32 to vector<16xf32>
    %select_n3A_1786 = arith.select %lt3A_1781, %broadcast_in_dim3A_1784, %broadcast_in_dim3A_1785 : vector<16xi1>, vector<16xf32>
    %add3A_1787 = arith.addf %add3A_1777, %select_n3A_1786 : vector<16xf32>
    %get3A_1788 = arith.constant 83 : index
    %get3A_1789 = tpu.vector_load %arg4[%get3A_1788] {strides = array<i32>} : memref<128xf32, #tpu.memory_space<vmem>>, vector<16xf32>,
    %get3A_1790 = vector.shape_cast %get3A_1789 : vector<16xf32> to vector<16xf32>
    %lt3A_1791 = arith.cmpf olt, %get3A_1790, %get3A_1288 : vector<16xf32>
    %jit3A_1792 = arith.constant 1.000000e+00 : f32
    %jit3A_1793 = arith.constant 0.000000e+00 : f32
    %broadcast_in_dim3A_1794 = vector.broadcast %jit3A_1792 : f32 to vector<16xf32>
    %broadcast_in_dim3A_1795 = vector.broadcast %jit3A_1793 : f32 to vector<16xf32>
    %select_n3A_1796 = arith.select %lt3A_1791, %broadcast_in_dim3A_1794, %broadcast_in_dim3A_1795 : vector<16xi1>, vector<16xf32>
    %add3A_1797 = arith.addf %add3A_1787, %select_n3A_1796 : vector<16xf32>
    %get3A_1798 = arith.constant 84 : index
    %get3A_1799 = tpu.vector_load %arg4[%get3A_1798] {strides = array<i32>} : memref<128xf32, #tpu.memory_space<vmem>>, vector<16xf32>,
    %get3A_1800 = vector.shape_cast %get3A_1799 : vector<16xf32> to vector<16xf32>
    %lt3A_1801 = arith.cmpf olt, %get3A_1800, %get3A_1288 : vector<16xf32>
    %jit3A_1802 = arith.constant 1.000000e+00 : f32
    %jit3A_1803 = arith.constant 0.000000e+00 : f32
    %broadcast_in_dim3A_1804 = vector.broadcast %jit3A_1802 : f32 to vector<16xf32>
    %broadcast_in_dim3A_1805 = vector.broadcast %jit3A_1803 : f32 to vector<16xf32>
    %select_n3A_1806 = arith.select %lt3A_1801, %broadcast_in_dim3A_1804, %broadcast_in_dim3A_1805 : vector<16xi1>, vector<16xf32>
    %add3A_1807 = arith.addf %add3A_1797, %select_n3A_1806 : vector<16xf32>
    %get3A_1808 = arith.constant 85 : index
    %get3A_1809 = tpu.vector_load %arg4[%get3A_1808] {strides = array<i32>} : memref<128xf32, #tpu.memory_space<vmem>>, vector<16xf32>,
    %get3A_1810 = vector.shape_cast %get3A_1809 : vector<16xf32> to vector<16xf32>
    %lt3A_1811 = arith.cmpf olt, %get3A_1810, %get3A_1288 : vector<16xf32>
    %jit3A_1812 = arith.constant 1.000000e+00 : f32
    %jit3A_1813 = arith.constant 0.000000e+00 : f32
    %broadcast_in_dim3A_1814 = vector.broadcast %jit3A_1812 : f32 to vector<16xf32>
    %broadcast_in_dim3A_1815 = vector.broadcast %jit3A_1813 : f32 to vector<16xf32>
    %select_n3A_1816 = arith.select %lt3A_1811, %broadcast_in_dim3A_1814, %broadcast_in_dim3A_1815 : vector<16xi1>, vector<16xf32>
    %add3A_1817 = arith.addf %add3A_1807, %select_n3A_1816 : vector<16xf32>
    %get3A_1818 = arith.constant 86 : index
    %get3A_1819 = tpu.vector_load %arg4[%get3A_1818] {strides = array<i32>} : memref<128xf32, #tpu.memory_space<vmem>>, vector<16xf32>,
    %get3A_1820 = vector.shape_cast %get3A_1819 : vector<16xf32> to vector<16xf32>
    %lt3A_1821 = arith.cmpf olt, %get3A_1820, %get3A_1288 : vector<16xf32>
    %jit3A_1822 = arith.constant 1.000000e+00 : f32
    %jit3A_1823 = arith.constant 0.000000e+00 : f32
    %broadcast_in_dim3A_1824 = vector.broadcast %jit3A_1822 : f32 to vector<16xf32>
    %broadcast_in_dim3A_1825 = vector.broadcast %jit3A_1823 : f32 to vector<16xf32>
    %select_n3A_1826 = arith.select %lt3A_1821, %broadcast_in_dim3A_1824, %broadcast_in_dim3A_1825 : vector<16xi1>, vector<16xf32>
    %add3A_1827 = arith.addf %add3A_1817, %select_n3A_1826 : vector<16xf32>
    %get3A_1828 = arith.constant 87 : index
    %get3A_1829 = tpu.vector_load %arg4[%get3A_1828] {strides = array<i32>} : memref<128xf32, #tpu.memory_space<vmem>>, vector<16xf32>,
    %get3A_1830 = vector.shape_cast %get3A_1829 : vector<16xf32> to vector<16xf32>
    %lt3A_1831 = arith.cmpf olt, %get3A_1830, %get3A_1288 : vector<16xf32>
    %jit3A_1832 = arith.constant 1.000000e+00 : f32
    %jit3A_1833 = arith.constant 0.000000e+00 : f32
    %broadcast_in_dim3A_1834 = vector.broadcast %jit3A_1832 : f32 to vector<16xf32>
    %broadcast_in_dim3A_1835 = vector.broadcast %jit3A_1833 : f32 to vector<16xf32>
    %select_n3A_1836 = arith.select %lt3A_1831, %broadcast_in_dim3A_1834, %broadcast_in_dim3A_1835 : vector<16xi1>, vector<16xf32>
    %add3A_1837 = arith.addf %add3A_1827, %select_n3A_1836 : vector<16xf32>
    %get3A_1838 = arith.constant 88 : index
    %get3A_1839 = tpu.vector_load %arg4[%get3A_1838] {strides = array<i32>} : memref<128xf32, #tpu.memory_space<vmem>>, vector<16xf32>,
    %get3A_1840 = vector.shape_cast %get3A_1839 : vector<16xf32> to vector<16xf32>
    %lt3A_1841 = arith.cmpf olt, %get3A_1840, %get3A_1288 : vector<16xf32>
    %jit3A_1842 = arith.constant 1.000000e+00 : f32
    %jit3A_1843 = arith.constant 0.000000e+00 : f32
    %broadcast_in_dim3A_1844 = vector.broadcast %jit3A_1842 : f32 to vector<16xf32>
    %broadcast_in_dim3A_1845 = vector.broadcast %jit3A_1843 : f32 to vector<16xf32>
    %select_n3A_1846 = arith.select %lt3A_1841, %broadcast_in_dim3A_1844, %broadcast_in_dim3A_1845 : vector<16xi1>, vector<16xf32>
    %add3A_1847 = arith.addf %add3A_1837, %select_n3A_1846 : vector<16xf32>
    %get3A_1848 = arith.constant 89 : index
    %get3A_1849 = tpu.vector_load %arg4[%get3A_1848] {strides = array<i32>} : memref<128xf32, #tpu.memory_space<vmem>>, vector<16xf32>,
    %get3A_1850 = vector.shape_cast %get3A_1849 : vector<16xf32> to vector<16xf32>
    %lt3A_1851 = arith.cmpf olt, %get3A_1850, %get3A_1288 : vector<16xf32>
    %jit3A_1852 = arith.constant 1.000000e+00 : f32
    %jit3A_1853 = arith.constant 0.000000e+00 : f32
    %broadcast_in_dim3A_1854 = vector.broadcast %jit3A_1852 : f32 to vector<16xf32>
    %broadcast_in_dim3A_1855 = vector.broadcast %jit3A_1853 : f32 to vector<16xf32>
    %select_n3A_1856 = arith.select %lt3A_1851, %broadcast_in_dim3A_1854, %broadcast_in_dim3A_1855 : vector<16xi1>, vector<16xf32>
    %add3A_1857 = arith.addf %add3A_1847, %select_n3A_1856 : vector<16xf32>
    %get3A_1858 = arith.constant 90 : index
    %get3A_1859 = tpu.vector_load %arg4[%get3A_1858] {strides = array<i32>} : memref<128xf32, #tpu.memory_space<vmem>>, vector<16xf32>,
    %get3A_1860 = vector.shape_cast %get3A_1859 : vector<16xf32> to vector<16xf32>
    %lt3A_1861 = arith.cmpf olt, %get3A_1860, %get3A_1288 : vector<16xf32>
    %jit3A_1862 = arith.constant 1.000000e+00 : f32
    %jit3A_1863 = arith.constant 0.000000e+00 : f32
    %broadcast_in_dim3A_1864 = vector.broadcast %jit3A_1862 : f32 to vector<16xf32>
    %broadcast_in_dim3A_1865 = vector.broadcast %jit3A_1863 : f32 to vector<16xf32>
    %select_n3A_1866 = arith.select %lt3A_1861, %broadcast_in_dim3A_1864, %broadcast_in_dim3A_1865 : vector<16xi1>, vector<16xf32>
    %add3A_1867 = arith.addf %add3A_1857, %select_n3A_1866 : vector<16xf32>
    %get3A_1868 = arith.constant 91 : index
    %get3A_1869 = tpu.vector_load %arg4[%get3A_1868] {strides = array<i32>} : memref<128xf32, #tpu.memory_space<vmem>>, vector<16xf32>,
    %get3A_1870 = vector.shape_cast %get3A_1869 : vector<16xf32> to vector<16xf32>
    %lt3A_1871 = arith.cmpf olt, %get3A_1870, %get3A_1288 : vector<16xf32>
    %jit3A_1872 = arith.constant 1.000000e+00 : f32
    %jit3A_1873 = arith.constant 0.000000e+00 : f32
    %broadcast_in_dim3A_1874 = vector.broadcast %jit3A_1872 : f32 to vector<16xf32>
    %broadcast_in_dim3A_1875 = vector.broadcast %jit3A_1873 : f32 to vector<16xf32>
    %select_n3A_1876 = arith.select %lt3A_1871, %broadcast_in_dim3A_1874, %broadcast_in_dim3A_1875 : vector<16xi1>, vector<16xf32>
    %add3A_1877 = arith.addf %add3A_1867, %select_n3A_1876 : vector<16xf32>
    %get3A_1878 = arith.constant 92 : index
    %get3A_1879 = tpu.vector_load %arg4[%get3A_1878] {strides = array<i32>} : memref<128xf32, #tpu.memory_space<vmem>>, vector<16xf32>,
    %get3A_1880 = vector.shape_cast %get3A_1879 : vector<16xf32> to vector<16xf32>
    %lt3A_1881 = arith.cmpf olt, %get3A_1880, %get3A_1288 : vector<16xf32>
    %jit3A_1882 = arith.constant 1.000000e+00 : f32
    %jit3A_1883 = arith.constant 0.000000e+00 : f32
    %broadcast_in_dim3A_1884 = vector.broadcast %jit3A_1882 : f32 to vector<16xf32>
    %broadcast_in_dim3A_1885 = vector.broadcast %jit3A_1883 : f32 to vector<16xf32>
    %select_n3A_1886 = arith.select %lt3A_1881, %broadcast_in_dim3A_1884, %broadcast_in_dim3A_1885 : vector<16xi1>, vector<16xf32>
    %add3A_1887 = arith.addf %add3A_1877, %select_n3A_1886 : vector<16xf32>
    %get3A_1888 = arith.constant 93 : index
    %get3A_1889 = tpu.vector_load %arg4[%get3A_1888] {strides = array<i32>} : memref<128xf32, #tpu.memory_space<vmem>>, vector<16xf32>,
    %get3A_1890 = vector.shape_cast %get3A_1889 : vector<16xf32> to vector<16xf32>
    %lt3A_1891 = arith.cmpf olt, %get3A_1890, %get3A_1288 : vector<16xf32>
    %jit3A_1892 = arith.constant 1.000000e+00 : f32
    %jit3A_1893 = arith.constant 0.000000e+00 : f32
    %broadcast_in_dim3A_1894 = vector.broadcast %jit3A_1892 : f32 to vector<16xf32>
    %broadcast_in_dim3A_1895 = vector.broadcast %jit3A_1893 : f32 to vector<16xf32>
    %select_n3A_1896 = arith.select %lt3A_1891, %broadcast_in_dim3A_1894, %broadcast_in_dim3A_1895 : vector<16xi1>, vector<16xf32>
    %add3A_1897 = arith.addf %add3A_1887, %select_n3A_1896 : vector<16xf32>
    %get3A_1898 = arith.constant 94 : index
    %get3A_1899 = tpu.vector_load %arg4[%get3A_1898] {strides = array<i32>} : memref<128xf32, #tpu.memory_space<vmem>>, vector<16xf32>,
    %get3A_1900 = vector.shape_cast %get3A_1899 : vector<16xf32> to vector<16xf32>
    %lt3A_1901 = arith.cmpf olt, %get3A_1900, %get3A_1288 : vector<16xf32>
    %jit3A_1902 = arith.constant 1.000000e+00 : f32
    %jit3A_1903 = arith.constant 0.000000e+00 : f32
    %broadcast_in_dim3A_1904 = vector.broadcast %jit3A_1902 : f32 to vector<16xf32>
    %broadcast_in_dim3A_1905 = vector.broadcast %jit3A_1903 : f32 to vector<16xf32>
    %select_n3A_1906 = arith.select %lt3A_1901, %broadcast_in_dim3A_1904, %broadcast_in_dim3A_1905 : vector<16xi1>, vector<16xf32>
    %add3A_1907 = arith.addf %add3A_1897, %select_n3A_1906 : vector<16xf32>
    %get3A_1908 = arith.constant 95 : index
    %get3A_1909 = tpu.vector_load %arg4[%get3A_1908] {strides = array<i32>} : memref<128xf32, #tpu.memory_space<vmem>>, vector<16xf32>,
    %get3A_1910 = vector.shape_cast %get3A_1909 : vector<16xf32> to vector<16xf32>
    %lt3A_1911 = arith.cmpf olt, %get3A_1910, %get3A_1288 : vector<16xf32>
    %jit3A_1912 = arith.constant 1.000000e+00 : f32
    %jit3A_1913 = arith.constant 0.000000e+00 : f32
    %broadcast_in_dim3A_1914 = vector.broadcast %jit3A_1912 : f32 to vector<16xf32>
    %broadcast_in_dim3A_1915 = vector.broadcast %jit3A_1913 : f32 to vector<16xf32>
    %select_n3A_1916 = arith.select %lt3A_1911, %broadcast_in_dim3A_1914, %broadcast_in_dim3A_1915 : vector<16xi1>, vector<16xf32>
    %add3A_1917 = arith.addf %add3A_1907, %select_n3A_1916 : vector<16xf32>
    %lt3A_1918 = arith.constant 3.200000e+01 : f32
    %lt3A_1919 = vector.broadcast %lt3A_1918 : f32 to vector<16xf32>
    %lt3A_1920 = arith.cmpf olt, %add3A_1917, %lt3A_1919 : vector<16xf32>
    %jit3A_1921 = arith.constant 1.000000e+00 : f32
    %jit3A_1922 = arith.constant 0.000000e+00 : f32
    %broadcast_in_dim3A_1923 = vector.broadcast %jit3A_1921 : f32 to vector<16xf32>
    %broadcast_in_dim3A_1924 = vector.broadcast %jit3A_1922 : f32 to vector<16xf32>
    %select_n3A_1925 = arith.select %lt3A_1920, %broadcast_in_dim3A_1923, %broadcast_in_dim3A_1924 : vector<16xi1>, vector<16xf32>
    %convert_element_type3A_1926 = arith.fptosi %select_n3A_1925 : vector<16xf32> to vector<16xi32>
    %swap3A_1927 = arith.constant 32 : index
    %swap3A_1928 = tpu.vector_load %arg5[%swap3A_1927] {strides = array<i32>} : memref<64xi32, #tpu.memory_space<vmem>>, vector<16xi32>,
    %swap3A_1929 = vector.shape_cast %swap3A_1928 : vector<16xi32> to vector<16xi32>
    %swap3A_1930 = vector.shape_cast %convert_element_type3A_1926 : vector<16xi32> to vector<16xi32>
    tpu.vector_store %arg5[%swap3A_1927], %swap3A_1930 {strides = array<i32>} : memref<64xi32, #tpu.memory_space<vmem>>, vector<16xi32>,
    %get3A_1931 = arith.constant 48 : index
    %get3A_1932 = tpu.vector_load %arg4[%get3A_1931] {strides = array<i32>} : memref<128xf32, #tpu.memory_space<vmem>>, vector<16xf32>,
    %get3A_1933 = vector.shape_cast %get3A_1932 : vector<16xf32> to vector<16xf32>
    %get3A_1934 = arith.constant 49 : index
    %get3A_1935 = tpu.vector_load %arg4[%get3A_1934] {strides = array<i32>} : memref<128xf32, #tpu.memory_space<vmem>>, vector<16xf32>,
    %get3A_1936 = vector.shape_cast %get3A_1935 : vector<16xf32> to vector<16xf32>
    %lt3A_1937 = arith.cmpf olt, %get3A_1936, %get3A_1933 : vector<16xf32>
    %jit3A_1938 = arith.constant 1.000000e+00 : f32
    %jit3A_1939 = arith.constant 0.000000e+00 : f32
    %broadcast_in_dim3A_1940 = vector.broadcast %jit3A_1938 : f32 to vector<16xf32>
    %broadcast_in_dim3A_1941 = vector.broadcast %jit3A_1939 : f32 to vector<16xf32>
    %select_n3A_1942 = arith.select %lt3A_1937, %broadcast_in_dim3A_1940, %broadcast_in_dim3A_1941 : vector<16xi1>, vector<16xf32>
    %get3A_1943 = arith.constant 50 : index
    %get3A_1944 = tpu.vector_load %arg4[%get3A_1943] {strides = array<i32>} : memref<128xf32, #tpu.memory_space<vmem>>, vector<16xf32>,
    %get3A_1945 = vector.shape_cast %get3A_1944 : vector<16xf32> to vector<16xf32>
    %lt3A_1946 = arith.cmpf olt, %get3A_1945, %get3A_1933 : vector<16xf32>
    %jit3A_1947 = arith.constant 1.000000e+00 : f32
    %jit3A_1948 = arith.constant 0.000000e+00 : f32
    %broadcast_in_dim3A_1949 = vector.broadcast %jit3A_1947 : f32 to vector<16xf32>
    %broadcast_in_dim3A_1950 = vector.broadcast %jit3A_1948 : f32 to vector<16xf32>
    %select_n3A_1951 = arith.select %lt3A_1946, %broadcast_in_dim3A_1949, %broadcast_in_dim3A_1950 : vector<16xi1>, vector<16xf32>
    %add3A_1952 = arith.addf %select_n3A_1942, %select_n3A_1951 : vector<16xf32>
    %get3A_1953 = arith.constant 51 : index
    %get3A_1954 = tpu.vector_load %arg4[%get3A_1953] {strides = array<i32>} : memref<128xf32, #tpu.memory_space<vmem>>, vector<16xf32>,
    %get3A_1955 = vector.shape_cast %get3A_1954 : vector<16xf32> to vector<16xf32>
    %lt3A_1956 = arith.cmpf olt, %get3A_1955, %get3A_1933 : vector<16xf32>
    %jit3A_1957 = arith.constant 1.000000e+00 : f32
    %jit3A_1958 = arith.constant 0.000000e+00 : f32
    %broadcast_in_dim3A_1959 = vector.broadcast %jit3A_1957 : f32 to vector<16xf32>
    %broadcast_in_dim3A_1960 = vector.broadcast %jit3A_1958 : f32 to vector<16xf32>
    %select_n3A_1961 = arith.select %lt3A_1956, %broadcast_in_dim3A_1959, %broadcast_in_dim3A_1960 : vector<16xi1>, vector<16xf32>
    %add3A_1962 = arith.addf %add3A_1952, %select_n3A_1961 : vector<16xf32>
    %get3A_1963 = arith.constant 52 : index
    %get3A_1964 = tpu.vector_load %arg4[%get3A_1963] {strides = array<i32>} : memref<128xf32, #tpu.memory_space<vmem>>, vector<16xf32>,
    %get3A_1965 = vector.shape_cast %get3A_1964 : vector<16xf32> to vector<16xf32>
    %lt3A_1966 = arith.cmpf olt, %get3A_1965, %get3A_1933 : vector<16xf32>
    %jit3A_1967 = arith.constant 1.000000e+00 : f32
    %jit3A_1968 = arith.constant 0.000000e+00 : f32
    %broadcast_in_dim3A_1969 = vector.broadcast %jit3A_1967 : f32 to vector<16xf32>
    %broadcast_in_dim3A_1970 = vector.broadcast %jit3A_1968 : f32 to vector<16xf32>
    %select_n3A_1971 = arith.select %lt3A_1966, %broadcast_in_dim3A_1969, %broadcast_in_dim3A_1970 : vector<16xi1>, vector<16xf32>
    %add3A_1972 = arith.addf %add3A_1962, %select_n3A_1971 : vector<16xf32>
    %get3A_1973 = arith.constant 53 : index
    %get3A_1974 = tpu.vector_load %arg4[%get3A_1973] {strides = array<i32>} : memref<128xf32, #tpu.memory_space<vmem>>, vector<16xf32>,
    %get3A_1975 = vector.shape_cast %get3A_1974 : vector<16xf32> to vector<16xf32>
    %lt3A_1976 = arith.cmpf olt, %get3A_1975, %get3A_1933 : vector<16xf32>
    %jit3A_1977 = arith.constant 1.000000e+00 : f32
    %jit3A_1978 = arith.constant 0.000000e+00 : f32
    %broadcast_in_dim3A_1979 = vector.broadcast %jit3A_1977 : f32 to vector<16xf32>
    %broadcast_in_dim3A_1980 = vector.broadcast %jit3A_1978 : f32 to vector<16xf32>
    %select_n3A_1981 = arith.select %lt3A_1976, %broadcast_in_dim3A_1979, %broadcast_in_dim3A_1980 : vector<16xi1>, vector<16xf32>
    %add3A_1982 = arith.addf %add3A_1972, %select_n3A_1981 : vector<16xf32>
    %get3A_1983 = arith.constant 54 : index
    %get3A_1984 = tpu.vector_load %arg4[%get3A_1983] {strides = array<i32>} : memref<128xf32, #tpu.memory_space<vmem>>, vector<16xf32>,
    %get3A_1985 = vector.shape_cast %get3A_1984 : vector<16xf32> to vector<16xf32>
    %lt3A_1986 = arith.cmpf olt, %get3A_1985, %get3A_1933 : vector<16xf32>
    %jit3A_1987 = arith.constant 1.000000e+00 : f32
    %jit3A_1988 = arith.constant 0.000000e+00 : f32
    %broadcast_in_dim3A_1989 = vector.broadcast %jit3A_1987 : f32 to vector<16xf32>
    %broadcast_in_dim3A_1990 = vector.broadcast %jit3A_1988 : f32 to vector<16xf32>
    %select_n3A_1991 = arith.select %lt3A_1986, %broadcast_in_dim3A_1989, %broadcast_in_dim3A_1990 : vector<16xi1>, vector<16xf32>
    %add3A_1992 = arith.addf %add3A_1982, %select_n3A_1991 : vector<16xf32>
    %get3A_1993 = arith.constant 55 : index
    %get3A_1994 = tpu.vector_load %arg4[%get3A_1993] {strides = array<i32>} : memref<128xf32, #tpu.memory_space<vmem>>, vector<16xf32>,
    %get3A_1995 = vector.shape_cast %get3A_1994 : vector<16xf32> to vector<16xf32>
    %lt3A_1996 = arith.cmpf olt, %get3A_1995, %get3A_1933 : vector<16xf32>
    %jit3A_1997 = arith.constant 1.000000e+00 : f32
    %jit3A_1998 = arith.constant 0.000000e+00 : f32
    %broadcast_in_dim3A_1999 = vector.broadcast %jit3A_1997 : f32 to vector<16xf32>
    %broadcast_in_dim3A_2000 = vector.broadcast %jit3A_1998 : f32 to vector<16xf32>
    %select_n3A_2001 = arith.select %lt3A_1996, %broadcast_in_dim3A_1999, %broadcast_in_dim3A_2000 : vector<16xi1>, vector<16xf32>
    %add3A_2002 = arith.addf %add3A_1992, %select_n3A_2001 : vector<16xf32>
    %get3A_2003 = arith.constant 56 : index
    %get3A_2004 = tpu.vector_load %arg4[%get3A_2003] {strides = array<i32>} : memref<128xf32, #tpu.memory_space<vmem>>, vector<16xf32>,
    %get3A_2005 = vector.shape_cast %get3A_2004 : vector<16xf32> to vector<16xf32>
    %lt3A_2006 = arith.cmpf olt, %get3A_2005, %get3A_1933 : vector<16xf32>
    %jit3A_2007 = arith.constant 1.000000e+00 : f32
    %jit3A_2008 = arith.constant 0.000000e+00 : f32
    %broadcast_in_dim3A_2009 = vector.broadcast %jit3A_2007 : f32 to vector<16xf32>
    %broadcast_in_dim3A_2010 = vector.broadcast %jit3A_2008 : f32 to vector<16xf32>
    %select_n3A_2011 = arith.select %lt3A_2006, %broadcast_in_dim3A_2009, %broadcast_in_dim3A_2010 : vector<16xi1>, vector<16xf32>
    %add3A_2012 = arith.addf %add3A_2002, %select_n3A_2011 : vector<16xf32>
    %get3A_2013 = arith.constant 57 : index
    %get3A_2014 = tpu.vector_load %arg4[%get3A_2013] {strides = array<i32>} : memref<128xf32, #tpu.memory_space<vmem>>, vector<16xf32>,
    %get3A_2015 = vector.shape_cast %get3A_2014 : vector<16xf32> to vector<16xf32>
    %lt3A_2016 = arith.cmpf olt, %get3A_2015, %get3A_1933 : vector<16xf32>
    %jit3A_2017 = arith.constant 1.000000e+00 : f32
    %jit3A_2018 = arith.constant 0.000000e+00 : f32
    %broadcast_in_dim3A_2019 = vector.broadcast %jit3A_2017 : f32 to vector<16xf32>
    %broadcast_in_dim3A_2020 = vector.broadcast %jit3A_2018 : f32 to vector<16xf32>
    %select_n3A_2021 = arith.select %lt3A_2016, %broadcast_in_dim3A_2019, %broadcast_in_dim3A_2020 : vector<16xi1>, vector<16xf32>
    %add3A_2022 = arith.addf %add3A_2012, %select_n3A_2021 : vector<16xf32>
    %get3A_2023 = arith.constant 58 : index
    %get3A_2024 = tpu.vector_load %arg4[%get3A_2023] {strides = array<i32>} : memref<128xf32, #tpu.memory_space<vmem>>, vector<16xf32>,
    %get3A_2025 = vector.shape_cast %get3A_2024 : vector<16xf32> to vector<16xf32>
    %lt3A_2026 = arith.cmpf olt, %get3A_2025, %get3A_1933 : vector<16xf32>
    %jit3A_2027 = arith.constant 1.000000e+00 : f32
    %jit3A_2028 = arith.constant 0.000000e+00 : f32
    %broadcast_in_dim3A_2029 = vector.broadcast %jit3A_2027 : f32 to vector<16xf32>
    %broadcast_in_dim3A_2030 = vector.broadcast %jit3A_2028 : f32 to vector<16xf32>
    %select_n3A_2031 = arith.select %lt3A_2026, %broadcast_in_dim3A_2029, %broadcast_in_dim3A_2030 : vector<16xi1>, vector<16xf32>
    %add3A_2032 = arith.addf %add3A_2022, %select_n3A_2031 : vector<16xf32>
    %get3A_2033 = arith.constant 59 : index
    %get3A_2034 = tpu.vector_load %arg4[%get3A_2033] {strides = array<i32>} : memref<128xf32, #tpu.memory_space<vmem>>, vector<16xf32>,
    %get3A_2035 = vector.shape_cast %get3A_2034 : vector<16xf32> to vector<16xf32>
    %lt3A_2036 = arith.cmpf olt, %get3A_2035, %get3A_1933 : vector<16xf32>
    %jit3A_2037 = arith.constant 1.000000e+00 : f32
    %jit3A_2038 = arith.constant 0.000000e+00 : f32
    %broadcast_in_dim3A_2039 = vector.broadcast %jit3A_2037 : f32 to vector<16xf32>
    %broadcast_in_dim3A_2040 = vector.broadcast %jit3A_2038 : f32 to vector<16xf32>
    %select_n3A_2041 = arith.select %lt3A_2036, %broadcast_in_dim3A_2039, %broadcast_in_dim3A_2040 : vector<16xi1>, vector<16xf32>
    %add3A_2042 = arith.addf %add3A_2032, %select_n3A_2041 : vector<16xf32>
    %get3A_2043 = arith.constant 60 : index
    %get3A_2044 = tpu.vector_load %arg4[%get3A_2043] {strides = array<i32>} : memref<128xf32, #tpu.memory_space<vmem>>, vector<16xf32>,
    %get3A_2045 = vector.shape_cast %get3A_2044 : vector<16xf32> to vector<16xf32>
    %lt3A_2046 = arith.cmpf olt, %get3A_2045, %get3A_1933 : vector<16xf32>
    %jit3A_2047 = arith.constant 1.000000e+00 : f32
    %jit3A_2048 = arith.constant 0.000000e+00 : f32
    %broadcast_in_dim3A_2049 = vector.broadcast %jit3A_2047 : f32 to vector<16xf32>
    %broadcast_in_dim3A_2050 = vector.broadcast %jit3A_2048 : f32 to vector<16xf32>
    %select_n3A_2051 = arith.select %lt3A_2046, %broadcast_in_dim3A_2049, %broadcast_in_dim3A_2050 : vector<16xi1>, vector<16xf32>
    %add3A_2052 = arith.addf %add3A_2042, %select_n3A_2051 : vector<16xf32>
    %get3A_2053 = arith.constant 61 : index
    %get3A_2054 = tpu.vector_load %arg4[%get3A_2053] {strides = array<i32>} : memref<128xf32, #tpu.memory_space<vmem>>, vector<16xf32>,
    %get3A_2055 = vector.shape_cast %get3A_2054 : vector<16xf32> to vector<16xf32>
    %lt3A_2056 = arith.cmpf olt, %get3A_2055, %get3A_1933 : vector<16xf32>
    %jit3A_2057 = arith.constant 1.000000e+00 : f32
    %jit3A_2058 = arith.constant 0.000000e+00 : f32
    %broadcast_in_dim3A_2059 = vector.broadcast %jit3A_2057 : f32 to vector<16xf32>
    %broadcast_in_dim3A_2060 = vector.broadcast %jit3A_2058 : f32 to vector<16xf32>
    %select_n3A_2061 = arith.select %lt3A_2056, %broadcast_in_dim3A_2059, %broadcast_in_dim3A_2060 : vector<16xi1>, vector<16xf32>
    %add3A_2062 = arith.addf %add3A_2052, %select_n3A_2061 : vector<16xf32>
    %get3A_2063 = arith.constant 62 : index
    %get3A_2064 = tpu.vector_load %arg4[%get3A_2063] {strides = array<i32>} : memref<128xf32, #tpu.memory_space<vmem>>, vector<16xf32>,
    %get3A_2065 = vector.shape_cast %get3A_2064 : vector<16xf32> to vector<16xf32>
    %lt3A_2066 = arith.cmpf olt, %get3A_2065, %get3A_1933 : vector<16xf32>
    %jit3A_2067 = arith.constant 1.000000e+00 : f32
    %jit3A_2068 = arith.constant 0.000000e+00 : f32
    %broadcast_in_dim3A_2069 = vector.broadcast %jit3A_2067 : f32 to vector<16xf32>
    %broadcast_in_dim3A_2070 = vector.broadcast %jit3A_2068 : f32 to vector<16xf32>
    %select_n3A_2071 = arith.select %lt3A_2066, %broadcast_in_dim3A_2069, %broadcast_in_dim3A_2070 : vector<16xi1>, vector<16xf32>
    %add3A_2072 = arith.addf %add3A_2062, %select_n3A_2071 : vector<16xf32>
    %get3A_2073 = arith.constant 63 : index
    %get3A_2074 = tpu.vector_load %arg4[%get3A_2073] {strides = array<i32>} : memref<128xf32, #tpu.memory_space<vmem>>, vector<16xf32>,
    %get3A_2075 = vector.shape_cast %get3A_2074 : vector<16xf32> to vector<16xf32>
    %lt3A_2076 = arith.cmpf olt, %get3A_2075, %get3A_1933 : vector<16xf32>
    %jit3A_2077 = arith.constant 1.000000e+00 : f32
    %jit3A_2078 = arith.constant 0.000000e+00 : f32
    %broadcast_in_dim3A_2079 = vector.broadcast %jit3A_2077 : f32 to vector<16xf32>
    %broadcast_in_dim3A_2080 = vector.broadcast %jit3A_2078 : f32 to vector<16xf32>
    %select_n3A_2081 = arith.select %lt3A_2076, %broadcast_in_dim3A_2079, %broadcast_in_dim3A_2080 : vector<16xi1>, vector<16xf32>
    %add3A_2082 = arith.addf %add3A_2072, %select_n3A_2081 : vector<16xf32>
    %get3A_2083 = arith.constant 64 : index
    %get3A_2084 = tpu.vector_load %arg4[%get3A_2083] {strides = array<i32>} : memref<128xf32, #tpu.memory_space<vmem>>, vector<16xf32>,
    %get3A_2085 = vector.shape_cast %get3A_2084 : vector<16xf32> to vector<16xf32>
    %lt3A_2086 = arith.cmpf olt, %get3A_2085, %get3A_1933 : vector<16xf32>
    %jit3A_2087 = arith.constant 1.000000e+00 : f32
    %jit3A_2088 = arith.constant 0.000000e+00 : f32
    %broadcast_in_dim3A_2089 = vector.broadcast %jit3A_2087 : f32 to vector<16xf32>
    %broadcast_in_dim3A_2090 = vector.broadcast %jit3A_2088 : f32 to vector<16xf32>
    %select_n3A_2091 = arith.select %lt3A_2086, %broadcast_in_dim3A_2089, %broadcast_in_dim3A_2090 : vector<16xi1>, vector<16xf32>
    %add3A_2092 = arith.addf %add3A_2082, %select_n3A_2091 : vector<16xf32>
    %get3A_2093 = arith.constant 65 : index
    %get3A_2094 = tpu.vector_load %arg4[%get3A_2093] {strides = array<i32>} : memref<128xf32, #tpu.memory_space<vmem>>, vector<16xf32>,
    %get3A_2095 = vector.shape_cast %get3A_2094 : vector<16xf32> to vector<16xf32>
    %lt3A_2096 = arith.cmpf olt, %get3A_2095, %get3A_1933 : vector<16xf32>
    %jit3A_2097 = arith.constant 1.000000e+00 : f32
    %jit3A_2098 = arith.constant 0.000000e+00 : f32
    %broadcast_in_dim3A_2099 = vector.broadcast %jit3A_2097 : f32 to vector<16xf32>
    %broadcast_in_dim3A_2100 = vector.broadcast %jit3A_2098 : f32 to vector<16xf32>
    %select_n3A_2101 = arith.select %lt3A_2096, %broadcast_in_dim3A_2099, %broadcast_in_dim3A_2100 : vector<16xi1>, vector<16xf32>
    %add3A_2102 = arith.addf %add3A_2092, %select_n3A_2101 : vector<16xf32>
    %get3A_2103 = arith.constant 66 : index
    %get3A_2104 = tpu.vector_load %arg4[%get3A_2103] {strides = array<i32>} : memref<128xf32, #tpu.memory_space<vmem>>, vector<16xf32>,
    %get3A_2105 = vector.shape_cast %get3A_2104 : vector<16xf32> to vector<16xf32>
    %lt3A_2106 = arith.cmpf olt, %get3A_2105, %get3A_1933 : vector<16xf32>
    %jit3A_2107 = arith.constant 1.000000e+00 : f32
    %jit3A_2108 = arith.constant 0.000000e+00 : f32
    %broadcast_in_dim3A_2109 = vector.broadcast %jit3A_2107 : f32 to vector<16xf32>
    %broadcast_in_dim3A_2110 = vector.broadcast %jit3A_2108 : f32 to vector<16xf32>
    %select_n3A_2111 = arith.select %lt3A_2106, %broadcast_in_dim3A_2109, %broadcast_in_dim3A_2110 : vector<16xi1>, vector<16xf32>
    %add3A_2112 = arith.addf %add3A_2102, %select_n3A_2111 : vector<16xf32>
    %get3A_2113 = arith.constant 67 : index
    %get3A_2114 = tpu.vector_load %arg4[%get3A_2113] {strides = array<i32>} : memref<128xf32, #tpu.memory_space<vmem>>, vector<16xf32>,
    %get3A_2115 = vector.shape_cast %get3A_2114 : vector<16xf32> to vector<16xf32>
    %lt3A_2116 = arith.cmpf olt, %get3A_2115, %get3A_1933 : vector<16xf32>
    %jit3A_2117 = arith.constant 1.000000e+00 : f32
    %jit3A_2118 = arith.constant 0.000000e+00 : f32
    %broadcast_in_dim3A_2119 = vector.broadcast %jit3A_2117 : f32 to vector<16xf32>
    %broadcast_in_dim3A_2120 = vector.broadcast %jit3A_2118 : f32 to vector<16xf32>
    %select_n3A_2121 = arith.select %lt3A_2116, %broadcast_in_dim3A_2119, %broadcast_in_dim3A_2120 : vector<16xi1>, vector<16xf32>
    %add3A_2122 = arith.addf %add3A_2112, %select_n3A_2121 : vector<16xf32>
    %get3A_2123 = arith.constant 68 : index
    %get3A_2124 = tpu.vector_load %arg4[%get3A_2123] {strides = array<i32>} : memref<128xf32, #tpu.memory_space<vmem>>, vector<16xf32>,
    %get3A_2125 = vector.shape_cast %get3A_2124 : vector<16xf32> to vector<16xf32>
    %lt3A_2126 = arith.cmpf olt, %get3A_2125, %get3A_1933 : vector<16xf32>
    %jit3A_2127 = arith.constant 1.000000e+00 : f32
    %jit3A_2128 = arith.constant 0.000000e+00 : f32
    %broadcast_in_dim3A_2129 = vector.broadcast %jit3A_2127 : f32 to vector<16xf32>
    %broadcast_in_dim3A_2130 = vector.broadcast %jit3A_2128 : f32 to vector<16xf32>
    %select_n3A_2131 = arith.select %lt3A_2126, %broadcast_in_dim3A_2129, %broadcast_in_dim3A_2130 : vector<16xi1>, vector<16xf32>
    %add3A_2132 = arith.addf %add3A_2122, %select_n3A_2131 : vector<16xf32>
    %get3A_2133 = arith.constant 69 : index
    %get3A_2134 = tpu.vector_load %arg4[%get3A_2133] {strides = array<i32>} : memref<128xf32, #tpu.memory_space<vmem>>, vector<16xf32>,
    %get3A_2135 = vector.shape_cast %get3A_2134 : vector<16xf32> to vector<16xf32>
    %lt3A_2136 = arith.cmpf olt, %get3A_2135, %get3A_1933 : vector<16xf32>
    %jit3A_2137 = arith.constant 1.000000e+00 : f32
    %jit3A_2138 = arith.constant 0.000000e+00 : f32
    %broadcast_in_dim3A_2139 = vector.broadcast %jit3A_2137 : f32 to vector<16xf32>
    %broadcast_in_dim3A_2140 = vector.broadcast %jit3A_2138 : f32 to vector<16xf32>
    %select_n3A_2141 = arith.select %lt3A_2136, %broadcast_in_dim3A_2139, %broadcast_in_dim3A_2140 : vector<16xi1>, vector<16xf32>
    %add3A_2142 = arith.addf %add3A_2132, %select_n3A_2141 : vector<16xf32>
    %get3A_2143 = arith.constant 70 : index
    %get3A_2144 = tpu.vector_load %arg4[%get3A_2143] {strides = array<i32>} : memref<128xf32, #tpu.memory_space<vmem>>, vector<16xf32>,
    %get3A_2145 = vector.shape_cast %get3A_2144 : vector<16xf32> to vector<16xf32>
    %lt3A_2146 = arith.cmpf olt, %get3A_2145, %get3A_1933 : vector<16xf32>
    %jit3A_2147 = arith.constant 1.000000e+00 : f32
    %jit3A_2148 = arith.constant 0.000000e+00 : f32
    %broadcast_in_dim3A_2149 = vector.broadcast %jit3A_2147 : f32 to vector<16xf32>
    %broadcast_in_dim3A_2150 = vector.broadcast %jit3A_2148 : f32 to vector<16xf32>
    %select_n3A_2151 = arith.select %lt3A_2146, %broadcast_in_dim3A_2149, %broadcast_in_dim3A_2150 : vector<16xi1>, vector<16xf32>
    %add3A_2152 = arith.addf %add3A_2142, %select_n3A_2151 : vector<16xf32>
    %get3A_2153 = arith.constant 71 : index
    %get3A_2154 = tpu.vector_load %arg4[%get3A_2153] {strides = array<i32>} : memref<128xf32, #tpu.memory_space<vmem>>, vector<16xf32>,
    %get3A_2155 = vector.shape_cast %get3A_2154 : vector<16xf32> to vector<16xf32>
    %lt3A_2156 = arith.cmpf olt, %get3A_2155, %get3A_1933 : vector<16xf32>
    %jit3A_2157 = arith.constant 1.000000e+00 : f32
    %jit3A_2158 = arith.constant 0.000000e+00 : f32
    %broadcast_in_dim3A_2159 = vector.broadcast %jit3A_2157 : f32 to vector<16xf32>
    %broadcast_in_dim3A_2160 = vector.broadcast %jit3A_2158 : f32 to vector<16xf32>
    %select_n3A_2161 = arith.select %lt3A_2156, %broadcast_in_dim3A_2159, %broadcast_in_dim3A_2160 : vector<16xi1>, vector<16xf32>
    %add3A_2162 = arith.addf %add3A_2152, %select_n3A_2161 : vector<16xf32>
    %get3A_2163 = arith.constant 72 : index
    %get3A_2164 = tpu.vector_load %arg4[%get3A_2163] {strides = array<i32>} : memref<128xf32, #tpu.memory_space<vmem>>, vector<16xf32>,
    %get3A_2165 = vector.shape_cast %get3A_2164 : vector<16xf32> to vector<16xf32>
    %lt3A_2166 = arith.cmpf olt, %get3A_2165, %get3A_1933 : vector<16xf32>
    %jit3A_2167 = arith.constant 1.000000e+00 : f32
    %jit3A_2168 = arith.constant 0.000000e+00 : f32
    %broadcast_in_dim3A_2169 = vector.broadcast %jit3A_2167 : f32 to vector<16xf32>
    %broadcast_in_dim3A_2170 = vector.broadcast %jit3A_2168 : f32 to vector<16xf32>
    %select_n3A_2171 = arith.select %lt3A_2166, %broadcast_in_dim3A_2169, %broadcast_in_dim3A_2170 : vector<16xi1>, vector<16xf32>
    %add3A_2172 = arith.addf %add3A_2162, %select_n3A_2171 : vector<16xf32>
    %get3A_2173 = arith.constant 73 : index
    %get3A_2174 = tpu.vector_load %arg4[%get3A_2173] {strides = array<i32>} : memref<128xf32, #tpu.memory_space<vmem>>, vector<16xf32>,
    %get3A_2175 = vector.shape_cast %get3A_2174 : vector<16xf32> to vector<16xf32>
    %lt3A_2176 = arith.cmpf olt, %get3A_2175, %get3A_1933 : vector<16xf32>
    %jit3A_2177 = arith.constant 1.000000e+00 : f32
    %jit3A_2178 = arith.constant 0.000000e+00 : f32
    %broadcast_in_dim3A_2179 = vector.broadcast %jit3A_2177 : f32 to vector<16xf32>
    %broadcast_in_dim3A_2180 = vector.broadcast %jit3A_2178 : f32 to vector<16xf32>
    %select_n3A_2181 = arith.select %lt3A_2176, %broadcast_in_dim3A_2179, %broadcast_in_dim3A_2180 : vector<16xi1>, vector<16xf32>
    %add3A_2182 = arith.addf %add3A_2172, %select_n3A_2181 : vector<16xf32>
    %get3A_2183 = arith.constant 74 : index
    %get3A_2184 = tpu.vector_load %arg4[%get3A_2183] {strides = array<i32>} : memref<128xf32, #tpu.memory_space<vmem>>, vector<16xf32>,
    %get3A_2185 = vector.shape_cast %get3A_2184 : vector<16xf32> to vector<16xf32>
    %lt3A_2186 = arith.cmpf olt, %get3A_2185, %get3A_1933 : vector<16xf32>
    %jit3A_2187 = arith.constant 1.000000e+00 : f32
    %jit3A_2188 = arith.constant 0.000000e+00 : f32
    %broadcast_in_dim3A_2189 = vector.broadcast %jit3A_2187 : f32 to vector<16xf32>
    %broadcast_in_dim3A_2190 = vector.broadcast %jit3A_2188 : f32 to vector<16xf32>
    %select_n3A_2191 = arith.select %lt3A_2186, %broadcast_in_dim3A_2189, %broadcast_in_dim3A_2190 : vector<16xi1>, vector<16xf32>
    %add3A_2192 = arith.addf %add3A_2182, %select_n3A_2191 : vector<16xf32>
    %get3A_2193 = arith.constant 75 : index
    %get3A_2194 = tpu.vector_load %arg4[%get3A_2193] {strides = array<i32>} : memref<128xf32, #tpu.memory_space<vmem>>, vector<16xf32>,
    %get3A_2195 = vector.shape_cast %get3A_2194 : vector<16xf32> to vector<16xf32>
    %lt3A_2196 = arith.cmpf olt, %get3A_2195, %get3A_1933 : vector<16xf32>
    %jit3A_2197 = arith.constant 1.000000e+00 : f32
    %jit3A_2198 = arith.constant 0.000000e+00 : f32
    %broadcast_in_dim3A_2199 = vector.broadcast %jit3A_2197 : f32 to vector<16xf32>
    %broadcast_in_dim3A_2200 = vector.broadcast %jit3A_2198 : f32 to vector<16xf32>
    %select_n3A_2201 = arith.select %lt3A_2196, %broadcast_in_dim3A_2199, %broadcast_in_dim3A_2200 : vector<16xi1>, vector<16xf32>
    %add3A_2202 = arith.addf %add3A_2192, %select_n3A_2201 : vector<16xf32>
    %get3A_2203 = arith.constant 76 : index
    %get3A_2204 = tpu.vector_load %arg4[%get3A_2203] {strides = array<i32>} : memref<128xf32, #tpu.memory_space<vmem>>, vector<16xf32>,
    %get3A_2205 = vector.shape_cast %get3A_2204 : vector<16xf32> to vector<16xf32>
    %lt3A_2206 = arith.cmpf olt, %get3A_2205, %get3A_1933 : vector<16xf32>
    %jit3A_2207 = arith.constant 1.000000e+00 : f32
    %jit3A_2208 = arith.constant 0.000000e+00 : f32
    %broadcast_in_dim3A_2209 = vector.broadcast %jit3A_2207 : f32 to vector<16xf32>
    %broadcast_in_dim3A_2210 = vector.broadcast %jit3A_2208 : f32 to vector<16xf32>
    %select_n3A_2211 = arith.select %lt3A_2206, %broadcast_in_dim3A_2209, %broadcast_in_dim3A_2210 : vector<16xi1>, vector<16xf32>
    %add3A_2212 = arith.addf %add3A_2202, %select_n3A_2211 : vector<16xf32>
    %get3A_2213 = arith.constant 77 : index
    %get3A_2214 = tpu.vector_load %arg4[%get3A_2213] {strides = array<i32>} : memref<128xf32, #tpu.memory_space<vmem>>, vector<16xf32>,
    %get3A_2215 = vector.shape_cast %get3A_2214 : vector<16xf32> to vector<16xf32>
    %lt3A_2216 = arith.cmpf olt, %get3A_2215, %get3A_1933 : vector<16xf32>
    %jit3A_2217 = arith.constant 1.000000e+00 : f32
    %jit3A_2218 = arith.constant 0.000000e+00 : f32
    %broadcast_in_dim3A_2219 = vector.broadcast %jit3A_2217 : f32 to vector<16xf32>
    %broadcast_in_dim3A_2220 = vector.broadcast %jit3A_2218 : f32 to vector<16xf32>
    %select_n3A_2221 = arith.select %lt3A_2216, %broadcast_in_dim3A_2219, %broadcast_in_dim3A_2220 : vector<16xi1>, vector<16xf32>
    %add3A_2222 = arith.addf %add3A_2212, %select_n3A_2221 : vector<16xf32>
    %get3A_2223 = arith.constant 78 : index
    %get3A_2224 = tpu.vector_load %arg4[%get3A_2223] {strides = array<i32>} : memref<128xf32, #tpu.memory_space<vmem>>, vector<16xf32>,
    %get3A_2225 = vector.shape_cast %get3A_2224 : vector<16xf32> to vector<16xf32>
    %lt3A_2226 = arith.cmpf olt, %get3A_2225, %get3A_1933 : vector<16xf32>
    %jit3A_2227 = arith.constant 1.000000e+00 : f32
    %jit3A_2228 = arith.constant 0.000000e+00 : f32
    %broadcast_in_dim3A_2229 = vector.broadcast %jit3A_2227 : f32 to vector<16xf32>
    %broadcast_in_dim3A_2230 = vector.broadcast %jit3A_2228 : f32 to vector<16xf32>
    %select_n3A_2231 = arith.select %lt3A_2226, %broadcast_in_dim3A_2229, %broadcast_in_dim3A_2230 : vector<16xi1>, vector<16xf32>
    %add3A_2232 = arith.addf %add3A_2222, %select_n3A_2231 : vector<16xf32>
    %get3A_2233 = arith.constant 79 : index
    %get3A_2234 = tpu.vector_load %arg4[%get3A_2233] {strides = array<i32>} : memref<128xf32, #tpu.memory_space<vmem>>, vector<16xf32>,
    %get3A_2235 = vector.shape_cast %get3A_2234 : vector<16xf32> to vector<16xf32>
    %lt3A_2236 = arith.cmpf olt, %get3A_2235, %get3A_1933 : vector<16xf32>
    %jit3A_2237 = arith.constant 1.000000e+00 : f32
    %jit3A_2238 = arith.constant 0.000000e+00 : f32
    %broadcast_in_dim3A_2239 = vector.broadcast %jit3A_2237 : f32 to vector<16xf32>
    %broadcast_in_dim3A_2240 = vector.broadcast %jit3A_2238 : f32 to vector<16xf32>
    %select_n3A_2241 = arith.select %lt3A_2236, %broadcast_in_dim3A_2239, %broadcast_in_dim3A_2240 : vector<16xi1>, vector<16xf32>
    %add3A_2242 = arith.addf %add3A_2232, %select_n3A_2241 : vector<16xf32>
    %get3A_2243 = arith.constant 80 : index
    %get3A_2244 = tpu.vector_load %arg4[%get3A_2243] {strides = array<i32>} : memref<128xf32, #tpu.memory_space<vmem>>, vector<16xf32>,
    %get3A_2245 = vector.shape_cast %get3A_2244 : vector<16xf32> to vector<16xf32>
    %lt3A_2246 = arith.cmpf olt, %get3A_2245, %get3A_1933 : vector<16xf32>
    %jit3A_2247 = arith.constant 1.000000e+00 : f32
    %jit3A_2248 = arith.constant 0.000000e+00 : f32
    %broadcast_in_dim3A_2249 = vector.broadcast %jit3A_2247 : f32 to vector<16xf32>
    %broadcast_in_dim3A_2250 = vector.broadcast %jit3A_2248 : f32 to vector<16xf32>
    %select_n3A_2251 = arith.select %lt3A_2246, %broadcast_in_dim3A_2249, %broadcast_in_dim3A_2250 : vector<16xi1>, vector<16xf32>
    %add3A_2252 = arith.addf %add3A_2242, %select_n3A_2251 : vector<16xf32>
    %get3A_2253 = arith.constant 81 : index
    %get3A_2254 = tpu.vector_load %arg4[%get3A_2253] {strides = array<i32>} : memref<128xf32, #tpu.memory_space<vmem>>, vector<16xf32>,
    %get3A_2255 = vector.shape_cast %get3A_2254 : vector<16xf32> to vector<16xf32>
    %lt3A_2256 = arith.cmpf olt, %get3A_2255, %get3A_1933 : vector<16xf32>
    %jit3A_2257 = arith.constant 1.000000e+00 : f32
    %jit3A_2258 = arith.constant 0.000000e+00 : f32
    %broadcast_in_dim3A_2259 = vector.broadcast %jit3A_2257 : f32 to vector<16xf32>
    %broadcast_in_dim3A_2260 = vector.broadcast %jit3A_2258 : f32 to vector<16xf32>
    %select_n3A_2261 = arith.select %lt3A_2256, %broadcast_in_dim3A_2259, %broadcast_in_dim3A_2260 : vector<16xi1>, vector<16xf32>
    %add3A_2262 = arith.addf %add3A_2252, %select_n3A_2261 : vector<16xf32>
    %get3A_2263 = arith.constant 82 : index
    %get3A_2264 = tpu.vector_load %arg4[%get3A_2263] {strides = array<i32>} : memref<128xf32, #tpu.memory_space<vmem>>, vector<16xf32>,
    %get3A_2265 = vector.shape_cast %get3A_2264 : vector<16xf32> to vector<16xf32>
    %lt3A_2266 = arith.cmpf olt, %get3A_2265, %get3A_1933 : vector<16xf32>
    %jit3A_2267 = arith.constant 1.000000e+00 : f32
    %jit3A_2268 = arith.constant 0.000000e+00 : f32
    %broadcast_in_dim3A_2269 = vector.broadcast %jit3A_2267 : f32 to vector<16xf32>
    %broadcast_in_dim3A_2270 = vector.broadcast %jit3A_2268 : f32 to vector<16xf32>
    %select_n3A_2271 = arith.select %lt3A_2266, %broadcast_in_dim3A_2269, %broadcast_in_dim3A_2270 : vector<16xi1>, vector<16xf32>
    %add3A_2272 = arith.addf %add3A_2262, %select_n3A_2271 : vector<16xf32>
    %get3A_2273 = arith.constant 83 : index
    %get3A_2274 = tpu.vector_load %arg4[%get3A_2273] {strides = array<i32>} : memref<128xf32, #tpu.memory_space<vmem>>, vector<16xf32>,
    %get3A_2275 = vector.shape_cast %get3A_2274 : vector<16xf32> to vector<16xf32>
    %lt3A_2276 = arith.cmpf olt, %get3A_2275, %get3A_1933 : vector<16xf32>
    %jit3A_2277 = arith.constant 1.000000e+00 : f32
    %jit3A_2278 = arith.constant 0.000000e+00 : f32
    %broadcast_in_dim3A_2279 = vector.broadcast %jit3A_2277 : f32 to vector<16xf32>
    %broadcast_in_dim3A_2280 = vector.broadcast %jit3A_2278 : f32 to vector<16xf32>
    %select_n3A_2281 = arith.select %lt3A_2276, %broadcast_in_dim3A_2279, %broadcast_in_dim3A_2280 : vector<16xi1>, vector<16xf32>
    %add3A_2282 = arith.addf %add3A_2272, %select_n3A_2281 : vector<16xf32>
    %get3A_2283 = arith.constant 84 : index
    %get3A_2284 = tpu.vector_load %arg4[%get3A_2283] {strides = array<i32>} : memref<128xf32, #tpu.memory_space<vmem>>, vector<16xf32>,
    %get3A_2285 = vector.shape_cast %get3A_2284 : vector<16xf32> to vector<16xf32>
    %lt3A_2286 = arith.cmpf olt, %get3A_2285, %get3A_1933 : vector<16xf32>
    %jit3A_2287 = arith.constant 1.000000e+00 : f32
    %jit3A_2288 = arith.constant 0.000000e+00 : f32
    %broadcast_in_dim3A_2289 = vector.broadcast %jit3A_2287 : f32 to vector<16xf32>
    %broadcast_in_dim3A_2290 = vector.broadcast %jit3A_2288 : f32 to vector<16xf32>
    %select_n3A_2291 = arith.select %lt3A_2286, %broadcast_in_dim3A_2289, %broadcast_in_dim3A_2290 : vector<16xi1>, vector<16xf32>
    %add3A_2292 = arith.addf %add3A_2282, %select_n3A_2291 : vector<16xf32>
    %get3A_2293 = arith.constant 85 : index
    %get3A_2294 = tpu.vector_load %arg4[%get3A_2293] {strides = array<i32>} : memref<128xf32, #tpu.memory_space<vmem>>, vector<16xf32>,
    %get3A_2295 = vector.shape_cast %get3A_2294 : vector<16xf32> to vector<16xf32>
    %lt3A_2296 = arith.cmpf olt, %get3A_2295, %get3A_1933 : vector<16xf32>
    %jit3A_2297 = arith.constant 1.000000e+00 : f32
    %jit3A_2298 = arith.constant 0.000000e+00 : f32
    %broadcast_in_dim3A_2299 = vector.broadcast %jit3A_2297 : f32 to vector<16xf32>
    %broadcast_in_dim3A_2300 = vector.broadcast %jit3A_2298 : f32 to vector<16xf32>
    %select_n3A_2301 = arith.select %lt3A_2296, %broadcast_in_dim3A_2299, %broadcast_in_dim3A_2300 : vector<16xi1>, vector<16xf32>
    %add3A_2302 = arith.addf %add3A_2292, %select_n3A_2301 : vector<16xf32>
    %get3A_2303 = arith.constant 86 : index
    %get3A_2304 = tpu.vector_load %arg4[%get3A_2303] {strides = array<i32>} : memref<128xf32, #tpu.memory_space<vmem>>, vector<16xf32>,
    %get3A_2305 = vector.shape_cast %get3A_2304 : vector<16xf32> to vector<16xf32>
    %lt3A_2306 = arith.cmpf olt, %get3A_2305, %get3A_1933 : vector<16xf32>
    %jit3A_2307 = arith.constant 1.000000e+00 : f32
    %jit3A_2308 = arith.constant 0.000000e+00 : f32
    %broadcast_in_dim3A_2309 = vector.broadcast %jit3A_2307 : f32 to vector<16xf32>
    %broadcast_in_dim3A_2310 = vector.broadcast %jit3A_2308 : f32 to vector<16xf32>
    %select_n3A_2311 = arith.select %lt3A_2306, %broadcast_in_dim3A_2309, %broadcast_in_dim3A_2310 : vector<16xi1>, vector<16xf32>
    %add3A_2312 = arith.addf %add3A_2302, %select_n3A_2311 : vector<16xf32>
    %get3A_2313 = arith.constant 87 : index
    %get3A_2314 = tpu.vector_load %arg4[%get3A_2313] {strides = array<i32>} : memref<128xf32, #tpu.memory_space<vmem>>, vector<16xf32>,
    %get3A_2315 = vector.shape_cast %get3A_2314 : vector<16xf32> to vector<16xf32>
    %lt3A_2316 = arith.cmpf olt, %get3A_2315, %get3A_1933 : vector<16xf32>
    %jit3A_2317 = arith.constant 1.000000e+00 : f32
    %jit3A_2318 = arith.constant 0.000000e+00 : f32
    %broadcast_in_dim3A_2319 = vector.broadcast %jit3A_2317 : f32 to vector<16xf32>
    %broadcast_in_dim3A_2320 = vector.broadcast %jit3A_2318 : f32 to vector<16xf32>
    %select_n3A_2321 = arith.select %lt3A_2316, %broadcast_in_dim3A_2319, %broadcast_in_dim3A_2320 : vector<16xi1>, vector<16xf32>
    %add3A_2322 = arith.addf %add3A_2312, %select_n3A_2321 : vector<16xf32>
    %get3A_2323 = arith.constant 88 : index
    %get3A_2324 = tpu.vector_load %arg4[%get3A_2323] {strides = array<i32>} : memref<128xf32, #tpu.memory_space<vmem>>, vector<16xf32>,
    %get3A_2325 = vector.shape_cast %get3A_2324 : vector<16xf32> to vector<16xf32>
    %lt3A_2326 = arith.cmpf olt, %get3A_2325, %get3A_1933 : vector<16xf32>
    %jit3A_2327 = arith.constant 1.000000e+00 : f32
    %jit3A_2328 = arith.constant 0.000000e+00 : f32
    %broadcast_in_dim3A_2329 = vector.broadcast %jit3A_2327 : f32 to vector<16xf32>
    %broadcast_in_dim3A_2330 = vector.broadcast %jit3A_2328 : f32 to vector<16xf32>
    %select_n3A_2331 = arith.select %lt3A_2326, %broadcast_in_dim3A_2329, %broadcast_in_dim3A_2330 : vector<16xi1>, vector<16xf32>
    %add3A_2332 = arith.addf %add3A_2322, %select_n3A_2331 : vector<16xf32>
    %get3A_2333 = arith.constant 89 : index
    %get3A_2334 = tpu.vector_load %arg4[%get3A_2333] {strides = array<i32>} : memref<128xf32, #tpu.memory_space<vmem>>, vector<16xf32>,
    %get3A_2335 = vector.shape_cast %get3A_2334 : vector<16xf32> to vector<16xf32>
    %lt3A_2336 = arith.cmpf olt, %get3A_2335, %get3A_1933 : vector<16xf32>
    %jit3A_2337 = arith.constant 1.000000e+00 : f32
    %jit3A_2338 = arith.constant 0.000000e+00 : f32
    %broadcast_in_dim3A_2339 = vector.broadcast %jit3A_2337 : f32 to vector<16xf32>
    %broadcast_in_dim3A_2340 = vector.broadcast %jit3A_2338 : f32 to vector<16xf32>
    %select_n3A_2341 = arith.select %lt3A_2336, %broadcast_in_dim3A_2339, %broadcast_in_dim3A_2340 : vector<16xi1>, vector<16xf32>
    %add3A_2342 = arith.addf %add3A_2332, %select_n3A_2341 : vector<16xf32>
    %get3A_2343 = arith.constant 90 : index
    %get3A_2344 = tpu.vector_load %arg4[%get3A_2343] {strides = array<i32>} : memref<128xf32, #tpu.memory_space<vmem>>, vector<16xf32>,
    %get3A_2345 = vector.shape_cast %get3A_2344 : vector<16xf32> to vector<16xf32>
    %lt3A_2346 = arith.cmpf olt, %get3A_2345, %get3A_1933 : vector<16xf32>
    %jit3A_2347 = arith.constant 1.000000e+00 : f32
    %jit3A_2348 = arith.constant 0.000000e+00 : f32
    %broadcast_in_dim3A_2349 = vector.broadcast %jit3A_2347 : f32 to vector<16xf32>
    %broadcast_in_dim3A_2350 = vector.broadcast %jit3A_2348 : f32 to vector<16xf32>
    %select_n3A_2351 = arith.select %lt3A_2346, %broadcast_in_dim3A_2349, %broadcast_in_dim3A_2350 : vector<16xi1>, vector<16xf32>
    %add3A_2352 = arith.addf %add3A_2342, %select_n3A_2351 : vector<16xf32>
    %get3A_2353 = arith.constant 91 : index
    %get3A_2354 = tpu.vector_load %arg4[%get3A_2353] {strides = array<i32>} : memref<128xf32, #tpu.memory_space<vmem>>, vector<16xf32>,
    %get3A_2355 = vector.shape_cast %get3A_2354 : vector<16xf32> to vector<16xf32>
    %lt3A_2356 = arith.cmpf olt, %get3A_2355, %get3A_1933 : vector<16xf32>
    %jit3A_2357 = arith.constant 1.000000e+00 : f32
    %jit3A_2358 = arith.constant 0.000000e+00 : f32
    %broadcast_in_dim3A_2359 = vector.broadcast %jit3A_2357 : f32 to vector<16xf32>
    %broadcast_in_dim3A_2360 = vector.broadcast %jit3A_2358 : f32 to vector<16xf32>
    %select_n3A_2361 = arith.select %lt3A_2356, %broadcast_in_dim3A_2359, %broadcast_in_dim3A_2360 : vector<16xi1>, vector<16xf32>
    %add3A_2362 = arith.addf %add3A_2352, %select_n3A_2361 : vector<16xf32>
    %get3A_2363 = arith.constant 92 : index
    %get3A_2364 = tpu.vector_load %arg4[%get3A_2363] {strides = array<i32>} : memref<128xf32, #tpu.memory_space<vmem>>, vector<16xf32>,
    %get3A_2365 = vector.shape_cast %get3A_2364 : vector<16xf32> to vector<16xf32>
    %lt3A_2366 = arith.cmpf olt, %get3A_2365, %get3A_1933 : vector<16xf32>
    %jit3A_2367 = arith.constant 1.000000e+00 : f32
    %jit3A_2368 = arith.constant 0.000000e+00 : f32
    %broadcast_in_dim3A_2369 = vector.broadcast %jit3A_2367 : f32 to vector<16xf32>
    %broadcast_in_dim3A_2370 = vector.broadcast %jit3A_2368 : f32 to vector<16xf32>
    %select_n3A_2371 = arith.select %lt3A_2366, %broadcast_in_dim3A_2369, %broadcast_in_dim3A_2370 : vector<16xi1>, vector<16xf32>
    %add3A_2372 = arith.addf %add3A_2362, %select_n3A_2371 : vector<16xf32>
    %get3A_2373 = arith.constant 93 : index
    %get3A_2374 = tpu.vector_load %arg4[%get3A_2373] {strides = array<i32>} : memref<128xf32, #tpu.memory_space<vmem>>, vector<16xf32>,
    %get3A_2375 = vector.shape_cast %get3A_2374 : vector<16xf32> to vector<16xf32>
    %lt3A_2376 = arith.cmpf olt, %get3A_2375, %get3A_1933 : vector<16xf32>
    %jit3A_2377 = arith.constant 1.000000e+00 : f32
    %jit3A_2378 = arith.constant 0.000000e+00 : f32
    %broadcast_in_dim3A_2379 = vector.broadcast %jit3A_2377 : f32 to vector<16xf32>
    %broadcast_in_dim3A_2380 = vector.broadcast %jit3A_2378 : f32 to vector<16xf32>
    %select_n3A_2381 = arith.select %lt3A_2376, %broadcast_in_dim3A_2379, %broadcast_in_dim3A_2380 : vector<16xi1>, vector<16xf32>
    %add3A_2382 = arith.addf %add3A_2372, %select_n3A_2381 : vector<16xf32>
    %get3A_2383 = arith.constant 94 : index
    %get3A_2384 = tpu.vector_load %arg4[%get3A_2383] {strides = array<i32>} : memref<128xf32, #tpu.memory_space<vmem>>, vector<16xf32>,
    %get3A_2385 = vector.shape_cast %get3A_2384 : vector<16xf32> to vector<16xf32>
    %lt3A_2386 = arith.cmpf olt, %get3A_2385, %get3A_1933 : vector<16xf32>
    %jit3A_2387 = arith.constant 1.000000e+00 : f32
    %jit3A_2388 = arith.constant 0.000000e+00 : f32
    %broadcast_in_dim3A_2389 = vector.broadcast %jit3A_2387 : f32 to vector<16xf32>
    %broadcast_in_dim3A_2390 = vector.broadcast %jit3A_2388 : f32 to vector<16xf32>
    %select_n3A_2391 = arith.select %lt3A_2386, %broadcast_in_dim3A_2389, %broadcast_in_dim3A_2390 : vector<16xi1>, vector<16xf32>
    %add3A_2392 = arith.addf %add3A_2382, %select_n3A_2391 : vector<16xf32>
    %get3A_2393 = arith.constant 95 : index
    %get3A_2394 = tpu.vector_load %arg4[%get3A_2393] {strides = array<i32>} : memref<128xf32, #tpu.memory_space<vmem>>, vector<16xf32>,
    %get3A_2395 = vector.shape_cast %get3A_2394 : vector<16xf32> to vector<16xf32>
    %lt3A_2396 = arith.cmpf olt, %get3A_2395, %get3A_1933 : vector<16xf32>
    %jit3A_2397 = arith.constant 1.000000e+00 : f32
    %jit3A_2398 = arith.constant 0.000000e+00 : f32
    %broadcast_in_dim3A_2399 = vector.broadcast %jit3A_2397 : f32 to vector<16xf32>
    %broadcast_in_dim3A_2400 = vector.broadcast %jit3A_2398 : f32 to vector<16xf32>
    %select_n3A_2401 = arith.select %lt3A_2396, %broadcast_in_dim3A_2399, %broadcast_in_dim3A_2400 : vector<16xi1>, vector<16xf32>
    %add3A_2402 = arith.addf %add3A_2392, %select_n3A_2401 : vector<16xf32>
    %get3A_2403 = arith.constant 96 : index
    %get3A_2404 = tpu.vector_load %arg4[%get3A_2403] {strides = array<i32>} : memref<128xf32, #tpu.memory_space<vmem>>, vector<16xf32>,
    %get3A_2405 = vector.shape_cast %get3A_2404 : vector<16xf32> to vector<16xf32>
    %lt3A_2406 = arith.cmpf olt, %get3A_2405, %get3A_1933 : vector<16xf32>
    %jit3A_2407 = arith.constant 1.000000e+00 : f32
    %jit3A_2408 = arith.constant 0.000000e+00 : f32
    %broadcast_in_dim3A_2409 = vector.broadcast %jit3A_2407 : f32 to vector<16xf32>
    %broadcast_in_dim3A_2410 = vector.broadcast %jit3A_2408 : f32 to vector<16xf32>
    %select_n3A_2411 = arith.select %lt3A_2406, %broadcast_in_dim3A_2409, %broadcast_in_dim3A_2410 : vector<16xi1>, vector<16xf32>
    %add3A_2412 = arith.addf %add3A_2402, %select_n3A_2411 : vector<16xf32>
    %get3A_2413 = arith.constant 97 : index
    %get3A_2414 = tpu.vector_load %arg4[%get3A_2413] {strides = array<i32>} : memref<128xf32, #tpu.memory_space<vmem>>, vector<16xf32>,
    %get3A_2415 = vector.shape_cast %get3A_2414 : vector<16xf32> to vector<16xf32>
    %lt3A_2416 = arith.cmpf olt, %get3A_2415, %get3A_1933 : vector<16xf32>
    %jit3A_2417 = arith.constant 1.000000e+00 : f32
    %jit3A_2418 = arith.constant 0.000000e+00 : f32
    %broadcast_in_dim3A_2419 = vector.broadcast %jit3A_2417 : f32 to vector<16xf32>
    %broadcast_in_dim3A_2420 = vector.broadcast %jit3A_2418 : f32 to vector<16xf32>
    %select_n3A_2421 = arith.select %lt3A_2416, %broadcast_in_dim3A_2419, %broadcast_in_dim3A_2420 : vector<16xi1>, vector<16xf32>
    %add3A_2422 = arith.addf %add3A_2412, %select_n3A_2421 : vector<16xf32>
    %get3A_2423 = arith.constant 98 : index
    %get3A_2424 = tpu.vector_load %arg4[%get3A_2423] {strides = array<i32>} : memref<128xf32, #tpu.memory_space<vmem>>, vector<16xf32>,
    %get3A_2425 = vector.shape_cast %get3A_2424 : vector<16xf32> to vector<16xf32>
    %lt3A_2426 = arith.cmpf olt, %get3A_2425, %get3A_1933 : vector<16xf32>
    %jit3A_2427 = arith.constant 1.000000e+00 : f32
    %jit3A_2428 = arith.constant 0.000000e+00 : f32
    %broadcast_in_dim3A_2429 = vector.broadcast %jit3A_2427 : f32 to vector<16xf32>
    %broadcast_in_dim3A_2430 = vector.broadcast %jit3A_2428 : f32 to vector<16xf32>
    %select_n3A_2431 = arith.select %lt3A_2426, %broadcast_in_dim3A_2429, %broadcast_in_dim3A_2430 : vector<16xi1>, vector<16xf32>
    %add3A_2432 = arith.addf %add3A_2422, %select_n3A_2431 : vector<16xf32>
    %get3A_2433 = arith.constant 99 : index
    %get3A_2434 = tpu.vector_load %arg4[%get3A_2433] {strides = array<i32>} : memref<128xf32, #tpu.memory_space<vmem>>, vector<16xf32>,
    %get3A_2435 = vector.shape_cast %get3A_2434 : vector<16xf32> to vector<16xf32>
    %lt3A_2436 = arith.cmpf olt, %get3A_2435, %get3A_1933 : vector<16xf32>
    %jit3A_2437 = arith.constant 1.000000e+00 : f32
    %jit3A_2438 = arith.constant 0.000000e+00 : f32
    %broadcast_in_dim3A_2439 = vector.broadcast %jit3A_2437 : f32 to vector<16xf32>
    %broadcast_in_dim3A_2440 = vector.broadcast %jit3A_2438 : f32 to vector<16xf32>
    %select_n3A_2441 = arith.select %lt3A_2436, %broadcast_in_dim3A_2439, %broadcast_in_dim3A_2440 : vector<16xi1>, vector<16xf32>
    %add3A_2442 = arith.addf %add3A_2432, %select_n3A_2441 : vector<16xf32>
    %get3A_2443 = arith.constant 100 : index
    %get3A_2444 = tpu.vector_load %arg4[%get3A_2443] {strides = array<i32>} : memref<128xf32, #tpu.memory_space<vmem>>, vector<16xf32>,
    %get3A_2445 = vector.shape_cast %get3A_2444 : vector<16xf32> to vector<16xf32>
    %lt3A_2446 = arith.cmpf olt, %get3A_2445, %get3A_1933 : vector<16xf32>
    %jit3A_2447 = arith.constant 1.000000e+00 : f32
    %jit3A_2448 = arith.constant 0.000000e+00 : f32
    %broadcast_in_dim3A_2449 = vector.broadcast %jit3A_2447 : f32 to vector<16xf32>
    %broadcast_in_dim3A_2450 = vector.broadcast %jit3A_2448 : f32 to vector<16xf32>
    %select_n3A_2451 = arith.select %lt3A_2446, %broadcast_in_dim3A_2449, %broadcast_in_dim3A_2450 : vector<16xi1>, vector<16xf32>
    %add3A_2452 = arith.addf %add3A_2442, %select_n3A_2451 : vector<16xf32>
    %get3A_2453 = arith.constant 101 : index
    %get3A_2454 = tpu.vector_load %arg4[%get3A_2453] {strides = array<i32>} : memref<128xf32, #tpu.memory_space<vmem>>, vector<16xf32>,
    %get3A_2455 = vector.shape_cast %get3A_2454 : vector<16xf32> to vector<16xf32>
    %lt3A_2456 = arith.cmpf olt, %get3A_2455, %get3A_1933 : vector<16xf32>
    %jit3A_2457 = arith.constant 1.000000e+00 : f32
    %jit3A_2458 = arith.constant 0.000000e+00 : f32
    %broadcast_in_dim3A_2459 = vector.broadcast %jit3A_2457 : f32 to vector<16xf32>
    %broadcast_in_dim3A_2460 = vector.broadcast %jit3A_2458 : f32 to vector<16xf32>
    %select_n3A_2461 = arith.select %lt3A_2456, %broadcast_in_dim3A_2459, %broadcast_in_dim3A_2460 : vector<16xi1>, vector<16xf32>
    %add3A_2462 = arith.addf %add3A_2452, %select_n3A_2461 : vector<16xf32>
    %get3A_2463 = arith.constant 102 : index
    %get3A_2464 = tpu.vector_load %arg4[%get3A_2463] {strides = array<i32>} : memref<128xf32, #tpu.memory_space<vmem>>, vector<16xf32>,
    %get3A_2465 = vector.shape_cast %get3A_2464 : vector<16xf32> to vector<16xf32>
    %lt3A_2466 = arith.cmpf olt, %get3A_2465, %get3A_1933 : vector<16xf32>
    %jit3A_2467 = arith.constant 1.000000e+00 : f32
    %jit3A_2468 = arith.constant 0.000000e+00 : f32
    %broadcast_in_dim3A_2469 = vector.broadcast %jit3A_2467 : f32 to vector<16xf32>
    %broadcast_in_dim3A_2470 = vector.broadcast %jit3A_2468 : f32 to vector<16xf32>
    %select_n3A_2471 = arith.select %lt3A_2466, %broadcast_in_dim3A_2469, %broadcast_in_dim3A_2470 : vector<16xi1>, vector<16xf32>
    %add3A_2472 = arith.addf %add3A_2462, %select_n3A_2471 : vector<16xf32>
    %get3A_2473 = arith.constant 103 : index
    %get3A_2474 = tpu.vector_load %arg4[%get3A_2473] {strides = array<i32>} : memref<128xf32, #tpu.memory_space<vmem>>, vector<16xf32>,
    %get3A_2475 = vector.shape_cast %get3A_2474 : vector<16xf32> to vector<16xf32>
    %lt3A_2476 = arith.cmpf olt, %get3A_2475, %get3A_1933 : vector<16xf32>
    %jit3A_2477 = arith.constant 1.000000e+00 : f32
    %jit3A_2478 = arith.constant 0.000000e+00 : f32
    %broadcast_in_dim3A_2479 = vector.broadcast %jit3A_2477 : f32 to vector<16xf32>
    %broadcast_in_dim3A_2480 = vector.broadcast %jit3A_2478 : f32 to vector<16xf32>
    %select_n3A_2481 = arith.select %lt3A_2476, %broadcast_in_dim3A_2479, %broadcast_in_dim3A_2480 : vector<16xi1>, vector<16xf32>
    %add3A_2482 = arith.addf %add3A_2472, %select_n3A_2481 : vector<16xf32>
    %get3A_2483 = arith.constant 104 : index
    %get3A_2484 = tpu.vector_load %arg4[%get3A_2483] {strides = array<i32>} : memref<128xf32, #tpu.memory_space<vmem>>, vector<16xf32>,
    %get3A_2485 = vector.shape_cast %get3A_2484 : vector<16xf32> to vector<16xf32>
    %lt3A_2486 = arith.cmpf olt, %get3A_2485, %get3A_1933 : vector<16xf32>
    %jit3A_2487 = arith.constant 1.000000e+00 : f32
    %jit3A_2488 = arith.constant 0.000000e+00 : f32
    %broadcast_in_dim3A_2489 = vector.broadcast %jit3A_2487 : f32 to vector<16xf32>
    %broadcast_in_dim3A_2490 = vector.broadcast %jit3A_2488 : f32 to vector<16xf32>
    %select_n3A_2491 = arith.select %lt3A_2486, %broadcast_in_dim3A_2489, %broadcast_in_dim3A_2490 : vector<16xi1>, vector<16xf32>
    %add3A_2492 = arith.addf %add3A_2482, %select_n3A_2491 : vector<16xf32>
    %get3A_2493 = arith.constant 105 : index
    %get3A_2494 = tpu.vector_load %arg4[%get3A_2493] {strides = array<i32>} : memref<128xf32, #tpu.memory_space<vmem>>, vector<16xf32>,
    %get3A_2495 = vector.shape_cast %get3A_2494 : vector<16xf32> to vector<16xf32>
    %lt3A_2496 = arith.cmpf olt, %get3A_2495, %get3A_1933 : vector<16xf32>
    %jit3A_2497 = arith.constant 1.000000e+00 : f32
    %jit3A_2498 = arith.constant 0.000000e+00 : f32
    %broadcast_in_dim3A_2499 = vector.broadcast %jit3A_2497 : f32 to vector<16xf32>
    %broadcast_in_dim3A_2500 = vector.broadcast %jit3A_2498 : f32 to vector<16xf32>
    %select_n3A_2501 = arith.select %lt3A_2496, %broadcast_in_dim3A_2499, %broadcast_in_dim3A_2500 : vector<16xi1>, vector<16xf32>
    %add3A_2502 = arith.addf %add3A_2492, %select_n3A_2501 : vector<16xf32>
    %get3A_2503 = arith.constant 106 : index
    %get3A_2504 = tpu.vector_load %arg4[%get3A_2503] {strides = array<i32>} : memref<128xf32, #tpu.memory_space<vmem>>, vector<16xf32>,
    %get3A_2505 = vector.shape_cast %get3A_2504 : vector<16xf32> to vector<16xf32>
    %lt3A_2506 = arith.cmpf olt, %get3A_2505, %get3A_1933 : vector<16xf32>
    %jit3A_2507 = arith.constant 1.000000e+00 : f32
    %jit3A_2508 = arith.constant 0.000000e+00 : f32
    %broadcast_in_dim3A_2509 = vector.broadcast %jit3A_2507 : f32 to vector<16xf32>
    %broadcast_in_dim3A_2510 = vector.broadcast %jit3A_2508 : f32 to vector<16xf32>
    %select_n3A_2511 = arith.select %lt3A_2506, %broadcast_in_dim3A_2509, %broadcast_in_dim3A_2510 : vector<16xi1>, vector<16xf32>
    %add3A_2512 = arith.addf %add3A_2502, %select_n3A_2511 : vector<16xf32>
    %get3A_2513 = arith.constant 107 : index
    %get3A_2514 = tpu.vector_load %arg4[%get3A_2513] {strides = array<i32>} : memref<128xf32, #tpu.memory_space<vmem>>, vector<16xf32>,
    %get3A_2515 = vector.shape_cast %get3A_2514 : vector<16xf32> to vector<16xf32>
    %lt3A_2516 = arith.cmpf olt, %get3A_2515, %get3A_1933 : vector<16xf32>
    %jit3A_2517 = arith.constant 1.000000e+00 : f32
    %jit3A_2518 = arith.constant 0.000000e+00 : f32
    %broadcast_in_dim3A_2519 = vector.broadcast %jit3A_2517 : f32 to vector<16xf32>
    %broadcast_in_dim3A_2520 = vector.broadcast %jit3A_2518 : f32 to vector<16xf32>
    %select_n3A_2521 = arith.select %lt3A_2516, %broadcast_in_dim3A_2519, %broadcast_in_dim3A_2520 : vector<16xi1>, vector<16xf32>
    %add3A_2522 = arith.addf %add3A_2512, %select_n3A_2521 : vector<16xf32>
    %get3A_2523 = arith.constant 108 : index
    %get3A_2524 = tpu.vector_load %arg4[%get3A_2523] {strides = array<i32>} : memref<128xf32, #tpu.memory_space<vmem>>, vector<16xf32>,
    %get3A_2525 = vector.shape_cast %get3A_2524 : vector<16xf32> to vector<16xf32>
    %lt3A_2526 = arith.cmpf olt, %get3A_2525, %get3A_1933 : vector<16xf32>
    %jit3A_2527 = arith.constant 1.000000e+00 : f32
    %jit3A_2528 = arith.constant 0.000000e+00 : f32
    %broadcast_in_dim3A_2529 = vector.broadcast %jit3A_2527 : f32 to vector<16xf32>
    %broadcast_in_dim3A_2530 = vector.broadcast %jit3A_2528 : f32 to vector<16xf32>
    %select_n3A_2531 = arith.select %lt3A_2526, %broadcast_in_dim3A_2529, %broadcast_in_dim3A_2530 : vector<16xi1>, vector<16xf32>
    %add3A_2532 = arith.addf %add3A_2522, %select_n3A_2531 : vector<16xf32>
    %get3A_2533 = arith.constant 109 : index
    %get3A_2534 = tpu.vector_load %arg4[%get3A_2533] {strides = array<i32>} : memref<128xf32, #tpu.memory_space<vmem>>, vector<16xf32>,
    %get3A_2535 = vector.shape_cast %get3A_2534 : vector<16xf32> to vector<16xf32>
    %lt3A_2536 = arith.cmpf olt, %get3A_2535, %get3A_1933 : vector<16xf32>
    %jit3A_2537 = arith.constant 1.000000e+00 : f32
    %jit3A_2538 = arith.constant 0.000000e+00 : f32
    %broadcast_in_dim3A_2539 = vector.broadcast %jit3A_2537 : f32 to vector<16xf32>
    %broadcast_in_dim3A_2540 = vector.broadcast %jit3A_2538 : f32 to vector<16xf32>
    %select_n3A_2541 = arith.select %lt3A_2536, %broadcast_in_dim3A_2539, %broadcast_in_dim3A_2540 : vector<16xi1>, vector<16xf32>
    %add3A_2542 = arith.addf %add3A_2532, %select_n3A_2541 : vector<16xf32>
    %get3A_2543 = arith.constant 110 : index
    %get3A_2544 = tpu.vector_load %arg4[%get3A_2543] {strides = array<i32>} : memref<128xf32, #tpu.memory_space<vmem>>, vector<16xf32>,
    %get3A_2545 = vector.shape_cast %get3A_2544 : vector<16xf32> to vector<16xf32>
    %lt3A_2546 = arith.cmpf olt, %get3A_2545, %get3A_1933 : vector<16xf32>
    %jit3A_2547 = arith.constant 1.000000e+00 : f32
    %jit3A_2548 = arith.constant 0.000000e+00 : f32
    %broadcast_in_dim3A_2549 = vector.broadcast %jit3A_2547 : f32 to vector<16xf32>
    %broadcast_in_dim3A_2550 = vector.broadcast %jit3A_2548 : f32 to vector<16xf32>
    %select_n3A_2551 = arith.select %lt3A_2546, %broadcast_in_dim3A_2549, %broadcast_in_dim3A_2550 : vector<16xi1>, vector<16xf32>
    %add3A_2552 = arith.addf %add3A_2542, %select_n3A_2551 : vector<16xf32>
    %get3A_2553 = arith.constant 111 : index
    %get3A_2554 = tpu.vector_load %arg4[%get3A_2553] {strides = array<i32>} : memref<128xf32, #tpu.memory_space<vmem>>, vector<16xf32>,
    %get3A_2555 = vector.shape_cast %get3A_2554 : vector<16xf32> to vector<16xf32>
    %lt3A_2556 = arith.cmpf olt, %get3A_2555, %get3A_1933 : vector<16xf32>
    %jit3A_2557 = arith.constant 1.000000e+00 : f32
    %jit3A_2558 = arith.constant 0.000000e+00 : f32
    %broadcast_in_dim3A_2559 = vector.broadcast %jit3A_2557 : f32 to vector<16xf32>
    %broadcast_in_dim3A_2560 = vector.broadcast %jit3A_2558 : f32 to vector<16xf32>
    %select_n3A_2561 = arith.select %lt3A_2556, %broadcast_in_dim3A_2559, %broadcast_in_dim3A_2560 : vector<16xi1>, vector<16xf32>
    %add3A_2562 = arith.addf %add3A_2552, %select_n3A_2561 : vector<16xf32>
    %lt3A_2563 = arith.constant 3.200000e+01 : f32
    %lt3A_2564 = vector.broadcast %lt3A_2563 : f32 to vector<16xf32>
    %lt3A_2565 = arith.cmpf olt, %add3A_2562, %lt3A_2564 : vector<16xf32>
    %jit3A_2566 = arith.constant 1.000000e+00 : f32
    %jit3A_2567 = arith.constant 0.000000e+00 : f32
    %broadcast_in_dim3A_2568 = vector.broadcast %jit3A_2566 : f32 to vector<16xf32>
    %broadcast_in_dim3A_2569 = vector.broadcast %jit3A_2567 : f32 to vector<16xf32>
    %select_n3A_2570 = arith.select %lt3A_2565, %broadcast_in_dim3A_2568, %broadcast_in_dim3A_2569 : vector<16xi1>, vector<16xf32>
    %convert_element_type3A_2571 = arith.fptosi %select_n3A_2570 : vector<16xf32> to vector<16xi32>
    %swap3A_2572 = arith.constant 48 : index
    %swap3A_2573 = tpu.vector_load %arg5[%swap3A_2572] {strides = array<i32>} : memref<64xi32, #tpu.memory_space<vmem>>, vector<16xi32>,
    %swap3A_2574 = vector.shape_cast %swap3A_2573 : vector<16xi32> to vector<16xi32>
    %swap3A_2575 = vector.shape_cast %convert_element_type3A_2571 : vector<16xi32> to vector<16xi32>
    tpu.vector_store %arg5[%swap3A_2572], %swap3A_2575 {strides = array<i32>} : memref<64xi32, #tpu.memory_space<vmem>>, vector<16xi32>,
    "tpu.region"() ({
      %run_scoped3A = tpu.sem_alloc : memref<!tpu.dma_semaphore, #tpu.memory_space<semaphore_mem>>
      %dma_start3A = tpu.memref_slice %arg3[%mul3A_2] : memref<2048xi32, #tpu.memory_space<hbm>> -> memref<64xi32, #tpu.memory_space<hbm>>
      %dma_start3A_2576 = tpu.memref_slice %arg3[%mul3A_2] : memref<2048xi32, #tpu.memory_space<hbm>> -> memref<64xi32, #tpu.memory_space<hbm>>
      tpu.enqueue_dma source(%arg5 : memref<64xi32, #tpu.memory_space<vmem>>) target(%dma_start3A_2576 : memref<64xi32, #tpu.memory_space<hbm>>) target_semaphore(%run_scoped3A : memref<!tpu.dma_semaphore, #tpu.memory_space<semaphore_mem>>)
      %dma_wait3A = tpu.memref_slice %arg3[%mul3A_2] : memref<2048xi32, #tpu.memory_space<hbm>> -> memref<64xi32, #tpu.memory_space<hbm>>
      %dma_wait3A_2577 = tpu.memref_slice %arg3[%mul3A_2] : memref<2048xi32, #tpu.memory_space<hbm>> -> memref<64xi32, #tpu.memory_space<hbm>>
      tpu.wait_dma2 semaphore(%run_scoped3A : memref<!tpu.dma_semaphore, #tpu.memory_space<semaphore_mem>>) src(%arg5 : memref<64xi32, #tpu.memory_space<vmem>>) dst(%dma_wait3A_2577 : memref<64xi32, #tpu.memory_space<hbm>>)
      tpu.yield
    }) : () -> ()
    return
  }
}

module attributes {stable_mosaic.version = 14 : i64} {
  func.func @_tc_mask_kernel(%arg0: i32, %arg1: memref<4x1x64xf32, #tpu.memory_space<vmem>>, %arg2: memref<4x64x16x512xf32, #tpu.memory_space<vmem>>, %arg3: memref<4x64x16x512xf32, #tpu.memory_space<vmem>>) attributes {dimension_semantics = [#tpu.dimension_semantics<arbitrary>], iteration_bounds = array<i64: 8>, scalar_prefetch = 0 : i64, scratch_operands = 0 : i64, tpu.core_type = #tpu.core_type<tc>, window_params = [{transform_indices = @transform_0, window_bounds = array<i64: 4, 1, 64>}, {transform_indices = @transform_1, window_bounds = array<i64: 4, 64, 16, 512>}, {transform_indices = @transform_2, window_bounds = array<i64: 4, 64, 16, 512>}]} {
    %get3A = arith.constant 0 : index
    %get3A_0 = arith.constant 0 : index
    %get3A_1 = arith.constant 0 : index
    %get3A_2 = vector.load %arg1[%get3A, %get3A_0, %get3A_1] : memref<4x1x64xf32, #tpu.memory_space<vmem>>, vector<4x1x64xf32>
    %get3A_3 = vector.shape_cast %get3A_2 : vector<4x1x64xf32> to vector<4x64xf32>
    %broadcast_in_dim3A = vector.shape_cast %get3A_3 : vector<4x64xf32> to vector<4x64x1xf32>
    %broadcast_in_dim3A_4 = vector.shape_cast %get3A_3 : vector<4x64xf32> to vector<4x1x64xf32>
    %iota3A = tpu.iota {dimensions = array<i32: 1>} : vector<4x64x64xi32>
    %iota3A_5 = tpu.iota {dimensions = array<i32: 2>} : vector<4x64x64xi32>
    %lt3A = vector.broadcast %broadcast_in_dim3A_4 : vector<4x1x64xf32> to vector<4x64x64xf32>
    %lt3A_6 = vector.broadcast %broadcast_in_dim3A : vector<4x64x1xf32> to vector<4x64x64xf32>
    %lt3A_7 = arith.cmpf olt, %lt3A, %lt3A_6 : vector<4x64x64xf32>
    %eq3A = vector.broadcast %broadcast_in_dim3A_4 : vector<4x1x64xf32> to vector<4x64x64xf32>
    %eq3A_8 = vector.broadcast %broadcast_in_dim3A : vector<4x64x1xf32> to vector<4x64x64xf32>
    %eq3A_9 = arith.cmpf oeq, %eq3A, %eq3A_8 : vector<4x64x64xf32>
    %lt3A_10 = arith.cmpi slt, %iota3A_5, %iota3A : vector<4x64x64xi32>
    %and3A = arith.andi %eq3A_9, %lt3A_10 : vector<4x64x64xi1>
    %or3A = arith.ori %lt3A_7, %and3A : vector<4x64x64xi1>
    %convert_element_type3A = arith.extui %or3A : vector<4x64x64xi1> to vector<4x64x64xi32>
    %reduce_sum3A = arith.constant dense<0> : vector<4x64xi32>
    %reduce_sum3A_11 = vector.multi_reduction <add>, %convert_element_type3A, %reduce_sum3A [2] : vector<4x64x64xi32> to vector<4x64xi32>
    %lt3A_12 = arith.constant 32 : i32
    %lt3A_13 = vector.broadcast %lt3A_12 : i32 to vector<4x64xi32>
    %lt3A_14 = arith.cmpi slt, %reduce_sum3A_11, %lt3A_13 : vector<4x64xi32>
    %broadcast_in_dim3A_15 = vector.shape_cast %lt3A_14 : vector<4x64xi1> to vector<4x64x1x1xi1>
    %get3A_16 = arith.constant 0 : index
    %get3A_17 = arith.constant 0 : index
    %get3A_18 = arith.constant 0 : index
    %get3A_19 = arith.constant 0 : index
    %get3A_20 = vector.load %arg2[%get3A_16, %get3A_17, %get3A_18, %get3A_19] : memref<4x64x16x512xf32, #tpu.memory_space<vmem>>, vector<4x64x16x512xf32>
    %jit3A = arith.constant 0.000000e+00 : f32
    %broadcast_in_dim3A_21 = vector.shape_cast %broadcast_in_dim3A_15 : vector<4x64x1x1xi1> to vector<4x64x1x1xi1>
    %broadcast_in_dim3A_22 = vector.broadcast %broadcast_in_dim3A_21 : vector<4x64x1x1xi1> to vector<4x64x16x512xi1>
    %broadcast_in_dim3A_23 = vector.broadcast %jit3A : f32 to vector<4x64x16x512xf32>
    %select_n3A = arith.select %broadcast_in_dim3A_22, %broadcast_in_dim3A_23, %get3A_20 : vector<4x64x16x512xi1>, vector<4x64x16x512xf32>
    %swap3A = arith.constant 0 : index
    %swap3A_24 = arith.constant 0 : index
    %swap3A_25 = arith.constant 0 : index
    %swap3A_26 = arith.constant 0 : index
    %swap3A_27 = vector.load %arg3[%swap3A, %swap3A_24, %swap3A_25, %swap3A_26] : memref<4x64x16x512xf32, #tpu.memory_space<vmem>>, vector<4x64x16x512xf32>
    tpu.vector_store %arg3[%swap3A, %swap3A_24, %swap3A_25, %swap3A_26], %select_n3A {strides = array<i32>} : memref<4x64x16x512xf32, #tpu.memory_space<vmem>>, vector<4x64x16x512xf32>,
    return
  }
  func.func @transform_0(%arg0: i32) -> (i32, i32, i32) {
    %c0_i32 = arith.constant 0 : i32
    %c0_i32_0 = arith.constant 0 : i32
    %c0_i32_1 = arith.constant 0 : i32
    return %arg0, %c0_i32, %c0_i32_0 : i32, i32, i32
  }
  func.func @transform_1(%arg0: i32) -> (i32, i32, i32, i32) {
    %c0_i32 = arith.constant 0 : i32
    %c0_i32_0 = arith.constant 0 : i32
    %c0_i32_1 = arith.constant 0 : i32
    %c0_i32_2 = arith.constant 0 : i32
    return %arg0, %c0_i32, %c0_i32_0, %c0_i32_1 : i32, i32, i32, i32
  }
  func.func @transform_2(%arg0: i32) -> (i32, i32, i32, i32) {
    %c0_i32 = arith.constant 0 : i32
    %c0_i32_0 = arith.constant 0 : i32
    %c0_i32_1 = arith.constant 0 : i32
    %c0_i32_2 = arith.constant 0 : i32
    return %arg0, %c0_i32, %c0_i32_0, %c0_i32_1 : i32, i32, i32, i32
  }
}

</mosaic_0001>

<sc_bundles>
// kernel: kernel.4.cloned.1.call-start
scs
__scs_entry_jumppad:
0x0: {  	(pc) =	sbr.rel $0x88, $3  }
0x1: {  	(tag) =	ssettag $0x0;
	lr =	simm.s32 $0x1  }
0x2: {  	[smem:$0x3FA0] =	sst lr;
	_ =	strace $0xD0000000  }
0x3: {  	_ = 	snop  }
0x4: {  	_ = 	snop  }
0x5: {  	_ = 	snop  }
0x6: {  	_ = 	snop  }
0x7: {  	_ = 	snop  }
__scs_overlays_trampoline_lowered:
0x8: {  	[smem:$0x3FAF] =	sst s0  }
0x9: {  	[smem:$0x3FB0] =	sst s1  }
0xa: {  	[smem:$0x3FB1] =	sst s2  }
0xb: {  	[smem:$0x3FB2] =	sst s3  }
0xc: {  	[smem:$0x3FB3] =	sst s4  }
0xd: {  	[smem:$0x3FB4] =	sst s5  }
0xe: {  	[smem:$0x3FB5] =	sst s6  }
0xf: {  	[smem:$0x3FB6] =	sst s7  }
0x10: {  	[smem:$0x3FB7] =	sst s8  }
0x11: {  	[smem:$0x3FB8] =	sst s9;
	s0 =	simm.s32 @!p0 $0x0  }
0x12: {  	s1 =	sld [smem:$0x3F9E];
	s0 =	simm.s32 @p0 $0x1  }
0x13: {  	[smem:$0x3FB9] =	sst s0;
	s0 =	simm.s32 @!p1 $0x0  }
0x14: {  	s2 =	sld [smem:$0x3F9D];
	s0 =	simm.s32 @p1 $0x1  }
0x15: {  	[smem:$0x3FBA] =	sst s0;
	s0 =	simm.s32 @!p2 $0x0  }
0x16: {  	s3 =	sld [smem:$0x3FDB];
	s0 =	simm.s32 @p2 $0x1  }
0x17: {  	s4 =	simm.s32 $0x1BF5;
	[smem:$0x3FBC] =	sst s0  }
0x18: {  	s0 =	sld [smem:$0x3F9F];
	_ =	swait.ge [sflag:s4], $0x0  }
0x19: {  	s7 =	sld [smem:$0x3FA0]  }
0x1a: {  	s8 =	sadd.s32 $0xFFFFE003, lr  }
0x1b: {  	s9 =	sadd.s32 $0xFFFFFEF7, lr;
	s5 =	simm.s32 $0xFFFFFFFF;
	p2 =	slt.u32 s8, $0xFFFFF086  }
0x1c: {  	p1 =	slt.u32 s9, $0xF7A;
	s5 =	simm.s32 @!p2 $0x0  }
0x1d: {  	s5 =	simm.s32 @p1 $0x1;
	p0 =	seq.s32 s7, s2  }
0x1e: {  	s7 =	smul.u32 @!p0 $0xF7A, s2;
	p2 =	seq.s32 @!p0 s5, $0x0  }
0x1f: {  	s9 =	smul.u32 $0xF7A, s1;
	s8 =	simm.s32 @!p0 $0x1BF5;
	p2 =	por !p2, p0  }
0x20: {  	[sflag:s8] =	ssyncset.s32 @!p0 $0xFFFFF086;
	s6 =	sadd.s32 @!p0 s3, s7;
	s7 =	simm.s32 @!p0 $0x108  }
0x21: {  	s3 =	sadd.s32 s3, s9;
	s6 =	sadd.s32 @!p0 $0x88, s6;
	s7 =	simm.s32 @p2 $0x1082  }
0x22: {  	[simem:s7], [sflag:s8] =	dma.local @!p0 [hbm:s6], $0xF7A  }
0x23: {  	s9 =	sor.u32 $0xD0000000, s2;
	s6 =	simm.s32 $0x108;
	_ =	swait.ge @!p0 [sflag:s8], $0x0  }
0x24: {  	s3 =	sadd.s32 $0x88, s3;
	s6 =	simm.s32 @!p1 $0x1082;
	[sflag:s4] =	ssyncset.s32 $0xFFFFF086  }
0x25: {  	[simem:s6], [sflag:s4] =	dma.local [hbm:s3], $0xF7A  }
0x26: {  	[smem:$0x3FA0] =	sst s1;
	(tag) =	ssettag s2;
	_ =	strace s9  }
0x27: {  	s1 =	sld [smem:$0x3FB0]  }
0x28: {  	s2 =	sld [smem:$0x3FB1]  }
0x29: {  	s4 =	sld [smem:$0x3FB3]  }
0x2a: {  	p0 =	seq.s32 s5, $0x0;
	s5 =	sld [smem:$0x3FB4]  }
0x2b: {  	s6 =	sld [smem:$0x3FB5]  }
0x2c: {  	s7 =	sld [smem:$0x3FB6]  }
0x2d: {  	s3 =	simm.s32 $0x108;
	s8 =	sld [smem:$0x3FB7]  }
0x2e: {  	s3 =	simm.s32 @!p0 $0x1082;
	s9 =	sld [smem:$0x3FB8]  }
0x2f: {  	lr =	sadd.s32 s0, s3;
	s0 =	sld [smem:$0x3FAF]  }
0x30: {  	s3 =	sld [smem:$0x3FB2]  }
0x31: {  	[smem:$0x3FBB] =	sst s10  }
0x32: {  	s10 =	sld [smem:$0x3FB9];
	_ =	sdelay $0x3  }
0x33: {  	p0 =	seq.s32 s10, $0x1;
	s10 =	sld [smem:$0x3FBB];
	_ =	sdelay $0x3  }
0x34: {  	[smem:$0x3FBB] =	sst s10  }
0x35: {  	s10 =	sld [smem:$0x3FBA];
	_ =	sdelay $0x3  }
0x36: {  	p1 =	seq.s32 s10, $0x1;
	s10 =	sld [smem:$0x3FBB];
	_ =	sdelay $0x3  }
0x37: {  	[smem:$0x3FBB] =	sst s10  }
0x38: {  	s10 =	sld [smem:$0x3FBC]  }
0x39: {  	_ = 	snop;
	(pc) =	sbr.ind lr, $3  }
0x3a: {  	_ = 	snop  }
0x3b: {  	_ = 	snop  }
0x3c: {  	p2 =	seq.s32 s10, $0x1;
	s10 =	sld [smem:$0x3FBB]  }
0x3d: {  	_ =	shalt  }
0x3e: {  	_ =	shalt  }
0x3f: {  	_ =	shalt  }
0x40: {  	_ =	shalt  }
0x41: {  	_ =	shalt  }
0x42: {  	_ =	shalt  }
0x43: {  	_ =	shalt  }
0x44: {  	_ =	shalt  }
0x45: {  	_ =	shalt  }
0x46: {  	_ =	shalt  }
0x47: {  	_ =	shalt  }
0x48: {  	_ =	shalt  }
0x49: {  	_ =	shalt  }
0x4a: {  	_ =	shalt  }
0x4b: {  	_ =	shalt  }
0x4c: {  	_ =	shalt  }
0x4d: {  	_ =	shalt  }
0x4e: {  	_ =	shalt  }
0x4f: {  	_ =	shalt  }
0x50: {  	_ =	shalt  }
0x51: {  	_ =	shalt  }
0x52: {  	_ =	shalt  }
0x53: {  	_ =	shalt  }
0x54: {  	_ =	shalt  }
0x55: {  	_ =	shalt  }
0x56: {  	_ =	shalt  }
0x57: {  	_ =	shalt  }
0x58: {  	_ =	shalt  }
0x59: {  	_ =	shalt  }
0x5a: {  	_ =	shalt  }
0x5b: {  	_ =	shalt  }
0x5c: {  	_ =	shalt  }
0x5d: {  	_ =	shalt  }
0x5e: {  	_ =	shalt  }
0x5f: {  	_ =	shalt  }
0x60: {  	_ =	shalt  }
0x61: {  	_ =	shalt  }
0x62: {  	_ =	shalt  }
0x63: {  	_ =	shalt  }
0x64: {  	_ =	shalt  }
0x65: {  	_ =	shalt  }
0x66: {  	_ =	shalt  }
0x67: {  	_ =	shalt  }
0x68: {  	_ =	shalt  }
0x69: {  	_ =	shalt  }
0x6a: {  	_ =	shalt  }
0x6b: {  	_ =	shalt  }
0x6c: {  	_ =	shalt  }
0x6d: {  	_ =	shalt  }
0x6e: {  	_ =	shalt  }
0x6f: {  	_ =	shalt  }
0x70: {  	_ =	shalt  }
0x71: {  	_ =	shalt  }
0x72: {  	_ =	shalt  }
0x73: {  	_ =	shalt  }
0x74: {  	_ =	shalt  }
0x75: {  	_ =	shalt  }
0x76: {  	_ =	shalt  }
0x77: {  	_ =	shalt  }
0x78: {  	_ =	shalt  }
0x79: {  	_ =	shalt  }
0x7a: {  	_ =	shalt  }
0x7b: {  	_ =	shalt  }
0x7c: {  	_ =	shalt  }
0x7d: {  	_ =	shalt  }
0x7e: {  	_ =	shalt  }
0x7f: {  	_ =	shalt  }
0x80: {  	_ =	shalt  }
0x81: {  	_ =	shalt  }
0x82: {  	_ =	shalt  }
0x83: {  	_ =	shalt  }
0x84: {  	_ =	shalt  }
0x85: {  	_ =	shalt  }
0x86: {  	_ =	shalt  }
0x87: {  	_ =	shalt  }
.Lfunc_end0:
.L_simem_size_0:
called_computation_lowered:
.L_overlay_start_0:
0x88: {  	s2 =	sld [smem:$0x3FD9]  }
0x89: {  	s3 =	sld [smem:$0x3FFE];
	_ =	sdelay $0x1  }
0x8a: {  	s1 =	srdreg.scid  }
0x8b: {  	s0 =	sand.u32 $0x1, s1  }
0x8c: {  	s16 =	sshll.u32 s0, $0xA;
	s2 =	sadd.s32 s3, s2  }
0x8d: {  	s2 =	sadd.s32 s2, s16  }
0x8e: {  	[smem:$0x3FC7] =	sst s2  }
0x8f: {  	_ = 	snop  }
0x90: {  	(tm) =	ssettm $0x1  }
0x91: {  	s17 =	sld [smem:$0x3FFB];
	_ =	sdelay $0x3  }
0x92: {  	_ =	strace s17  }
0x93: {  	s2 =	sld [smem:$0x3FFC];
	_ =	sdelay $0x3  }
0x94: {  	_ =	strace s2  }
0x95: {  	s2 =	sld [smem:$0x3FFD];
	_ =	sdelay $0x3  }
0x96: {  	_ =	strace s2  }
0x97: {  	_ =	strace $0x8FFFFFFF  }
0x98: {  	s18 =	sld [smem:$0x3FDB];
	_ =	sdelay $0x1  }
0x99: {  	s19 =	simm.s32 $_scs_section_size  }
0x9a: {  	s4 =	simm.s32 $_size__tile_overlayer_lowered;
	s5 =	simm.s32 $_tile_overlayer_lowered  }
0x9b: {  	s22 =	simm.s32 $0x1BFF;
	s21 =	sshll.u32 s5, $0x1;
	s2 =	sadd.s32 s19, s18  }
0x9c: {  	s6 =	simm.s32 $0x0;
	s20 =	sshll.u32 s4, $0x1;
	s4 =	sadd.s32 s21, s2  }
0x9d: {  	[timem:s6], [sflag:s22] =	dma.local [hbm:s4], s20  }
0x9e: {  	_ =	swait.ge [sflag:s22], s20  }
0x9f: {  	s3 =	ssub.s32 $0x0, s20;
	[sflag:s22] =	ssyncset.done $0x0  }
0xa0: {  	[sflag:s22] =	ssyncadd.s32 s3;
	_ =	sdelay $0x1  }
0xa1: {  	s23 =	simm.s32 $0x1B8B  }
0xa2: {  	_ =	swait.ge [sflag:s23], $0x1  }
0xa3: {  	[sflag:s23] =	ssyncset.done $0x0  }
0xa4: {  	s25 =	simm.s32 $0x1B8E;
	s24 =	sld [smem:$0x3FFE];
	[sflag:s23] =	ssyncadd.s32 $0xFFFFFFFF  }
0xa5: {  	s26 =	simm.s32 $execute0_lowered;
	[smem:$0x3FD2] =	sst s25  }
0xa6: {  	s4 =	sshll.u32 s26, $0x1;
	_ =	strace $0x80000046;
	[dreg:$0x1] =	wrdreg $0xFFFFFFFF  }
0xa7: {  	s28 =	simm.s32 $_size_execute0_lowered;
	s2 =	sadd.s32 s2, s4;
	[dreg:$0x0] =	wrdreg $0x0  }
0xa8: {  	s4 =	sshll.u32 s28, $0x1;
	[dreg:$0x2] =	wrdreg s2  }
0xa9: {  	[dreg:$0x3] =	wrdreg s4  }
0xaa: {  	[dreg:$0x4] =	wrdreg $0xC0  }
0xab: {  	_ =	task [dreg:s6], $0x5FFFF  }
0xac: {  	[dreg:$0x1] =	wrdreg $0xFFFFFFFF  }
0xad: {  	[dreg:$0x0] =	wrdreg $0x60  }
0xae: {  	[dreg:$0x2] =	wrdreg s24  }
0xaf: {  	[dreg:$0x3] =	wrdreg $0x9  }
0xb0: {  	_ =	task.clear_ibuf [dreg:s6], $0x4FFFF;
	_ =	strace $0x90000046  }
0xb1: {  	s29 =	simm.s32 $0x9;
	_ =	strace $0x80000048  }
0xb2: {  	_ =	swait.ge [sflag:s29], $0x1  }
0xb3: {  	[sflag:s29] =	ssyncadd.s32 $0xFFFFFFFF  }
0xb4: {  	_ =	strace $0x90000048  }
0xb5: {  	_ =	sfence  }
0xb6: {  	s30 =	sld [smem:$0x0];
	_ =	sdelay $0x2  }
0xb7: {  	s31 =	sshll.u32 s1, $0xD;
	s1 =	sshrl.u32 s1, $0x2  }
0xb8: {  	s3 =	sand.u32 $0x4000, s31;
	s1 =	sadd.s32 s1, s30  }
0xb9: {  	s0 =	sor.u32 s3, s0;
	s1 =	sshll.u32 s1, $0x11  }
0xba: {  	s0 =	sor.u32 s1, s0  }
0xbb: {  	s0 =	sadd.s32 $0x8F2B, s0  }
0xbc: {  	[sflag:s0] =	ssyncadd.remote.s32 $0x1  }
0xbd: {  	_ =	sfence.sel $0xFFFF  }
0xbe: {  	[dreg:$0x0] =	wrdreg $0xFFFFFFFF;
	(pc) =	sbr.abs _section_cstart, $3  }
0xbf: {  	[dreg:$0x1] =	wrdreg $0xFFFFFFFF  }
0xc0: {  	_ =	task.clear_ibuf [dreg:s6], $0x2FFFF;
	_ =	strace $0x9FFFFFFF  }
0xc1: {  	(tm) =	ssettm $0x7FFFFFFF  }
tec
execute0_lowered:
.L_overlay_start_1:
0x0: {  	(tag) =	ssettag $0x1  }
0x1: {  	s3 =	rddreg [dreg:$0x0]  }
0x2: {  	s0 =	rddreg [dreg:$0x1];
	s4 =	srdreg.scid  }
0x3: {  	s2 =	simm.s32 $0x0;
	s1 =	stileid.u32;
	s4 =	sand.u32 $0x1, s4  }
0x4: {  	s7 =	simm.s32 $0x40;
	s5 =	sshll.u32 s1, $0x4;
	s6 =	sshll.u32 s4, $0x3  }
0x5: {  	s8 =	simm.s32 $0x80;
	s4 =	ssub.s32 $0x2, s4;
	s5 =	sor.u32 s6, s5  }
0x6: {  	[smem:$0x7FF] =	sst s2;
	s31 =	sshrl.u32 s4, $0x1;
	s5 =	sadd.s32 s5, s3  }
0x7: {  	_ =	strace $0x80000047;
	s6 =	ssub.s32 s4, s31;
	s3 =	sadd.s32 $0x600, s5  }
0x8: {  	v0 =	vimm.f32 $0.0e+00;
	s4 =	sadd.s32 $0x800, s5;
	s5 =	smax.u32 s6, $0x1;
	s6 =	simm.s32 $0x1  }
.LBB2_1:
0x9: {  	[tilespmem:s2], [sflag:$0x1] =	stream.linear.gather [hbm4b:s3+s2], $0x40, $0x38;
	[tilespmem:$0x100] =	vst v63  }
0xa: {  	_ =	swait.ge [sflag:s6], $0x40  }
0xb: {  	[sflag:s6] =	ssyncset.done $0x0  }
0xc: {  	[sflag:s6] =	ssyncadd.s32 $0xFFFFFFC0  }
0xd: {  	[tilespmem:s7], [sflag:$0x1] =	stream.linear.gather [hbm4b:s3+s2], $0x40, $0x38;
	[tilespmem:$0x100] =	vst v63  }
0xe: {  	_ =	swait.ge [sflag:s6], $0x40  }
0xf: {  	[sflag:s6] =	ssyncset.done $0x0  }
0x10: {  	[sflag:s6] =	ssyncadd.s32 $0xFFFFFFC0  }
0x11: {  	v4 =	vld [tilespmem:$0x0]  }
0x12: {  	v1 =	vld [tilespmem:$0x1]  }
0x13: {  	v2 =	vld [tilespmem:$0x2]  }
0x14: {  	v3 =	vld [tilespmem:$0x3]  }
0x15: {  	v5 =	vld [tilespmem:$0x4]  }
0x16: {  	v6 =	vld [tilespmem:$0x5]  }
0x17: {  	v7 =	vld [tilespmem:$0x6]  }
0x18: {  	v9 =	vld [tilespmem:$0x8]  }
0x19: {  	v10 =	vld [tilespmem:$0xA]  }
0x1a: {  	v31 =	vld [tilespmem:$0xB]  }
0x1b: {  	v32 =	vld [tilespmem:$0x11]  }
0x1c: {  	v12 =	vld [tilespmem:$0x12]  }
0x1d: {  	v34 =	vld [tilespmem:$0xC]  }
0x1e: {  	v13 =	vld [tilespmem:$0x13];
	vm0 =	vlt.f32 v1, v4;
	vm1 =	vlt.f32 v2, v4  }
0x1f: {  	v14 =	vld [tilespmem:$0x14];
	v1 =	vsel vm0, $0x3F800000, v0;
	v8 =	vsel vm1, $0x3F800000, v0  }
0x20: {  	v37 =	vld [tilespmem:$0xE];
	vm14 =	vlt.f32 v3, v4;
	v1 =	vadd.f32 v8, v1  }
0x21: {  	v39 =	vld [tilespmem:$0x15];
	v30 =	vsel vm14, $0x3F800000, v0  }
0x22: {  	v16 =	vld [tilespmem:$0xF];
	vm15 =	vlt.f32 v5, v4;
	v8 =	vadd.f32 v30, v1  }
0x23: {  	v2 =	vld [tilespmem:$0x7];
	v11 =	vsel vm15, $0x3F800000, v0  }
0x24: {  	vm4 =	vlt.f32 v6, v4;
	vm5 =	vlt.f32 v7, v4;
	v1 =	vld [tilespmem:$0x10];
	v8 =	vadd.f32 v11, v8  }
0x25: {  	v40 =	vld [tilespmem:$0x16];
	vm9 =	vlt.f32 v9, v4;
	vm13 =	vlt.f32 v10, v4;
	v33 =	vsel vm4, $0x3F800000, v0  }
0x26: {  	v42 =	vld [tilespmem:$0x10];
	v35 =	vsel vm5, $0x3F800000, v0;
	v15 =	vsel vm9, $0x3F800000, v0;
	v8 =	vadd.f32 v33, v8  }
0x27: {  	v3 =	vld [tilespmem:$0x9];
	v46 =	vsel vm13, $0x3F800000, v0;
	vm15 =	vlt.f32 v31, v4;
	vm5 =	vlt.f32 v34, v4  }
0x28: {  	v45 =	vld [tilespmem:$0x17];
	vm9 =	vlt.f32 v37, v4;
	vm6 =	vlt.f32 v2, v4;
	v8 =	vadd.f32 v35, v8  }
0x29: {  	v47 =	vld [tilespmem:$0x11];
	v36 =	vsel vm6, $0x3F800000, v0;
	vm7 =	vlt.f32 v32, v1;
	vm8 =	vlt.f32 v12, v1  }
0x2a: {  	v49 =	vld [tilespmem:$0x18];
	v6 =	vsel vm7, $0x3F800000, v0;
	v38 =	vsel vm8, $0x3F800000, v0;
	v8 =	vadd.f32 v36, v8  }
0x2b: {  	v51 =	vld [tilespmem:$0x12];
	vm13 =	vlt.f32 v42, v4;
	vm10 =	vlt.f32 v13, v1;
	v6 =	vadd.f32 v38, v6  }
0x2c: {  	v54 =	vld [tilespmem:$0x19];
	vm11 =	vlt.f32 v3, v4;
	v3 =	vsel vm10, $0x3F800000, v0;
	v8 =	vadd.f32 v15, v8  }
0x2d: {  	v56 =	vld [tilespmem:$0x13];
	v41 =	vsel vm11, $0x3F800000, v0;
	vm12 =	vlt.f32 v14, v1;
	v3 =	vadd.f32 v3, v6  }
0x2e: {  	v57 =	vld [tilespmem:$0x1A];
	v50 =	vsel vm15, $0x3F800000, v0;
	v44 =	vsel vm12, $0x3F800000, v0;
	v43 =	vadd.f32 v41, v8  }
0x2f: {  	v55 =	vsel vm5, $0x3F800000, v0;
	v2 =	vld [tilespmem:$0xD];
	vm14 =	vlt.f32 v39, v1;
	v3 =	vadd.f32 v44, v3  }
0x30: {  	v59 =	vld [tilespmem:$0x14];
	v62 =	vsel vm9, $0x3F800000, v0;
	v48 =	vsel vm14, $0x3F800000, v0;
	v6 =	vadd.f32 v46, v43  }
0x31: {  	v61 =	vld [tilespmem:$0x1B];
	v26 =	vsel vm13, $0x3F800000, v0;
	vm4 =	vlt.f32 v40, v1;
	v3 =	vadd.f32 v48, v3  }
0x32: {  	v23 =	vld [tilespmem:$0x16];
	vm15 =	vlt.f32 v47, v4;
	v53 =	vsel vm4, $0x3F800000, v0;
	v52 =	vadd.f32 v50, v6  }
0x33: {  	v63 =	vld [tilespmem:$0x15];
	vm5 =	vlt.f32 v51, v4;
	vm6 =	vlt.f32 v45, v1;
	v3 =	vadd.f32 v53, v3  }
0x34: {  	v21 =	vld [tilespmem:$0x1C];
	vm7 =	vlt.f32 v2, v4;
	v2 =	vsel vm6, $0x3F800000, v0;
	v5 =	vadd.f32 v55, v52  }
0x35: {  	v25 =	vld [tilespmem:$0x1D];
	vm8 =	vlt.f32 v49, v1;
	v58 =	vsel vm7, $0x3F800000, v0;
	v2 =	vadd.f32 v2, v3  }
0x36: {  	v27 =	vld [tilespmem:$0x17];
	vm9 =	vlt.f32 v59, v4;
	v60 =	vsel vm8, $0x3F800000, v0;
	v3 =	vadd.f32 v58, v5  }
0x37: {  	v29 =	vld [tilespmem:$0x1E];
	vm13 =	vlt.f32 v23, v4;
	vm10 =	vlt.f32 v54, v1;
	v2 =	vadd.f32 v60, v2  }
0x38: {  	v31 =	vld [tilespmem:$0x18];
	vm11 =	vlt.f32 v16, v4;
	v20 =	vsel vm10, $0x3F800000, v0;
	v3 =	vadd.f32 v62, v3  }
0x39: {  	v37 =	vld [tilespmem:$0x20];
	v22 =	vsel vm11, $0x3F800000, v0;
	vm12 =	vlt.f32 v57, v1;
	v2 =	vadd.f32 v20, v2  }
0x3a: {  	v47 =	vld [tilespmem:$0x1C];
	v34 =	vsel vm5, $0x3F800000, v0;
	v24 =	vsel vm12, $0x3F800000, v0;
	v3 =	vadd.f32 v22, v3  }
0x3b: {  	v51 =	vld [tilespmem:$0x1D];
	v42 =	vsel vm9, $0x3F800000, v0;
	vm14 =	vlt.f32 v61, v1;
	v2 =	vadd.f32 v24, v2  }
0x3c: {  	v59 =	vld [tilespmem:$0x1F];
	v30 =	vsel vm15, $0x3F800000, v0;
	v28 =	vsel vm14, $0x3F800000, v0;
	v3 =	vadd.f32 v26, v3  }
0x3d: {  	v23 =	vld [tilespmem:$0x21];
	vm15 =	vlt.f32 v27, v4;
	vm4 =	vlt.f32 v21, v1;
	v2 =	vadd.f32 v28, v2  }
0x3e: {  	vm5 =	vlt.f32 v31, v4;
	v33 =	vld [tilespmem:$0x1F];
	v32 =	vsel vm4, $0x3F800000, v0;
	v3 =	vadd.f32 v30, v3  }
0x3f: {  	vm11 =	vlt.f32 v63, v4;
	v39 =	vld [tilespmem:$0x1A];
	vm6 =	vlt.f32 v25, v1;
	v2 =	vadd.f32 v32, v2  }
0x40: {  	v45 =	vld [tilespmem:$0x22];
	vm7 =	vlt.f32 v56, v4;
	v36 =	vsel vm6, $0x3F800000, v0;
	v3 =	vadd.f32 v34, v3  }
0x41: {  	v35 =	vld [tilespmem:$0x19];
	vm8 =	vlt.f32 v29, v1;
	v38 =	vsel vm7, $0x3F800000, v0;
	v2 =	vadd.f32 v36, v2  }
0x42: {  	v54 =	vsel vm15, $0x3F800000, v0;
	v40 =	vsel vm8, $0x3F800000, v0;
	v41 =	vld [tilespmem:$0x21];
	v3 =	vadd.f32 v38, v3  }
0x43: {  	v49 =	vld [tilespmem:$0x23];
	vm15 =	vlt.f32 v51, v4;
	vm10 =	vlt.f32 v33, v1;
	v2 =	vadd.f32 v40, v2  }
0x44: {  	v57 =	vld [tilespmem:$0x25];
	vm12 =	vlt.f32 v37, v1;
	v44 =	vsel vm10, $0x3F800000, v0;
	v3 =	vadd.f32 v42, v3  }
0x45: {  	v25 =	vld [tilespmem:$0x28];
	vm4 =	vlt.f32 v45, v1;
	v46 =	vsel vm11, $0x3F800000, v0;
	v2 =	vadd.f32 v44, v2  }
0x46: {  	v61 =	vld [tilespmem:$0x26];
	vm9 =	vlt.f32 v39, v4;
	v48 =	vsel vm12, $0x3F800000, v0;
	v3 =	vadd.f32 v46, v3  }
0x47: {  	v27 =	vld [tilespmem:$0x22];
	v50 =	vsel vm13, $0x3F800000, v0;
	vm14 =	vlt.f32 v41, v1;
	v2 =	vadd.f32 v48, v2  }
0x48: {  	v56 =	vsel vm4, $0x3F800000, v0;
	v53 =	vld [tilespmem:$0x24];
	v52 =	vsel vm14, $0x3F800000, v0;
	v3 =	vadd.f32 v50, v3  }
0x49: {  	v21 =	vld [tilespmem:$0x27];
	vm6 =	vlt.f32 v49, v1;
	vm7 =	vlt.f32 v35, v4;
	v2 =	vadd.f32 v52, v2  }
0x4a: {  	vm10 =	vlt.f32 v57, v1;
	vm4 =	vlt.f32 v25, v1;
	v43 =	vld [tilespmem:$0x1B];
	v3 =	vadd.f32 v54, v3  }
0x4b: {  	v29 =	vld [tilespmem:$0x29];
	vm12 =	vlt.f32 v61, v1;
	v58 =	vsel vm5, $0x3F800000, v0;
	v2 =	vadd.f32 v56, v2  }
0x4c: {  	v33 =	vld [tilespmem:$0x2A];
	vm13 =	vlt.f32 v47, v4;
	v60 =	vsel vm6, $0x3F800000, v0;
	v3 =	vadd.f32 v58, v3  }
0x4d: {  	v31 =	vld [tilespmem:$0x23];
	vm8 =	vlt.f32 v53, v1;
	v62 =	vsel vm7, $0x3F800000, v0;
	v2 =	vadd.f32 v60, v2  }
0x4e: {  	v55 =	vld [tilespmem:$0x1E];
	vm14 =	vlt.f32 v21, v1;
	v20 =	vsel vm8, $0x3F800000, v0;
	v3 =	vadd.f32 v62, v3  }
0x4f: {  	v37 =	vld [tilespmem:$0x2B];
	vm11 =	vlt.f32 v43, v4;
	v22 =	vsel vm9, $0x3F800000, v0;
	v2 =	vadd.f32 v20, v2  }
0x50: {  	v63 =	vld [tilespmem:$0x20];
	vm6 =	vlt.f32 v29, v1;
	v24 =	vsel vm10, $0x3F800000, v0;
	v3 =	vadd.f32 v22, v3  }
0x51: {  	v41 =	vld [tilespmem:$0x2C];
	vm8 =	vlt.f32 v33, v1;
	v26 =	vsel vm11, $0x3F800000, v0;
	v2 =	vadd.f32 v24, v2  }
0x52: {  	v51 =	vld [tilespmem:$0x28];
	vm7 =	vlt.f32 v59, v4;
	v28 =	vsel vm12, $0x3F800000, v0;
	v3 =	vadd.f32 v26, v3  }
0x53: {  	v45 =	vld [tilespmem:$0x2D];
	vm5 =	vlt.f32 v55, v4;
	v30 =	vsel vm13, $0x3F800000, v0;
	v2 =	vadd.f32 v28, v2  }
0x54: {  	v39 =	vld [tilespmem:$0x25];
	vm10 =	vlt.f32 v37, v1;
	v32 =	vsel vm14, $0x3F800000, v0;
	v3 =	vadd.f32 v30, v3  }
0x55: {  	v49 =	vld [tilespmem:$0x2E];
	vm9 =	vlt.f32 v63, v4;
	v34 =	vsel vm15, $0x3F800000, v0;
	v2 =	vadd.f32 v32, v2  }
0x56: {  	v35 =	vld [tilespmem:$0x24];
	vm12 =	vlt.f32 v41, v1;
	v36 =	vsel vm4, $0x3F800000, v0;
	v3 =	vadd.f32 v34, v3  }
0x57: {  	v53 =	vld [tilespmem:$0x2F];
	vm11 =	vlt.f32 v23, v4;
	v38 =	vsel vm5, $0x3F800000, v0;
	v2 =	vadd.f32 v36, v2  }
0x58: {  	v57 =	vld [tilespmem:$0x30];
	vm14 =	vlt.f32 v45, v1;
	v40 =	vsel vm6, $0x3F800000, v0;
	v3 =	vadd.f32 v38, v3  }
0x59: {  	v25 =	vld [tilespmem:$0x33];
	vm13 =	vlt.f32 v27, v4;
	v42 =	vsel vm7, $0x3F800000, v0;
	v2 =	vadd.f32 v40, v2  }
0x5a: {  	v61 =	vld [tilespmem:$0x31];
	vm4 =	vlt.f32 v49, v1;
	v44 =	vsel vm8, $0x3F800000, v0;
	v3 =	vadd.f32 v42, v3  }
0x5b: {  	v47 =	vld [tilespmem:$0x27];
	vm15 =	vlt.f32 v31, v4;
	v46 =	vsel vm9, $0x3F800000, v0;
	v2 =	vadd.f32 v44, v2  }
0x5c: {  	v43 =	vld [tilespmem:$0x26];
	vm6 =	vlt.f32 v53, v1;
	v48 =	vsel vm10, $0x3F800000, v0;
	v3 =	vadd.f32 v46, v3  }
0x5d: {  	v21 =	vld [tilespmem:$0x32];
	vm5 =	vlt.f32 v35, v4;
	v50 =	vsel vm11, $0x3F800000, v0;
	v2 =	vadd.f32 v48, v2  }
0x5e: {  	v29 =	vld [tilespmem:$0x34];
	vm8 =	vlt.f32 v57, v1;
	v52 =	vsel vm12, $0x3F800000, v0;
	v3 =	vadd.f32 v50, v3  }
0x5f: {  	v33 =	vld [tilespmem:$0x35];
	vm7 =	vlt.f32 v39, v4;
	v54 =	vsel vm13, $0x3F800000, v0;
	v2 =	vadd.f32 v52, v2  }
0x60: {  	v59 =	vld [tilespmem:$0x2A];
	vm10 =	vlt.f32 v61, v1;
	v56 =	vsel vm14, $0x3F800000, v0;
	v3 =	vadd.f32 v54, v3  }
0x61: {  	v55 =	vld [tilespmem:$0x29];
	vm9 =	vlt.f32 v43, v4;
	v58 =	vsel vm15, $0x3F800000, v0;
	v2 =	vadd.f32 v56, v2  }
0x62: {  	v37 =	vld [tilespmem:$0x36];
	vm12 =	vlt.f32 v21, v1;
	v60 =	vsel vm4, $0x3F800000, v0;
	v3 =	vadd.f32 v58, v3  }
0x63: {  	v63 =	vld [tilespmem:$0x2B];
	vm11 =	vlt.f32 v47, v4;
	v62 =	vsel vm5, $0x3F800000, v0;
	v2 =	vadd.f32 v60, v2  }
0x64: {  	v41 =	vld [tilespmem:$0x37];
	vm14 =	vlt.f32 v25, v1;
	v20 =	vsel vm6, $0x3F800000, v0;
	v3 =	vadd.f32 v62, v3  }
0x65: {  	v23 =	vld [tilespmem:$0x2C];
	vm13 =	vlt.f32 v51, v4;
	v22 =	vsel vm7, $0x3F800000, v0;
	v2 =	vadd.f32 v20, v2  }
0x66: {  	v45 =	vld [tilespmem:$0x38];
	vm4 =	vlt.f32 v29, v1;
	v24 =	vsel vm8, $0x3F800000, v0;
	v3 =	vadd.f32 v22, v3  }
0x67: {  	v27 =	vld [tilespmem:$0x2D];
	vm15 =	vlt.f32 v55, v4;
	v26 =	vsel vm9, $0x3F800000, v0;
	v2 =	vadd.f32 v24, v2  }
0x68: {  	v49 =	vld [tilespmem:$0x39];
	vm6 =	vlt.f32 v33, v1;
	v28 =	vsel vm10, $0x3F800000, v0;
	v3 =	vadd.f32 v26, v3  }
0x69: {  	v31 =	vld [tilespmem:$0x2E];
	vm5 =	vlt.f32 v59, v4;
	v30 =	vsel vm11, $0x3F800000, v0;
	v2 =	vadd.f32 v28, v2  }
0x6a: {  	v53 =	vld [tilespmem:$0x3A];
	vm8 =	vlt.f32 v37, v1;
	v32 =	vsel vm12, $0x3F800000, v0;
	v3 =	vadd.f32 v30, v3  }
0x6b: {  	v35 =	vld [tilespmem:$0x2F];
	vm7 =	vlt.f32 v63, v4;
	v34 =	vsel vm13, $0x3F800000, v0;
	v2 =	vadd.f32 v32, v2  }
0x6c: {  	v57 =	vld [tilespmem:$0x3B];
	vm10 =	vlt.f32 v41, v1;
	v36 =	vsel vm14, $0x3F800000, v0;
	v3 =	vadd.f32 v34, v3  }
0x6d: {  	v39 =	vld [tilespmem:$0x30];
	vm9 =	vlt.f32 v23, v4;
	v38 =	vsel vm15, $0x3F800000, v0;
	v2 =	vadd.f32 v36, v2  }
0x6e: {  	v61 =	vld [tilespmem:$0x3C];
	vm12 =	vlt.f32 v45, v1;
	v40 =	vsel vm4, $0x3F800000, v0;
	v3 =	vadd.f32 v38, v3  }
0x6f: {  	v43 =	vld [tilespmem:$0x31];
	vm11 =	vlt.f32 v27, v4;
	v42 =	vsel vm5, $0x3F800000, v0;
	v2 =	vadd.f32 v40, v2  }
0x70: {  	v47 =	vld [tilespmem:$0x32];
	vm14 =	vlt.f32 v49, v1;
	v44 =	vsel vm6, $0x3F800000, v0;
	v3 =	vadd.f32 v42, v3  }
0x71: {  	v63 =	vld [tilespmem:$0x36];
	vm13 =	vlt.f32 v31, v4;
	v46 =	vsel vm7, $0x3F800000, v0;
	v2 =	vadd.f32 v44, v2  }
0x72: {  	v51 =	vld [tilespmem:$0x33];
	vm15 =	vlt.f32 v35, v4;
	v48 =	vsel vm8, $0x3F800000, v0;
	v3 =	vadd.f32 v46, v3  }
0x73: {  	v59 =	vld [tilespmem:$0x35];
	vm5 =	vlt.f32 v39, v4;
	v50 =	vsel vm9, $0x3F800000, v0;
	v2 =	vadd.f32 v48, v2  }
0x74: {  	v55 =	vld [tilespmem:$0x34];
	v21 =	vsel vm5, $0x3F800000, v0;
	v52 =	vsel vm10, $0x3F800000, v0;
	v3 =	vadd.f32 v50, v3  }
0x75: {  	vm8 =	vlt.f32 v61, v1;
	v61 =	vld [tilespmem:$0x4A];
	v54 =	vsel vm11, $0x3F800000, v0;
	v2 =	vadd.f32 v52, v2  }
0x76: {  	vm5 =	vlt.f32 v63, v4;
	v63 =	vld [tilespmem:$0x4B];
	v56 =	vsel vm12, $0x3F800000, v0;
	v3 =	vadd.f32 v54, v3  }
0x77: {  	v60 =	vsel vm14, $0x3F800000, v0;
	v58 =	vsel vm13, $0x3F800000, v0;
	v20 =	vld [tilespmem:$0x3D];
	v2 =	vadd.f32 v56, v2  }
0x78: {  	v62 =	vsel vm15, $0x3F800000, v0;
	vm15 =	vlt.f32 v59, v4;
	v59 =	vld [tilespmem:$0x48];
	v3 =	vadd.f32 v58, v3  }
0x79: {  	vm4 =	vlt.f32 v53, v1;
	v24 =	vld [tilespmem:$0x3E];
	v2 =	vadd.f32 v60, v2  }
0x7a: {  	v19 =	vsel vm4, $0x3F800000, v0;
	vm6 =	vlt.f32 v57, v1;
	v22 =	vld [tilespmem:$0x37];
	v3 =	vadd.f32 v62, v3  }
0x7b: {  	v23 =	vsel vm6, $0x3F800000, v0;
	vm7 =	vlt.f32 v43, v4;
	v28 =	vld [tilespmem:$0x3F];
	v2 =	vadd.f32 v19, v2  }
0x7c: {  	v27 =	vsel vm8, $0x3F800000, v0;
	v25 =	vsel vm7, $0x3F800000, v0;
	v26 =	vld [tilespmem:$0x38];
	v3 =	vadd.f32 v21, v3  }
0x7d: {  	vm9 =	vlt.f32 v47, v4;
	vm10 =	vlt.f32 v20, v1;
	v20 =	vld [tilespmem:$0x4C];
	v2 =	vadd.f32 v23, v2  }
0x7e: {  	v45 =	vsel vm5, $0x3F800000, v0;
	v29 =	vsel vm9, $0x3F800000, v0;
	v32 =	vld [tilespmem:$0x40];
	v3 =	vadd.f32 v25, v3  }
0x7f: {  	vm11 =	vlt.f32 v51, v4;
	vm13 =	vlt.f32 v55, v4;
	v30 =	vld [tilespmem:$0x39];
	v2 =	vadd.f32 v27, v2  }
0x80: {  	v31 =	vsel vm10, $0x3F800000, v0;
	vm12 =	vlt.f32 v24, v1;
	v24 =	vld [tilespmem:$0x4E];
	v3 =	vadd.f32 v29, v3  }
0x81: {  	v33 =	vsel vm11, $0x3F800000, v0;
	v37 =	vsel vm13, $0x3F800000, v0;
	v36 =	vld [tilespmem:$0x41];
	v2 =	vadd.f32 v31, v2  }
0x82: {  	v35 =	vsel vm12, $0x3F800000, v0;
	vm7 =	vlt.f32 v22, v4;
	v22 =	vld [tilespmem:$0x4D];
	v3 =	vadd.f32 v33, v3  }
0x83: {  	v41 =	vsel vm15, $0x3F800000, v0;
	v34 =	vld [tilespmem:$0x3A];
	vm14 =	vlt.f32 v28, v1;
	v2 =	vadd.f32 v35, v2  }
0x84: {  	v49 =	vsel vm7, $0x3F800000, v0;
	v39 =	vsel vm14, $0x3F800000, v0;
	v40 =	vld [tilespmem:$0x42];
	v3 =	vadd.f32 v37, v3  }
0x85: {  	v28 =	vld [tilespmem:$0x22];
	vm9 =	vlt.f32 v26, v4;
	vm4 =	vlt.f32 v32, v1;
	v2 =	vadd.f32 v39, v2  }
0x86: {  	v53 =	vsel vm9, $0x3F800000, v0;
	v43 =	vsel vm4, $0x3F800000, v0;
	v44 =	vld [tilespmem:$0x43];
	v3 =	vadd.f32 v41, v3  }
0x87: {  	v38 =	vld [tilespmem:$0x3B];
	vm11 =	vlt.f32 v30, v4;
	vm6 =	vlt.f32 v36, v1;
	v2 =	vadd.f32 v43, v2  }
0x88: {  	v57 =	vsel vm11, $0x3F800000, v0;
	v47 =	vsel vm6, $0x3F800000, v0;
	v48 =	vld [tilespmem:$0x44];
	v3 =	vadd.f32 v45, v3  }
0x89: {  	v42 =	vld [tilespmem:$0x3C];
	vm13 =	vlt.f32 v34, v4;
	vm8 =	vlt.f32 v40, v1;
	v2 =	vadd.f32 v47, v2  }
0x8a: {  	v15 =	vsel vm13, $0x3F800000, v0;
	v51 =	vsel vm8, $0x3F800000, v0;
	v52 =	vld [tilespmem:$0x45];
	v3 =	vadd.f32 v49, v3  }
0x8b: {  	v46 =	vld [tilespmem:$0x3D];
	vm13 =	vlt.f32 v63, v1;
	vm10 =	vlt.f32 v44, v1;
	v2 =	vadd.f32 v51, v2  }
0x8c: {  	vm15 =	vlt.f32 v38, v4;
	v55 =	vsel vm10, $0x3F800000, v0;
	v56 =	vld [tilespmem:$0x46];
	v3 =	vadd.f32 v53, v3  }
0x8d: {  	v26 =	vld [tilespmem:$0x21];
	vm8 =	vlt.f32 v59, v1;
	vm12 =	vlt.f32 v48, v1;
	v2 =	vadd.f32 v55, v2  }
0x8e: {  	v9 =	vsel vm8, $0x3F800000, v0;
	v6 =	vsel vm12, $0x3F800000, v0;
	v58 =	vld [tilespmem:$0x47];
	v3 =	vadd.f32 v57, v3  }
0x8f: {  	v50 =	vld [tilespmem:$0x3E];
	vm5 =	vlt.f32 v42, v4;
	vm14 =	vlt.f32 v52, v1;
	v2 =	vadd.f32 v6, v2  }
0x90: {  	v54 =	vld [tilespmem:$0x3F];
	vm7 =	vlt.f32 v46, v4;
	v8 =	vsel vm14, $0x3F800000, v0;
	v3 =	vadd.f32 v15, v3  }
0x91: {  	v60 =	vld [tilespmem:$0x49];
	v62 =	vsel vm15, $0x3F800000, v0;
	vm4 =	vlt.f32 v56, v1;
	v2 =	vadd.f32 v8, v2  }
0x92: {  	v32 =	vld [tilespmem:$0x24];
	vm12 =	vlt.f32 v61, v1;
	v19 =	vsel vm4, $0x3F800000, v0;
	v3 =	vadd.f32 v62, v3  }
0x93: {  	v30 =	vld [tilespmem:$0x23];
	v21 =	vsel vm5, $0x3F800000, v0;
	vm6 =	vlt.f32 v58, v1;
	v2 =	vadd.f32 v19, v2  }
0x94: {  	v34 =	vld [tilespmem:$0x31];
	vm14 =	vlt.f32 v20, v1;
	v23 =	vadd.f32 v21, v3;
	v3 =	vsel vm6, $0x3F800000, v0  }
0x95: {  	v44 =	vld [tilespmem:$0x26];
	vm9 =	vlt.f32 v50, v4;
	v13 =	vsel vm14, $0x3F800000, v0;
	v2 =	vadd.f32 v3, v2  }
0x96: {  	vm11 =	vlt.f32 v54, v4;
	vm10 =	vlt.f32 v60, v1;
	v25 =	vsel vm7, $0x3F800000, v0;
	v3 =	vld [tilespmem:$0x20]  }
0x97: {  	v4 =	vsel vm11, $0x3F800000, v0;
	v39 =	vld [tilespmem:$0x25];
	v5 =	vadd.f32 v25, v23;
	v9 =	vadd.f32 v9, v2  }
0x98: {  	vm5 =	vlt.f32 v22, v1;
	v27 =	vsel vm9, $0x3F800000, v0;
	v29 =	vsel vm10, $0x3F800000, v0;
	v51 =	vld [tilespmem:$0x28]  }
0x99: {  	v40 =	vsel vm5, $0x3F800000, v0;
	v55 =	vld [tilespmem:$0x29];
	v2 =	vadd.f32 v27, v5;
	v5 =	vadd.f32 v29, v9  }
0x9a: {  	vm7 =	vlt.f32 v24, v1;
	v31 =	vsel vm12, $0x3F800000, v0;
	v33 =	vsel vm13, $0x3F800000, v0;
	v37 =	vld [tilespmem:$0x32]  }
0x9b: {  	v8 =	vsel vm7, $0x3F800000, v0;
	vm15 =	vlt.f32 v26, v3;
	v11 =	vadd.f32 v31, v5;
	v5 =	vld [tilespmem:$0x30]  }
0x9c: {  	vm4 =	vlt.f32 v28, v3;
	vm6 =	vlt.f32 v30, v3;
	vm8 =	vlt.f32 v32, v3  }
0x9d: {  	v42 =	vld [tilespmem:$0x33];
	vm11 =	vlt.f32 v39, v3;
	vm13 =	vlt.f32 v44, v3;
	vm5 =	vlt.f32 v51, v3  }
0x9e: {  	v63 =	vld [tilespmem:$0x2B];
	vm7 =	vlt.f32 v55, v3;
	v2 =	vadd.f32 v4, v2;
	v35 =	vsel vm15, $0x3F800000, v0  }
0x9f: {  	v46 =	vld [tilespmem:$0x34];
	v36 =	vsel vm4, $0x3F800000, v0;
	v41 =	vsel vm6, $0x3F800000, v0;
	v45 =	vsel vm8, $0x3F800000, v0  }
0xa0: {  	v47 =	vld [tilespmem:$0x27];
	v38 =	vadd.f32 v36, v35;
	vm9 =	vlt.f32 v34, v5;
	vm10 =	vlt.f32 v37, v5  }
0xa1: {  	v49 =	vld [tilespmem:$0x35];
	v11 =	vadd.f32 v33, v11;
	v10 =	vsel vm9, $0x3F800000, v0;
	v48 =	vsel vm10, $0x3F800000, v0  }
0xa2: {  	v59 =	vld [tilespmem:$0x2A];
	v50 =	vsel vm11, $0x3F800000, v0;
	vm12 =	vlt.f32 v42, v5;
	v9 =	vadd.f32 v48, v10  }
0xa3: {  	v53 =	vld [tilespmem:$0x36];
	v43 =	vadd.f32 v41, v38;
	v11 =	vadd.f32 v13, v11;
	v52 =	vsel vm12, $0x3F800000, v0  }
0xa4: {  	v61 =	vld [tilespmem:$0x38];
	v54 =	vsel vm13, $0x3F800000, v0;
	vm14 =	vlt.f32 v46, v5;
	v9 =	vadd.f32 v52, v9  }
0xa5: {  	v57 =	vld [tilespmem:$0x37];
	v7 =	vadd.f32 v40, v11;
	v11 =	vadd.f32 v45, v43;
	v56 =	vsel vm14, $0x3F800000, v0  }
0xa6: {  	v23 =	vld [tilespmem:$0x2C];
	vm15 =	vlt.f32 v47, v3;
	vm4 =	vlt.f32 v49, v5;
	v9 =	vadd.f32 v56, v9  }
0xa7: {  	v21 =	vld [tilespmem:$0x39];
	v62 =	vsel vm5, $0x3F800000, v0;
	v60 =	vsel vm4, $0x3F800000, v0;
	v10 =	vadd.f32 v50, v11  }
0xa8: {  	v27 =	vld [tilespmem:$0x2D];
	v22 =	vsel vm7, $0x3F800000, v0;
	vm6 =	vlt.f32 v53, v5;
	v9 =	vadd.f32 v60, v9  }
0xa9: {  	v25 =	vld [tilespmem:$0x3A];
	vm11 =	vlt.f32 v63, v3;
	v20 =	vsel vm6, $0x3F800000, v0;
	v10 =	vadd.f32 v54, v10  }
0xaa: {  	v29 =	vld [tilespmem:$0x3B];
	v58 =	vsel vm15, $0x3F800000, v0;
	vm8 =	vlt.f32 v57, v5;
	v9 =	vadd.f32 v20, v9  }
0xab: {  	v39 =	vld [tilespmem:$0x30];
	vm13 =	vlt.f32 v23, v3;
	v24 =	vsel vm8, $0x3F800000, v0;
	v10 =	vadd.f32 v58, v10  }
0xac: {  	v51 =	vld [tilespmem:$0x33];
	v30 =	vsel vm11, $0x3F800000, v0;
	vm10 =	vlt.f32 v61, v5;
	v9 =	vadd.f32 v24, v9  }
0xad: {  	v31 =	vld [tilespmem:$0x2E];
	vm15 =	vlt.f32 v27, v3;
	v28 =	vsel vm10, $0x3F800000, v0;
	v10 =	vadd.f32 v62, v10  }
0xae: {  	v47 =	vld [tilespmem:$0x32];
	v38 =	vsel vm15, $0x3F800000, v0;
	vm12 =	vlt.f32 v21, v5;
	v9 =	vadd.f32 v28, v9  }
0xaf: {  	v33 =	vld [tilespmem:$0x3C];
	vm9 =	vlt.f32 v59, v3;
	v32 =	vsel vm12, $0x3F800000, v0;
	v10 =	vadd.f32 v22, v10  }
0xb0: {  	v35 =	vld [tilespmem:$0x2F];
	vm14 =	vlt.f32 v25, v5;
	v26 =	vsel vm9, $0x3F800000, v0;
	v9 =	vadd.f32 v32, v9  }
0xb1: {  	vm15 =	vlt.f32 v51, v3;
	v37 =	vld [tilespmem:$0x3D];
	v36 =	vsel vm14, $0x3F800000, v0;
	v10 =	vadd.f32 v26, v10  }
0xb2: {  	v55 =	vld [tilespmem:$0x34];
	v34 =	vsel vm13, $0x3F800000, v0;
	vm4 =	vlt.f32 v29, v5;
	v9 =	vadd.f32 v36, v9  }
0xb3: {  	v41 =	vld [tilespmem:$0x3E];
	vm5 =	vlt.f32 v31, v3;
	v40 =	vsel vm4, $0x3F800000, v0;
	v10 =	vadd.f32 v30, v10  }
0xb4: {  	v63 =	vld [tilespmem:$0x36];
	vm13 =	vlt.f32 v47, v3;
	vm6 =	vlt.f32 v33, v5;
	v9 =	vadd.f32 v40, v9  }
0xb5: {  	v42 =	vsel vm5, $0x3F800000, v0;
	v45 =	vld [tilespmem:$0x3F];
	v44 =	vsel vm6, $0x3F800000, v0;
	v10 =	vadd.f32 v34, v10  }
0xb6: {  	v49 =	vld [tilespmem:$0x40];
	vm7 =	vlt.f32 v35, v3;
	vm8 =	vlt.f32 v37, v5;
	v9 =	vadd.f32 v44, v9  }
0xb7: {  	v53 =	vld [tilespmem:$0x41];
	vm5 =	vlt.f32 v55, v3;
	v48 =	vsel vm8, $0x3F800000, v0;
	v10 =	vadd.f32 v38, v10  }
0xb8: {  	v43 =	vld [tilespmem:$0x31];
	v46 =	vsel vm7, $0x3F800000, v0;
	vm10 =	vlt.f32 v41, v5;
	v9 =	vadd.f32 v48, v9  }
0xb9: {  	v57 =	vld [tilespmem:$0x42];
	vm9 =	vlt.f32 v39, v3;
	v52 =	vsel vm10, $0x3F800000, v0;
	v10 =	vadd.f32 v42, v10  }
0xba: {  	v59 =	vld [tilespmem:$0x35];
	v50 =	vsel vm9, $0x3F800000, v0;
	vm12 =	vlt.f32 v45, v5;
	v9 =	vadd.f32 v52, v9  }
0xbb: {  	v61 =	vld [tilespmem:$0x43];
	vm9 =	vlt.f32 v63, v3;
	v56 =	vsel vm12, $0x3F800000, v0;
	v10 =	vadd.f32 v46, v10  }
0xbc: {  	v21 =	vld [tilespmem:$0x44];
	vm14 =	vlt.f32 v49, v5;
	vm4 =	vlt.f32 v53, v5;
	v9 =	vadd.f32 v56, v9  }
0xbd: {  	v23 =	vld [tilespmem:$0x37];
	vm11 =	vlt.f32 v43, v3;
	v60 =	vsel vm14, $0x3F800000, v0;
	v10 =	vadd.f32 v50, v10  }
0xbe: {  	v25 =	vld [tilespmem:$0x45];
	vm6 =	vlt.f32 v57, v5;
	v54 =	vsel vm11, $0x3F800000, v0;
	v9 =	vadd.f32 v60, v9  }
0xbf: {  	v27 =	vld [tilespmem:$0x38];
	vm7 =	vlt.f32 v59, v3;
	v20 =	vsel vm4, $0x3F800000, v0;
	v10 =	vadd.f32 v54, v10  }
0xc0: {  	v29 =	vld [tilespmem:$0x46];
	vm8 =	vlt.f32 v61, v5;
	v58 =	vsel vm13, $0x3F800000, v0;
	v9 =	vadd.f32 v20, v9  }
0xc1: {  	v31 =	vld [tilespmem:$0x39];
	vm10 =	vlt.f32 v21, v5;
	v24 =	vsel vm6, $0x3F800000, v0;
	v10 =	vadd.f32 v58, v10  }
0xc2: {  	v33 =	vld [tilespmem:$0x47];
	vm11 =	vlt.f32 v23, v3;
	v62 =	vsel vm15, $0x3F800000, v0;
	v9 =	vadd.f32 v24, v9  }
0xc3: {  	v35 =	vld [tilespmem:$0x3A];
	vm12 =	vlt.f32 v25, v5;
	v28 =	vsel vm8, $0x3F800000, v0;
	v10 =	vadd.f32 v62, v10  }
0xc4: {  	v37 =	vld [tilespmem:$0x48];
	vm13 =	vlt.f32 v27, v3;
	v22 =	vsel vm5, $0x3F800000, v0;
	v9 =	vadd.f32 v28, v9  }
0xc5: {  	v39 =	vld [tilespmem:$0x3B];
	vm14 =	vlt.f32 v29, v5;
	v32 =	vsel vm10, $0x3F800000, v0;
	v10 =	vadd.f32 v22, v10  }
0xc6: {  	v41 =	vld [tilespmem:$0x49];
	vm15 =	vlt.f32 v31, v3;
	v26 =	vsel vm7, $0x3F800000, v0;
	v9 =	vadd.f32 v32, v9  }
0xc7: {  	v43 =	vld [tilespmem:$0x3C];
	vm4 =	vlt.f32 v33, v5;
	v36 =	vsel vm12, $0x3F800000, v0;
	v10 =	vadd.f32 v26, v10  }
0xc8: {  	v45 =	vld [tilespmem:$0x4A];
	vm5 =	vlt.f32 v35, v3;
	v30 =	vsel vm9, $0x3F800000, v0;
	v9 =	vadd.f32 v36, v9  }
0xc9: {  	v47 =	vld [tilespmem:$0x3D];
	vm6 =	vlt.f32 v37, v5;
	v40 =	vsel vm14, $0x3F800000, v0;
	v10 =	vadd.f32 v30, v10  }
0xca: {  	v49 =	vld [tilespmem:$0x4B];
	vm7 =	vlt.f32 v39, v3;
	v34 =	vsel vm11, $0x3F800000, v0;
	v9 =	vadd.f32 v40, v9  }
0xcb: {  	v51 =	vld [tilespmem:$0x3E];
	vm8 =	vlt.f32 v41, v5;
	v44 =	vsel vm4, $0x3F800000, v0;
	v10 =	vadd.f32 v34, v10  }
0xcc: {  	v53 =	vld [tilespmem:$0x4C];
	vm9 =	vlt.f32 v43, v3;
	v38 =	vsel vm13, $0x3F800000, v0;
	v9 =	vadd.f32 v44, v9  }
0xcd: {  	v55 =	vld [tilespmem:$0x3F];
	vm10 =	vlt.f32 v45, v5;
	v48 =	vsel vm6, $0x3F800000, v0;
	v10 =	vadd.f32 v38, v10  }
0xce: {  	v57 =	vld [tilespmem:$0x4D];
	vm11 =	vlt.f32 v47, v3;
	v42 =	vsel vm15, $0x3F800000, v0;
	v9 =	vadd.f32 v48, v9  }
0xcf: {  	v59 =	vld [tilespmem:$0x40];
	vm12 =	vlt.f32 v49, v5;
	v52 =	vsel vm8, $0x3F800000, v0;
	v10 =	vadd.f32 v42, v10  }
0xd0: {  	v61 =	vld [tilespmem:$0x4E];
	vm13 =	vlt.f32 v51, v3;
	v46 =	vsel vm5, $0x3F800000, v0;
	v9 =	vadd.f32 v52, v9  }
0xd1: {  	v63 =	vld [tilespmem:$0x41];
	vm14 =	vlt.f32 v53, v5;
	v56 =	vsel vm10, $0x3F800000, v0;
	v10 =	vadd.f32 v46, v10  }
0xd2: {  	v21 =	vld [tilespmem:$0x4F];
	vm15 =	vlt.f32 v55, v3;
	v50 =	vsel vm7, $0x3F800000, v0;
	v9 =	vadd.f32 v56, v9  }
0xd3: {  	v23 =	vld [tilespmem:$0x42];
	vm4 =	vlt.f32 v57, v5;
	v60 =	vsel vm12, $0x3F800000, v0;
	v10 =	vadd.f32 v50, v10  }
0xd4: {  	v25 =	vld [tilespmem:$0x50];
	vm5 =	vlt.f32 v59, v3;
	v54 =	vsel vm9, $0x3F800000, v0;
	v9 =	vadd.f32 v60, v9  }
0xd5: {  	v27 =	vld [tilespmem:$0x43];
	vm6 =	vlt.f32 v61, v5;
	v20 =	vsel vm14, $0x3F800000, v0;
	v10 =	vadd.f32 v54, v10  }
0xd6: {  	v29 =	vld [tilespmem:$0x51];
	vm7 =	vlt.f32 v63, v3;
	v58 =	vsel vm11, $0x3F800000, v0;
	v9 =	vadd.f32 v20, v9  }
0xd7: {  	v31 =	vld [tilespmem:$0x44];
	vm8 =	vlt.f32 v21, v5;
	v24 =	vsel vm4, $0x3F800000, v0;
	v10 =	vadd.f32 v58, v10  }
0xd8: {  	v33 =	vld [tilespmem:$0x52];
	vm9 =	vlt.f32 v23, v3;
	v62 =	vsel vm13, $0x3F800000, v0;
	v9 =	vadd.f32 v24, v9  }
0xd9: {  	v35 =	vld [tilespmem:$0x45];
	vm10 =	vlt.f32 v25, v5;
	v28 =	vsel vm6, $0x3F800000, v0;
	v10 =	vadd.f32 v62, v10  }
0xda: {  	v37 =	vld [tilespmem:$0x53];
	vm11 =	vlt.f32 v27, v3;
	v22 =	vsel vm15, $0x3F800000, v0;
	v9 =	vadd.f32 v28, v9  }
0xdb: {  	v39 =	vld [tilespmem:$0x46];
	vm12 =	vlt.f32 v29, v5;
	v32 =	vsel vm8, $0x3F800000, v0;
	v10 =	vadd.f32 v22, v10  }
0xdc: {  	v41 =	vld [tilespmem:$0x54];
	vm13 =	vlt.f32 v31, v3;
	v26 =	vsel vm5, $0x3F800000, v0;
	v9 =	vadd.f32 v32, v9  }
0xdd: {  	v43 =	vld [tilespmem:$0x47];
	vm14 =	vlt.f32 v33, v5;
	v36 =	vsel vm10, $0x3F800000, v0;
	v10 =	vadd.f32 v26, v10  }
0xde: {  	v45 =	vld [tilespmem:$0x55];
	vm15 =	vlt.f32 v35, v3;
	v30 =	vsel vm7, $0x3F800000, v0;
	v9 =	vadd.f32 v36, v9  }
0xdf: {  	v47 =	vld [tilespmem:$0x48];
	vm4 =	vlt.f32 v37, v5;
	v40 =	vsel vm12, $0x3F800000, v0;
	v10 =	vadd.f32 v30, v10  }
0xe0: {  	v49 =	vld [tilespmem:$0x56];
	vm5 =	vlt.f32 v39, v3;
	v34 =	vsel vm9, $0x3F800000, v0;
	v9 =	vadd.f32 v40, v9  }
0xe1: {  	v51 =	vld [tilespmem:$0x49];
	vm6 =	vlt.f32 v41, v5;
	v44 =	vsel vm14, $0x3F800000, v0;
	v10 =	vadd.f32 v34, v10  }
0xe2: {  	v53 =	vld [tilespmem:$0x57];
	vm7 =	vlt.f32 v43, v3;
	v38 =	vsel vm11, $0x3F800000, v0;
	v9 =	vadd.f32 v44, v9  }
0xe3: {  	v55 =	vld [tilespmem:$0x4A];
	vm8 =	vlt.f32 v45, v5;
	v48 =	vsel vm4, $0x3F800000, v0;
	v10 =	vadd.f32 v38, v10  }
0xe4: {  	v57 =	vld [tilespmem:$0x58];
	vm9 =	vlt.f32 v47, v3;
	v42 =	vsel vm13, $0x3F800000, v0;
	v9 =	vadd.f32 v48, v9  }
0xe5: {  	v59 =	vld [tilespmem:$0x4B];
	vm10 =	vlt.f32 v49, v5;
	v52 =	vsel vm6, $0x3F800000, v0;
	v10 =	vadd.f32 v42, v10  }
0xe6: {  	v61 =	vld [tilespmem:$0x59];
	vm11 =	vlt.f32 v51, v3;
	v46 =	vsel vm15, $0x3F800000, v0;
	v9 =	vadd.f32 v52, v9  }
0xe7: {  	v63 =	vld [tilespmem:$0x4C];
	vm12 =	vlt.f32 v53, v5;
	v56 =	vsel vm8, $0x3F800000, v0;
	v10 =	vadd.f32 v46, v10  }
0xe8: {  	v21 =	vld [tilespmem:$0x5A];
	vm13 =	vlt.f32 v55, v3;
	v50 =	vsel vm5, $0x3F800000, v0;
	v9 =	vadd.f32 v56, v9  }
0xe9: {  	v23 =	vld [tilespmem:$0x4D];
	vm14 =	vlt.f32 v57, v5;
	v60 =	vsel vm10, $0x3F800000, v0;
	v10 =	vadd.f32 v50, v10  }
0xea: {  	v25 =	vld [tilespmem:$0x5B];
	vm15 =	vlt.f32 v59, v3;
	v54 =	vsel vm7, $0x3F800000, v0;
	v9 =	vadd.f32 v60, v9  }
0xeb: {  	v27 =	vld [tilespmem:$0x4E];
	vm4 =	vlt.f32 v61, v5;
	v20 =	vsel vm12, $0x3F800000, v0;
	v10 =	vadd.f32 v54, v10  }
0xec: {  	v29 =	vld [tilespmem:$0x5C];
	vm5 =	vlt.f32 v63, v3;
	v58 =	vsel vm9, $0x3F800000, v0;
	v9 =	vadd.f32 v20, v9  }
0xed: {  	v31 =	vld [tilespmem:$0x4F];
	vm6 =	vlt.f32 v21, v5;
	v24 =	vsel vm14, $0x3F800000, v0;
	v10 =	vadd.f32 v58, v10  }
0xee: {  	v33 =	vld [tilespmem:$0x5D];
	vm7 =	vlt.f32 v23, v3;
	v62 =	vsel vm11, $0x3F800000, v0;
	v9 =	vadd.f32 v24, v9  }
0xef: {  	v35 =	vld [tilespmem:$0x50];
	vm8 =	vlt.f32 v25, v5;
	v28 =	vsel vm4, $0x3F800000, v0;
	v10 =	vadd.f32 v62, v10  }
0xf0: {  	v37 =	vld [tilespmem:$0x5E];
	vm9 =	vlt.f32 v27, v3;
	v22 =	vsel vm13, $0x3F800000, v0;
	v9 =	vadd.f32 v28, v9  }
0xf1: {  	v39 =	vld [tilespmem:$0x51];
	vm10 =	vlt.f32 v29, v5;
	v32 =	vsel vm6, $0x3F800000, v0;
	v10 =	vadd.f32 v22, v10  }
0xf2: {  	v41 =	vld [tilespmem:$0x5F];
	vm11 =	vlt.f32 v31, v3;
	v26 =	vsel vm15, $0x3F800000, v0;
	v9 =	vadd.f32 v32, v9  }
0xf3: {  	v43 =	vld [tilespmem:$0x52];
	vm12 =	vlt.f32 v33, v5;
	v36 =	vsel vm8, $0x3F800000, v0;
	v10 =	vadd.f32 v26, v10  }
0xf4: {  	v45 =	vld [tilespmem:$0x60];
	vm13 =	vlt.f32 v35, v3;
	v30 =	vsel vm5, $0x3F800000, v0;
	v9 =	vadd.f32 v36, v9  }
0xf5: {  	v47 =	vld [tilespmem:$0x53];
	vm14 =	vlt.f32 v37, v5;
	v40 =	vsel vm10, $0x3F800000, v0;
	v10 =	vadd.f32 v30, v10  }
0xf6: {  	v49 =	vld [tilespmem:$0x61];
	vm15 =	vlt.f32 v39, v3;
	v34 =	vsel vm7, $0x3F800000, v0;
	v9 =	vadd.f32 v40, v9  }
0xf7: {  	v51 =	vld [tilespmem:$0x54];
	vm4 =	vlt.f32 v41, v5;
	v44 =	vsel vm12, $0x3F800000, v0;
	v10 =	vadd.f32 v34, v10  }
0xf8: {  	v53 =	vld [tilespmem:$0x62];
	vm5 =	vlt.f32 v43, v3;
	v38 =	vsel vm9, $0x3F800000, v0;
	v9 =	vadd.f32 v44, v9  }
0xf9: {  	v55 =	vld [tilespmem:$0x55];
	vm6 =	vlt.f32 v45, v5;
	v48 =	vsel vm14, $0x3F800000, v0;
	v10 =	vadd.f32 v38, v10  }
0xfa: {  	vm7 =	vlt.f32 v47, v3;
	v42 =	vsel vm11, $0x3F800000, v0;
	v9 =	vadd.f32 v48, v9  }
0xfb: {  	v57 =	vld [tilespmem:$0x63];
	vm8 =	vlt.f32 v49, v5;
	v52 =	vsel vm4, $0x3F800000, v0;
	v10 =	vadd.f32 v42, v10  }
0xfc: {  	v59 =	vld [tilespmem:$0x56];
	vm9 =	vlt.f32 v51, v3;
	v46 =	vsel vm13, $0x3F800000, v0;
	v9 =	vadd.f32 v52, v9  }
0xfd: {  	v6 =	vld [tilespmem:$0x4F];
	vm10 =	vlt.f32 v53, v5;
	v56 =	vsel vm6, $0x3F800000, v0;
	v10 =	vadd.f32 v46, v10  }
0xfe: {  	v61 =	vld [tilespmem:$0x64];
	vm11 =	vlt.f32 v55, v3;
	v50 =	vsel vm15, $0x3F800000, v0;
	v9 =	vadd.f32 v56, v9  }
0xff: {  	v63 =	vld [tilespmem:$0x57];
	v19 =	vsel vm10, $0x3F800000, v0;
	v60 =	vsel vm8, $0x3F800000, v0;
	v10 =	vadd.f32 v50, v10  }
0x100: {  	v47 =	vld [tilespmem:$0x5E];
	v21 =	vsel vm11, $0x3F800000, v0;
	v54 =	vsel vm5, $0x3F800000, v0;
	v9 =	vadd.f32 v60, v9  }
0x101: {  	vm12 =	vlt.f32 v57, v5;
	vm13 =	vlt.f32 v59, v3;
	v20 =	vld [tilespmem:$0x65];
	v10 =	vadd.f32 v54, v10  }
0x102: {  	v23 =	vsel vm12, $0x3F800000, v0;
	v58 =	vsel vm7, $0x3F800000, v0;
	v22 =	vld [tilespmem:$0x58];
	v9 =	vadd.f32 v19, v9  }
0x103: {  	v25 =	vsel vm13, $0x3F800000, v0;
	vm14 =	vlt.f32 v61, v5;
	v24 =	vld [tilespmem:$0x66];
	v10 =	vadd.f32 v58, v10  }
0x104: {  	vm13 =	vlt.f32 v6, v1;
	v62 =	vsel vm9, $0x3F800000, v0;
	v26 =	vld [tilespmem:$0x59];
	v9 =	vadd.f32 v23, v9  }
0x105: {  	vm15 =	vlt.f32 v63, v3;
	v27 =	vsel vm14, $0x3F800000, v0;
	v28 =	vld [tilespmem:$0x67];
	v10 =	vadd.f32 v62, v10  }
0x106: {  	v51 =	vld [tilespmem:$0x6D];
	v49 =	vsel vm13, $0x3F800000, v0;
	vm4 =	vlt.f32 v20, v5;
	v9 =	vadd.f32 v27, v9  }
0x107: {  	v29 =	vsel vm15, $0x3F800000, v0;
	v31 =	vsel vm4, $0x3F800000, v0;
	v32 =	vld [tilespmem:$0x68];
	v10 =	vadd.f32 v21, v10  }
0x108: {  	v30 =	vld [tilespmem:$0x5A];
	vm5 =	vlt.f32 v22, v3;
	vm6 =	vlt.f32 v24, v5;
	v9 =	vadd.f32 v31, v9  }
0x109: {  	v33 =	vsel vm5, $0x3F800000, v0;
	v35 =	vsel vm6, $0x3F800000, v0;
	v36 =	vld [tilespmem:$0x69];
	v10 =	vadd.f32 v25, v10  }
0x10a: {  	v34 =	vld [tilespmem:$0x5B];
	vm7 =	vlt.f32 v26, v3;
	vm8 =	vlt.f32 v28, v5;
	v9 =	vadd.f32 v35, v9  }
0x10b: {  	v37 =	vsel vm7, $0x3F800000, v0;
	v39 =	vsel vm8, $0x3F800000, v0;
	v40 =	vld [tilespmem:$0x6A];
	v10 =	vadd.f32 v29, v10  }
0x10c: {  	vm7 =	vlt.f32 v47, v3;
	vm10 =	vlt.f32 v32, v5;
	v9 =	vadd.f32 v39, v9  }
0x10d: {  	vm9 =	vlt.f32 v30, v3;
	v43 =	vsel vm10, $0x3F800000, v0;
	v44 =	vld [tilespmem:$0x6B];
	v10 =	vadd.f32 v33, v10  }
0x10e: {  	v38 =	vld [tilespmem:$0x5C];
	v41 =	vsel vm9, $0x3F800000, v0;
	vm12 =	vlt.f32 v36, v5;
	v9 =	vadd.f32 v43, v9  }
0x10f: {  	vm9 =	vlt.f32 v51, v5;
	v46 =	vld [tilespmem:$0x6C];
	v48 =	vsel vm12, $0x3F800000, v0;
	v10 =	vadd.f32 v37, v10  }
0x110: {  	v42 =	vld [tilespmem:$0x5D];
	vm11 =	vlt.f32 v34, v3;
	vm14 =	vlt.f32 v40, v5;
	v9 =	vadd.f32 v48, v9  }
0x111: {  	v57 =	vld [tilespmem:$0x6F];
	v59 =	vsel vm9, $0x3F800000, v0;
	v15 =	vsel vm14, $0x3F800000, v0;
	v10 =	vadd.f32 v41, v10  }
0x112: {  	v45 =	vsel vm11, $0x3F800000, v0;
	v50 =	vld [tilespmem:$0x5F];
	vm5 =	vlt.f32 v44, v5;
	v9 =	vadd.f32 v15, v9  }
0x113: {  	vm15 =	vlt.f32 v38, v3;
	v52 =	vld [tilespmem:$0x6E];
	v54 =	vsel vm5, $0x3F800000, v0;
	v1 =	vadd.f32 v45, v10  }
0x114: {  	v16 =	vsel vm15, $0x3F800000, v0;
	vm6 =	vlt.f32 v46, v5;
	v55 =	vadd.f32 v54, v9  }
0x115: {  	vm4 =	vlt.f32 v42, v3;
	v56 =	vsel vm6, $0x3F800000, v0;
	v1 =	vadd.f32 v16, v1  }
0x116: {  	vm11 =	vlt.f32 v57, v5;
	v53 =	vsel vm4, $0x3F800000, v0;
	v6 =	vadd.f32 v56, v55  }
0x117: {  	v58 =	vsel vm7, $0x3F800000, v0;
	vm8 =	vlt.f32 v50, v3;
	v1 =	vadd.f32 v53, v1  }
0x118: {  	v3 =	vadd.f32 v8, v7;
	vm10 =	vlt.f32 v52, v5;
	v60 =	vadd.f32 v59, v6  }
0x119: {  	vm12 =	vlt.f32 v2, $3.200000000e+01;
	v61 =	vsel vm10, $0x3F800000, v0;
	v1 =	vadd.f32 v58, v1  }
0x11a: {  	v62 =	vsel vm8, $0x3F800000, v0;
	v3 =	vadd.f32 v49, v3;
	v4 =	vadd.f32 v61, v60  }
0x11b: {  	v63 =	vsel vm11, $0x3F800000, v0;
	v2 =	vsel vm12, $0x3F800000, v0;
	v1 =	vadd.f32 v62, v1  }
0x11c: {  	v2 =	vtrunc.f32 v2;
	vm13 =	vlt.f32 v3, $3.200000000e+01;
	v4 =	vadd.f32 v63, v4  }
0x11d: {  	v2 =	vcvt.f32.s32 v2;
	v3 =	vsel vm13, $0x3F800000, v0;
	vm14 =	vlt.f32 v1, $3.200000000e+01  }
0x11e: {  	v1 =	vtrunc.f32 v3;
	v3 =	vsel vm14, $0x3F800000, v0;
	vm15 =	vlt.f32 v4, $3.200000000e+01  }
0x11f: {  	v1 =	vcvt.f32.s32 v1;
	v3 =	vtrunc.f32 v3;
	v4 =	vsel vm15, $0x3F800000, v0  }
0x120: {  	[tilespmem:$0x80] =	vst v2;
	v2 =	vcvt.f32.s32 v3;
	v3 =	vtrunc.f32 v4  }
0x121: {  	[tilespmem:$0x90] =	vst v1;
	v1 =	vcvt.f32.s32 v3  }
0x122: {  	p0 =	sne.s32 s5, $0x1;
	[tilespmem:$0xA0] =	vst v2  }
.Ltmp0:
0x123: {  	[tilespmem:$0xB0] =	vst v1;
	(pc) =	sbr.rel @p0 .LBB2_1-.Ltmp0, $4  }
0x124: {  	[hbm4b:s4+s2] =	stream.linear.scatter [tilespmem:s8], [sflag:$0x1], $0x40, $0x38;
	[tilespmem:$0x100] =	vst v63  }
0x125: {  	_ =	swait.ge [sflag:s6], $0x40  }
0x126: {  	[sflag:s6] =	ssyncset.done $0x0  }
0x127: {  	s5 =	sadd.s32 $0xFFFFFFFF, s5;
	[sflag:s6] =	ssyncadd.s32 $0xFFFFFFC0  }
0x128: {  	_ =	sfence.sel $0x180000  }
0x129: {  	[bflag:$0x0] =	sbarrier.arrive $0xFFFF  }
0x12a: {  	p0 =	sne.s32 s1, $0x0;
	_ =	strace $0x90000047  }
0x12b: {  	s0 =	sadd.s32 @!p0 $0x100000, s0;
	[bflag:$0x2] =	sbarrier.arrive $0xFFFF  }
0x12c: {  	[sflag:s0] =	ssyncadd.tile.s32 @!p0 $0x1;
	_ =	shalt  }
.Lfunc_end2:
_tile_overlayer_lowered:
.L_overlay_start_2:
0x12d: {  	(tag) =	ssettag $0x2  }
0x12e: {  	s0 =	rddreg [dreg:$0x0];
	s2 =	stileid.u32  }
0x12f: {  	s1 =	rddreg [dreg:$0x1];
	p0 =	sne.s32 s2, $0x0  }
0x130: {  	s3 =	rddreg [dreg:$0x2];
	[bflag:$0x3] =	sbarrier.arrive $0xFFFF;
	s2 =	simm.s32 @!p0 $0x1C01  }
0x131: {  	[timem:s3], [sflag:s2] =	dma.local @!p0 [hbm:s0], s1  }
0x132: {  	s0 =	simm.s32 @!p0 $0x1  }
0x133: {  	_ =	swait.ge @!p0 [sflag:s0], s1  }
0x134: {  	s1 =	ssub.s32 @!p0 $0x0, s1;
	[sflag:s0] =	ssyncset.done @!p0 $0x0  }
0x135: {  	[sflag:s0] =	ssyncadd.s32 @!p0 s1  }
0x136: {  	[bflag:$0x3] =	sbarrier.arrive $0xFFFF  }
0x137: {  	_ =	shalt  }

</sc_bundles>
